<compile_context>
chip_gen: v7x
topology: tpu7x:2x2x1
jax: 0.10.2.dev20260603
libtpu: 0.0.44.dev20260713+nightly
codegen_flags: <defaults>
</compile_context>

<pallas_src>
import functools

import jax
import jax.numpy as jnp
from jax import lax
from jax.experimental import pallas as pl
from jax.experimental.pallas import tpu as pltpu
from jax.experimental.pallas import tpu_sc as plsc

_NUM_CLASSES = 1000
_EMB = 128
_W = _EMB
_BATCH = 16384
_NC = 2
_NS = 16
_NW = _NC * _NS
_NB = _BATCH // _NW
_CH = 128
_K = _NB // _CH
_L = 16


def _rne_bf16_bits(x):
    u = lax.bitcast_convert_type(x, jnp.int32)
    lsb = lax.shift_right_logical(u, 16) & jnp.int32(1)
    return lax.shift_right_logical(u + jnp.int32(0x7FFF) + lsb, 16)


def _pack_body(x_ref, o_ref):
    x = x_ref[...]
    r = jnp.abs(x[:, _EMB:]) * 0.5
    cen = x[:, :_EMB] + r
    o_ref[...] = _rne_bf16_bits(cen) | lax.shift_left(
        _rne_bf16_bits(r), jnp.int32(16))


_pack_call = pl.pallas_call(
    _pack_body,
    out_shape=jax.ShapeDtypeStruct((_NUM_CLASSES, _W), jnp.int32),
)

_RPT = 64


def _tec_body(table, inp, out, idx0_f, idx1_f, shtab, cbuf, dbuf,
              accs, sums, sem0, sem1):
    wid = lax.axis_index("s") * _NC + lax.axis_index("c")
    base = wid * _NB
    sid = lax.axis_index("s")

    rstart = jnp.minimum(sid * _RPT, jnp.int32(_NUM_CLASSES - _RPT))
    pltpu.sync_copy(table.at[pl.ds(rstart, _RPT)], shtab.at[pl.ds(rstart, _RPT)])

    pltpu.sync_copy(inp.at[0, pl.ds(base, _NB)], idx0_f)
    pltpu.sync_copy(inp.at[1, pl.ds(base, _NB)], idx1_f)
    plsc.subcore_barrier()

    sems = (sem0, sem1)

    def start(k):
        slot = k % 2
        ch = pltpu.async_copy(
            shtab.at[idx0_f.at[pl.ds(k * _CH, _CH)]], cbuf.at[slot],
            sems[slot])
        dh = pltpu.async_copy(
            shtab.at[idx1_f.at[pl.ds(k * _CH, _CH)]], dbuf.at[slot],
            sems[slot])
        return ch, dh

    handles = [None] * _K
    handles[0] = start(0)
    for k in range(_K):
        slot = k % 2
        if k + 1 < _K:
            handles[k + 1] = start(k + 1)
        ch, dh = handles[k]
        ch.wait()
        dh.wait()

        def pair_body(p, carry, slot=slot):
            acc = jnp.zeros((_L,), jnp.float32)
            for j in range(_EMB // _L):
                w_c = cbuf[slot, p, pl.ds(j * _L, _L)]
                w_d = dbuf[slot, p, pl.ds(j * _L, _L)]
                b_c = plsc.bitcast(w_c, jnp.bfloat16)
                b_d = plsc.bitcast(w_d, jnp.bfloat16)
                e = b_c - b_d
                m = jnp.abs(e)
                mc, _unused = plsc.unpack(m, format=plsc.PackFormat.INTERLEAVED)
                _unused2, sr = plsc.unpack(e, format=plsc.PackFormat.INTERLEAVED)
                t = jnp.maximum(mc + sr, 0.0)
                acc = acc + t * t
            accs[p] = acc
            return carry

        lax.fori_loop(0, _CH, pair_body, 0)

        def red_body(g, carry, k=k):
            pvec = jnp.int32(g * _L) + lax.iota(jnp.int32, _L)
            tot = jnp.zeros((_L,), jnp.float32)
            for r in range(_L):
                tot = tot + plsc.load_gather(
                    accs, [pvec, jnp.full((_L,), r, jnp.int32)])
            sums[pl.ds(k * _CH + g * _L, _L)] = tot
            return carry

        lax.fori_loop(0, _CH // _L, red_body, 0)

    def sqrt_body(v, carry):
        x = sums[pl.ds(v * _L, _L)]
        i = lax.bitcast_convert_type(x, jnp.int32)
        y = lax.bitcast_convert_type(
            lax.shift_right_logical(i, 1) + jnp.int32(0x1FBD1DF6), jnp.float32)
        for _ in range(3):
            y = 0.5 * (y + x / y)
        sums[pl.ds(v * _L, _L)] = jnp.where(x > 0.0, y, 0.0)
        return carry

    lax.fori_loop(0, _NB // _L, sqrt_body, 0)

    pltpu.sync_copy(sums, out.at[pl.ds(base, _NB)])


_mesh = plsc.VectorSubcoreMesh(core_axis_name="c", subcore_axis_name="s")

_sc_call = functools.partial(
    pl.kernel,
    out_type=jax.ShapeDtypeStruct((_BATCH,), jnp.float32),
    mesh=_mesh,
    compiler_params=pltpu.CompilerParams(needs_layout_passes=False),
    scratch_types=[
        pltpu.VMEM((_NB,), jnp.int32),
        pltpu.VMEM((_NB,), jnp.int32),
        pltpu.VMEM_SHARED((_NUM_CLASSES, _W), jnp.int32),
        pltpu.VMEM((2, _CH, _W), jnp.int32),
        pltpu.VMEM((2, _CH, _W), jnp.int32),
        pltpu.VMEM((_CH, _L), jnp.float32),
        pltpu.VMEM((_NB,), jnp.float32),
        pltpu.SemaphoreType.DMA,
        pltpu.SemaphoreType.DMA,
    ],
)(_tec_body)


@jax.jit
def kernel(input, class_emb):
    table = _pack_call(class_emb)
    out = _sc_call(table, input.T)
    return out.reshape(_BATCH, 1)

# --- scband reference (transcript-rebuilt; emitter-appended) ---
"""Pipeline reference for scband-elbox2-ball-model-76965813945138 (READ-ONLY COPY).

The authoritative reference and input builder live on the scoring server;
editing this copy changes nothing except your own understanding.
"""

import jax, jax.numpy as jnp
import numpy as np

NUM_CLASSES = 1000
EMB = 128
BATCH = 16384
MARGIN = 0.0


def setup_inputs(seed: int = 0) -> dict:
    key = jax.random.key(seed)
    k1, k2 = jax.random.split(key)
    inp = jax.random.randint(k1, (BATCH, 2), 0, NUM_CLASSES, dtype=jnp.int32)
    # class embedding table: uniform(-1, 1), then row-normalized (as in __init__)
    w = jax.random.uniform(k2, (NUM_CLASSES, 2 * EMB), minval=-1.0, maxval=1.0, dtype=jnp.float32)
    w = w / jnp.linalg.norm(w, axis=1, keepdims=True)
    return {"input": inp, "class_emb": w}


def reference(input, class_emb):
    # Faithful translation of ELBox2BallModel.nf1Loss (the embedding-lookup forward path).
    c = jnp.take(class_emb, input[:, 0], axis=0)
    d = jnp.take(class_emb, input[:, 1], axis=0)
    c1 = c[:, :EMB]
    d1 = d[:, :EMB]
    c2 = jnp.abs(c[:, EMB:])
    d2 = jnp.abs(d[:, EMB:])
    cr = jnp.abs(c2) / 2
    dr = jnp.abs(d2) / 2
    margin = jnp.ones_like(d1) * MARGIN
    zeros = jnp.zeros_like(d1)
    cen1 = c1 + cr
    cen2 = d1 + dr
    euc = jnp.abs(cen1 - cen2)
    dst = jnp.reshape(jnp.linalg.norm(jnp.maximum(euc + cr - dr + margin, zeros), axis=1), (-1, 1))
    out = (dst
           + jnp.reshape(jnp.linalg.norm(jnp.maximum(MARGIN - cr, zeros), axis=1), (-1, 1))
           + jnp.reshape(jnp.linalg.norm(jnp.maximum(MARGIN - dr, zeros), axis=1), (-1, 1)))
    return out

if __name__ == "__main__":
    import jax
    _d = setup_inputs()
    print(jax.jit(kernel)(*tuple(_d.values())))

</pallas_src>

<mosaic_0001>
#map = affine_map<(d0, d1) -> (0, 0)>
#map1 = affine_map<(d0, d1) -> (0)>
module attributes {stable_mosaic.version = 14 : i64} {
  func.func @_tec_body(%arg0: i32, %arg1: i32, %arg2: memref<1000x128xi32, #tpu.memory_space<hbm>>, %arg3: memref<2x16384xi32, #tpu.memory_space<hbm>>, %arg4: memref<16384xf32, #tpu.memory_space<hbm>>, %arg5: memref<512xi32, #tpu.memory_space<vmem>>, %arg6: memref<512xi32, #tpu.memory_space<vmem>>, %arg7: memref<1000x128xi32, #tpu.memory_space<vmem_shared>>, %arg8: memref<2x128x128xi32, #tpu.memory_space<vmem>>, %arg9: memref<2x128x128xi32, #tpu.memory_space<vmem>>, %arg10: memref<128x16xf32, #tpu.memory_space<vmem>>, %arg11: memref<512xf32, #tpu.memory_space<vmem>>, %arg12: memref<!tpu.dma_semaphore, #tpu.memory_space<semaphore_mem>>, %arg13: memref<!tpu.dma_semaphore, #tpu.memory_space<semaphore_mem>>) attributes {dimension_semantics = [#tpu.dimension_semantics<core_parallel>, #tpu.dimension_semantics<subcore_parallel>], iteration_bounds = array<i64: 2, 16>, scalar_prefetch = 0 : i64, scratch_operands = 9 : i64, tpu.core_type = #tpu.core_type<sc_vector_subcore>, window_params = [{transform_indices = #map}, {transform_indices = #map}, {transform_indices = #map1}]} {
    %mul3A = arith.constant 2 : i32
    %mul3A_0 = arith.muli %arg1, %mul3A : i32
    %add3A = arith.addi %mul3A_0, %arg0 : i32
    %mul3A_1 = arith.constant 512 : i32
    %mul3A_2 = arith.muli %add3A, %mul3A_1 : i32
    %mul3A_3 = arith.constant 64 : i32
    %mul3A_4 = arith.muli %arg1, %mul3A_3 : i32
    %min3A = arith.constant 936 : i32
    %min3A_5 = arith.minsi %mul3A_4, %min3A : i32
    "tpu.region"() ({
      %run_scoped3A_218 = tpu.sem_alloc : memref<!tpu.dma_semaphore, #tpu.memory_space<semaphore_mem>>
      %dma_start3A_219 = arith.constant 0 : i32
      %dma_start3A_220 = tpu.memref_slice %arg7[%min3A_5, %dma_start3A_219] : memref<1000x128xi32, #tpu.memory_space<vmem_shared>> -> memref<64x128xi32, #tpu.memory_space<vmem_shared>>
      %dma_start3A_221 = arith.constant 0 : i32
      %dma_start3A_222 = tpu.memref_slice %arg2[%min3A_5, %dma_start3A_221] : memref<1000x128xi32, #tpu.memory_space<hbm>> -> memref<64x128xi32, #tpu.memory_space<hbm>>
      tpu.enqueue_dma source(%dma_start3A_222 : memref<64x128xi32, #tpu.memory_space<hbm>>) target(%dma_start3A_220 : memref<64x128xi32, #tpu.memory_space<vmem_shared>>) target_semaphore(%run_scoped3A_218 : memref<!tpu.dma_semaphore, #tpu.memory_space<semaphore_mem>>)
      %dma_wait3A_223 = arith.constant 0 : i32
      %dma_wait3A_224 = tpu.memref_slice %arg7[%min3A_5, %dma_wait3A_223] : memref<1000x128xi32, #tpu.memory_space<vmem_shared>> -> memref<64x128xi32, #tpu.memory_space<vmem_shared>>
      %dma_wait3A_225 = arith.constant 0 : i32
      %dma_wait3A_226 = tpu.memref_slice %arg2[%min3A_5, %dma_wait3A_225] : memref<1000x128xi32, #tpu.memory_space<hbm>> -> memref<64x128xi32, #tpu.memory_space<hbm>>
      tpu.wait_dma2 semaphore(%run_scoped3A_218 : memref<!tpu.dma_semaphore, #tpu.memory_space<semaphore_mem>>) src(%dma_wait3A_226 : memref<64x128xi32, #tpu.memory_space<hbm>>) dst(%dma_wait3A_224 : memref<64x128xi32, #tpu.memory_space<vmem_shared>>)
      tpu.yield
    }) : () -> ()
    %run_scoped3A = arith.constant 0 : i32
    "tpu.region"() ({
      %run_scoped3A_218 = tpu.sem_alloc : memref<!tpu.dma_semaphore, #tpu.memory_space<semaphore_mem>>
      %dma_start3A_219 = tpu.memref_slice %arg3[%run_scoped3A, %mul3A_2] : memref<2x16384xi32, #tpu.memory_space<hbm>> -> memref<1x512xi32, #tpu.memory_space<hbm>>
      %dma_start3A_220 = tpu.memref_squeeze %dma_start3A_219 : memref<1x512xi32, #tpu.memory_space<hbm>> -> memref<512xi32, #tpu.memory_space<hbm>>
      %dma_start3A_221 = tpu.memref_slice %arg3[%run_scoped3A, %mul3A_2] : memref<2x16384xi32, #tpu.memory_space<hbm>> -> memref<1x512xi32, #tpu.memory_space<hbm>>
      %dma_start3A_222 = tpu.memref_squeeze %dma_start3A_221 : memref<1x512xi32, #tpu.memory_space<hbm>> -> memref<512xi32, #tpu.memory_space<hbm>>
      tpu.enqueue_dma source(%dma_start3A_222 : memref<512xi32, #tpu.memory_space<hbm>>) target(%arg5 : memref<512xi32, #tpu.memory_space<vmem>>) target_semaphore(%run_scoped3A_218 : memref<!tpu.dma_semaphore, #tpu.memory_space<semaphore_mem>>)
      %dma_wait3A_223 = tpu.memref_slice %arg3[%run_scoped3A, %mul3A_2] : memref<2x16384xi32, #tpu.memory_space<hbm>> -> memref<1x512xi32, #tpu.memory_space<hbm>>
      %dma_wait3A_224 = tpu.memref_squeeze %dma_wait3A_223 : memref<1x512xi32, #tpu.memory_space<hbm>> -> memref<512xi32, #tpu.memory_space<hbm>>
      %dma_wait3A_225 = tpu.memref_slice %arg3[%run_scoped3A, %mul3A_2] : memref<2x16384xi32, #tpu.memory_space<hbm>> -> memref<1x512xi32, #tpu.memory_space<hbm>>
      %dma_wait3A_226 = tpu.memref_squeeze %dma_wait3A_225 : memref<1x512xi32, #tpu.memory_space<hbm>> -> memref<512xi32, #tpu.memory_space<hbm>>
      tpu.wait_dma2 semaphore(%run_scoped3A_218 : memref<!tpu.dma_semaphore, #tpu.memory_space<semaphore_mem>>) src(%dma_wait3A_226 : memref<512xi32, #tpu.memory_space<hbm>>) dst(%arg5 : memref<512xi32, #tpu.memory_space<vmem>>)
      tpu.yield
    }) : () -> ()
    %run_scoped3A_6 = arith.constant 1 : i32
    "tpu.region"() ({
      %run_scoped3A_218 = tpu.sem_alloc : memref<!tpu.dma_semaphore, #tpu.memory_space<semaphore_mem>>
      %dma_start3A_219 = tpu.memref_slice %arg3[%run_scoped3A_6, %mul3A_2] : memref<2x16384xi32, #tpu.memory_space<hbm>> -> memref<1x512xi32, #tpu.memory_space<hbm>>
      %dma_start3A_220 = tpu.memref_squeeze %dma_start3A_219 : memref<1x512xi32, #tpu.memory_space<hbm>> -> memref<512xi32, #tpu.memory_space<hbm>>
      %dma_start3A_221 = tpu.memref_slice %arg3[%run_scoped3A_6, %mul3A_2] : memref<2x16384xi32, #tpu.memory_space<hbm>> -> memref<1x512xi32, #tpu.memory_space<hbm>>
      %dma_start3A_222 = tpu.memref_squeeze %dma_start3A_221 : memref<1x512xi32, #tpu.memory_space<hbm>> -> memref<512xi32, #tpu.memory_space<hbm>>
      tpu.enqueue_dma source(%dma_start3A_222 : memref<512xi32, #tpu.memory_space<hbm>>) target(%arg6 : memref<512xi32, #tpu.memory_space<vmem>>) target_semaphore(%run_scoped3A_218 : memref<!tpu.dma_semaphore, #tpu.memory_space<semaphore_mem>>)
      %dma_wait3A_223 = tpu.memref_slice %arg3[%run_scoped3A_6, %mul3A_2] : memref<2x16384xi32, #tpu.memory_space<hbm>> -> memref<1x512xi32, #tpu.memory_space<hbm>>
      %dma_wait3A_224 = tpu.memref_squeeze %dma_wait3A_223 : memref<1x512xi32, #tpu.memory_space<hbm>> -> memref<512xi32, #tpu.memory_space<hbm>>
      %dma_wait3A_225 = tpu.memref_slice %arg3[%run_scoped3A_6, %mul3A_2] : memref<2x16384xi32, #tpu.memory_space<hbm>> -> memref<1x512xi32, #tpu.memory_space<hbm>>
      %dma_wait3A_226 = tpu.memref_squeeze %dma_wait3A_225 : memref<1x512xi32, #tpu.memory_space<hbm>> -> memref<512xi32, #tpu.memory_space<hbm>>
      tpu.wait_dma2 semaphore(%run_scoped3A_218 : memref<!tpu.dma_semaphore, #tpu.memory_space<semaphore_mem>>) src(%dma_wait3A_226 : memref<512xi32, #tpu.memory_space<hbm>>) dst(%arg6 : memref<512xi32, #tpu.memory_space<vmem>>)
      tpu.yield
    }) : () -> ()
    %barrier3A = arith.constant 0 : index
    tpu.barrier barrier_id(%barrier3A)
    %dma_start3A = arith.constant 0 : i32
    %dma_start3A_7 = arith.constant 0 : i32
    %dma_start3A_8 = arith.constant 0 : i32
    %dma_start3A_9 = tpu.memref_slice %arg8[%dma_start3A, %dma_start3A_7, %dma_start3A_8] : memref<2x128x128xi32, #tpu.memory_space<vmem>> -> memref<1x128x128xi32, #tpu.memory_space<vmem>>
    %dma_start3A_10 = tpu.memref_squeeze %dma_start3A_9 : memref<1x128x128xi32, #tpu.memory_space<vmem>> -> memref<128x128xi32, #tpu.memory_space<vmem>>
    %dma_start3A_11 = arith.constant 0 : i32
    %dma_start3A_12 = tpu.memref_slice %arg5[%dma_start3A_11] : memref<512xi32, #tpu.memory_space<vmem>> -> memref<128xi32, #tpu.memory_space<vmem>>
    %dma_start3A_13 = arith.constant 0 : i32
    %dma_start3A_14 = arith.constant 0 : i32
    %dma_start3A_15 = tpu.memref_slice %arg7[%dma_start3A_13, %dma_start3A_14] : memref<1000x128xi32, #tpu.memory_space<vmem_shared>> -> memref<1000x128xi32, #tpu.memory_space<vmem_shared>>
    tpu.enqueue_indirect_dma source(%dma_start3A_15 : memref<1000x128xi32, #tpu.memory_space<vmem_shared>>) target(%dma_start3A_10 : memref<128x128xi32, #tpu.memory_space<vmem>>) offsets(%dma_start3A_12 : memref<128xi32, #tpu.memory_space<vmem>>) semaphore(%arg12 : memref<!tpu.dma_semaphore, #tpu.memory_space<semaphore_mem>>)
    %dma_start3A_16 = arith.constant 0 : i32
    %dma_start3A_17 = arith.constant 0 : i32
    %dma_start3A_18 = arith.constant 0 : i32
    %dma_start3A_19 = tpu.memref_slice %arg9[%dma_start3A_16, %dma_start3A_17, %dma_start3A_18] : memref<2x128x128xi32, #tpu.memory_space<vmem>> -> memref<1x128x128xi32, #tpu.memory_space<vmem>>
    %dma_start3A_20 = tpu.memref_squeeze %dma_start3A_19 : memref<1x128x128xi32, #tpu.memory_space<vmem>> -> memref<128x128xi32, #tpu.memory_space<vmem>>
    %dma_start3A_21 = arith.constant 0 : i32
    %dma_start3A_22 = tpu.memref_slice %arg6[%dma_start3A_21] : memref<512xi32, #tpu.memory_space<vmem>> -> memref<128xi32, #tpu.memory_space<vmem>>
    %dma_start3A_23 = arith.constant 0 : i32
    %dma_start3A_24 = arith.constant 0 : i32
    %dma_start3A_25 = tpu.memref_slice %arg7[%dma_start3A_23, %dma_start3A_24] : memref<1000x128xi32, #tpu.memory_space<vmem_shared>> -> memref<1000x128xi32, #tpu.memory_space<vmem_shared>>
    tpu.enqueue_indirect_dma source(%dma_start3A_25 : memref<1000x128xi32, #tpu.memory_space<vmem_shared>>) target(%dma_start3A_20 : memref<128x128xi32, #tpu.memory_space<vmem>>) offsets(%dma_start3A_22 : memref<128xi32, #tpu.memory_space<vmem>>) semaphore(%arg12 : memref<!tpu.dma_semaphore, #tpu.memory_space<semaphore_mem>>)
    %dma_start3A_26 = arith.constant 1 : i32
    %dma_start3A_27 = arith.constant 0 : i32
    %dma_start3A_28 = arith.constant 0 : i32
    %dma_start3A_29 = tpu.memref_slice %arg8[%dma_start3A_26, %dma_start3A_27, %dma_start3A_28] : memref<2x128x128xi32, #tpu.memory_space<vmem>> -> memref<1x128x128xi32, #tpu.memory_space<vmem>>
    %dma_start3A_30 = tpu.memref_squeeze %dma_start3A_29 : memref<1x128x128xi32, #tpu.memory_space<vmem>> -> memref<128x128xi32, #tpu.memory_space<vmem>>
    %dma_start3A_31 = arith.constant 128 : i32
    %dma_start3A_32 = tpu.memref_slice %arg5[%dma_start3A_31] : memref<512xi32, #tpu.memory_space<vmem>> -> memref<128xi32, #tpu.memory_space<vmem>>
    %dma_start3A_33 = arith.constant 0 : i32
    %dma_start3A_34 = arith.constant 0 : i32
    %dma_start3A_35 = tpu.memref_slice %arg7[%dma_start3A_33, %dma_start3A_34] : memref<1000x128xi32, #tpu.memory_space<vmem_shared>> -> memref<1000x128xi32, #tpu.memory_space<vmem_shared>>
    tpu.enqueue_indirect_dma source(%dma_start3A_35 : memref<1000x128xi32, #tpu.memory_space<vmem_shared>>) target(%dma_start3A_30 : memref<128x128xi32, #tpu.memory_space<vmem>>) offsets(%dma_start3A_32 : memref<128xi32, #tpu.memory_space<vmem>>) semaphore(%arg13 : memref<!tpu.dma_semaphore, #tpu.memory_space<semaphore_mem>>)
    %dma_start3A_36 = arith.constant 1 : i32
    %dma_start3A_37 = arith.constant 0 : i32
    %dma_start3A_38 = arith.constant 0 : i32
    %dma_start3A_39 = tpu.memref_slice %arg9[%dma_start3A_36, %dma_start3A_37, %dma_start3A_38] : memref<2x128x128xi32, #tpu.memory_space<vmem>> -> memref<1x128x128xi32, #tpu.memory_space<vmem>>
    %dma_start3A_40 = tpu.memref_squeeze %dma_start3A_39 : memref<1x128x128xi32, #tpu.memory_space<vmem>> -> memref<128x128xi32, #tpu.memory_space<vmem>>
    %dma_start3A_41 = arith.constant 128 : i32
    %dma_start3A_42 = tpu.memref_slice %arg6[%dma_start3A_41] : memref<512xi32, #tpu.memory_space<vmem>> -> memref<128xi32, #tpu.memory_space<vmem>>
    %dma_start3A_43 = arith.constant 0 : i32
    %dma_start3A_44 = arith.constant 0 : i32
    %dma_start3A_45 = tpu.memref_slice %arg7[%dma_start3A_43, %dma_start3A_44] : memref<1000x128xi32, #tpu.memory_space<vmem_shared>> -> memref<1000x128xi32, #tpu.memory_space<vmem_shared>>
    tpu.enqueue_indirect_dma source(%dma_start3A_45 : memref<1000x128xi32, #tpu.memory_space<vmem_shared>>) target(%dma_start3A_40 : memref<128x128xi32, #tpu.memory_space<vmem>>) offsets(%dma_start3A_42 : memref<128xi32, #tpu.memory_space<vmem>>) semaphore(%arg13 : memref<!tpu.dma_semaphore, #tpu.memory_space<semaphore_mem>>)
    %dma_wait3A = arith.constant 0 : i32
    %dma_wait3A_46 = arith.constant 0 : i32
    %dma_wait3A_47 = arith.constant 0 : i32
    %dma_wait3A_48 = tpu.memref_slice %arg8[%dma_wait3A, %dma_wait3A_46, %dma_wait3A_47] : memref<2x128x128xi32, #tpu.memory_space<vmem>> -> memref<1x128x128xi32, #tpu.memory_space<vmem>>
    %dma_wait3A_49 = tpu.memref_squeeze %dma_wait3A_48 : memref<1x128x128xi32, #tpu.memory_space<vmem>> -> memref<128x128xi32, #tpu.memory_space<vmem>>
    %dma_wait3A_50 = arith.constant 0 : i32
    %dma_wait3A_51 = tpu.memref_slice %arg5[%dma_wait3A_50] : memref<512xi32, #tpu.memory_space<vmem>> -> memref<128xi32, #tpu.memory_space<vmem>>
    %dma_wait3A_52 = arith.constant 0 : i32
    %dma_wait3A_53 = arith.constant 0 : i32
    %dma_wait3A_54 = tpu.memref_slice %arg7[%dma_wait3A_52, %dma_wait3A_53] : memref<1000x128xi32, #tpu.memory_space<vmem_shared>> -> memref<1000x128xi32, #tpu.memory_space<vmem_shared>>
    tpu.wait_indirect_dma semaphore(%arg12 : memref<!tpu.dma_semaphore, #tpu.memory_space<semaphore_mem>>) src(%dma_wait3A_54 : memref<1000x128xi32, #tpu.memory_space<vmem_shared>>) dst(%dma_wait3A_49 : memref<128x128xi32, #tpu.memory_space<vmem>>)
    %dma_wait3A_55 = arith.constant 0 : i32
    %dma_wait3A_56 = arith.constant 0 : i32
    %dma_wait3A_57 = arith.constant 0 : i32
    %dma_wait3A_58 = tpu.memref_slice %arg9[%dma_wait3A_55, %dma_wait3A_56, %dma_wait3A_57] : memref<2x128x128xi32, #tpu.memory_space<vmem>> -> memref<1x128x128xi32, #tpu.memory_space<vmem>>
    %dma_wait3A_59 = tpu.memref_squeeze %dma_wait3A_58 : memref<1x128x128xi32, #tpu.memory_space<vmem>> -> memref<128x128xi32, #tpu.memory_space<vmem>>
    %dma_wait3A_60 = arith.constant 0 : i32
    %dma_wait3A_61 = tpu.memref_slice %arg6[%dma_wait3A_60] : memref<512xi32, #tpu.memory_space<vmem>> -> memref<128xi32, #tpu.memory_space<vmem>>
    %dma_wait3A_62 = arith.constant 0 : i32
    %dma_wait3A_63 = arith.constant 0 : i32
    %dma_wait3A_64 = tpu.memref_slice %arg7[%dma_wait3A_62, %dma_wait3A_63] : memref<1000x128xi32, #tpu.memory_space<vmem_shared>> -> memref<1000x128xi32, #tpu.memory_space<vmem_shared>>
    tpu.wait_indirect_dma semaphore(%arg12 : memref<!tpu.dma_semaphore, #tpu.memory_space<semaphore_mem>>) src(%dma_wait3A_64 : memref<1000x128xi32, #tpu.memory_space<vmem_shared>>) dst(%dma_wait3A_59 : memref<128x128xi32, #tpu.memory_space<vmem>>)
    %scan3A = arith.constant 0 : i32
    %scan3A_65 = arith.constant 0 : i32
    %scan3A_66 = arith.constant 128 : i32
    %scan3A_67 = arith.addi %scan3A_65, %scan3A_66 : i32
    %scan3A_68 = arith.constant 1 : i32
    scf.for %scan3A_218 = %scan3A_65 to %scan3A_67 step %scan3A_68  : i32 {
      %broadcast_in_dim3A = arith.constant 0.000000e+00 : f32
      %broadcast_in_dim3A_219 = vector.broadcast %broadcast_in_dim3A : f32 to vector<16xf32>
      %get3A = arith.constant 0 : i32
      %get3A_220 = arith.index_cast %get3A : i32 to index
      %get3A_221 = arith.index_cast %scan3A_218 : i32 to index
      %get3A_222 = arith.constant 0 : index
      %get3A_223 = tpu.vector_load %arg8[%get3A_220, %get3A_221, %get3A_222] {strides = array<i32>} : memref<2x128x128xi32, #tpu.memory_space<vmem>>, vector<16xi32>,
      %get3A_224 = arith.constant 0 : i32
      %get3A_225 = arith.index_cast %get3A_224 : i32 to index
      %get3A_226 = arith.index_cast %scan3A_218 : i32 to index
      %get3A_227 = arith.constant 0 : index
      %get3A_228 = tpu.vector_load %arg9[%get3A_225, %get3A_226, %get3A_227] {strides = array<i32>} : memref<2x128x128xi32, #tpu.memory_space<vmem>>, vector<16xi32>,
      %bitcast3A = vector.bitcast %get3A_223 : vector<16xi32> to vector<32xbf16>
      %bitcast3A_229 = vector.bitcast %get3A_228 : vector<16xi32> to vector<32xbf16>
      %sub3A = arith.subf %bitcast3A, %bitcast3A_229 : vector<32xbf16>
      %abs3A = math.absf %sub3A : vector<32xbf16>
      %unpack3A = tpu.unpack_subelements %abs3A, 0 {pack_format = #tpu.pack_format<interleaved>} : vector<32xbf16> -> vector<16xf32>
      %unpack3A_230 = tpu.unpack_subelements %abs3A, 1 {pack_format = #tpu.pack_format<interleaved>} : vector<32xbf16> -> vector<16xf32>
      %unpack3A_231 = tpu.unpack_subelements %sub3A, 0 {pack_format = #tpu.pack_format<interleaved>} : vector<32xbf16> -> vector<16xf32>
      %unpack3A_232 = tpu.unpack_subelements %sub3A, 1 {pack_format = #tpu.pack_format<interleaved>} : vector<32xbf16> -> vector<16xf32>
      %add3A_233 = arith.addf %unpack3A, %unpack3A_232 : vector<16xf32>
      %max3A = arith.constant 0.000000e+00 : f32
      %max3A_234 = vector.broadcast %max3A : f32 to vector<16xf32>
      %max3A_235 = arith.maximumf %add3A_233, %max3A_234 : vector<16xf32>
      %mul3A_236 = arith.mulf %max3A_235, %max3A_235 : vector<16xf32>
      %add3A_237 = arith.addf %broadcast_in_dim3A_219, %mul3A_236 : vector<16xf32>
      %get3A_238 = arith.constant 0 : i32
      %get3A_239 = arith.index_cast %get3A_238 : i32 to index
      %get3A_240 = arith.index_cast %scan3A_218 : i32 to index
      %get3A_241 = arith.constant 16 : index
      %get3A_242 = tpu.vector_load %arg8[%get3A_239, %get3A_240, %get3A_241] {strides = array<i32>} : memref<2x128x128xi32, #tpu.memory_space<vmem>>, vector<16xi32>,
      %get3A_243 = arith.constant 0 : i32
      %get3A_244 = arith.index_cast %get3A_243 : i32 to index
      %get3A_245 = arith.index_cast %scan3A_218 : i32 to index
      %get3A_246 = arith.constant 16 : index
      %get3A_247 = tpu.vector_load %arg9[%get3A_244, %get3A_245, %get3A_246] {strides = array<i32>} : memref<2x128x128xi32, #tpu.memory_space<vmem>>, vector<16xi32>,
      %bitcast3A_248 = vector.bitcast %get3A_242 : vector<16xi32> to vector<32xbf16>
      %bitcast3A_249 = vector.bitcast %get3A_247 : vector<16xi32> to vector<32xbf16>
      %sub3A_250 = arith.subf %bitcast3A_248, %bitcast3A_249 : vector<32xbf16>
      %abs3A_251 = math.absf %sub3A_250 : vector<32xbf16>
      %unpack3A_252 = tpu.unpack_subelements %abs3A_251, 0 {pack_format = #tpu.pack_format<interleaved>} : vector<32xbf16> -> vector<16xf32>
      %unpack3A_253 = tpu.unpack_subelements %abs3A_251, 1 {pack_format = #tpu.pack_format<interleaved>} : vector<32xbf16> -> vector<16xf32>
      %unpack3A_254 = tpu.unpack_subelements %sub3A_250, 0 {pack_format = #tpu.pack_format<interleaved>} : vector<32xbf16> -> vector<16xf32>
      %unpack3A_255 = tpu.unpack_subelements %sub3A_250, 1 {pack_format = #tpu.pack_format<interleaved>} : vector<32xbf16> -> vector<16xf32>
      %add3A_256 = arith.addf %unpack3A_252, %unpack3A_255 : vector<16xf32>
      %max3A_257 = arith.constant 0.000000e+00 : f32
      %max3A_258 = vector.broadcast %max3A_257 : f32 to vector<16xf32>
      %max3A_259 = arith.maximumf %add3A_256, %max3A_258 : vector<16xf32>
      %mul3A_260 = arith.mulf %max3A_259, %max3A_259 : vector<16xf32>
      %add3A_261 = arith.addf %add3A_237, %mul3A_260 : vector<16xf32>
      %get3A_262 = arith.constant 0 : i32
      %get3A_263 = arith.index_cast %get3A_262 : i32 to index
      %get3A_264 = arith.index_cast %scan3A_218 : i32 to index
      %get3A_265 = arith.constant 32 : index
      %get3A_266 = tpu.vector_load %arg8[%get3A_263, %get3A_264, %get3A_265] {strides = array<i32>} : memref<2x128x128xi32, #tpu.memory_space<vmem>>, vector<16xi32>,
      %get3A_267 = arith.constant 0 : i32
      %get3A_268 = arith.index_cast %get3A_267 : i32 to index
      %get3A_269 = arith.index_cast %scan3A_218 : i32 to index
      %get3A_270 = arith.constant 32 : index
      %get3A_271 = tpu.vector_load %arg9[%get3A_268, %get3A_269, %get3A_270] {strides = array<i32>} : memref<2x128x128xi32, #tpu.memory_space<vmem>>, vector<16xi32>,
      %bitcast3A_272 = vector.bitcast %get3A_266 : vector<16xi32> to vector<32xbf16>
      %bitcast3A_273 = vector.bitcast %get3A_271 : vector<16xi32> to vector<32xbf16>
      %sub3A_274 = arith.subf %bitcast3A_272, %bitcast3A_273 : vector<32xbf16>
      %abs3A_275 = math.absf %sub3A_274 : vector<32xbf16>
      %unpack3A_276 = tpu.unpack_subelements %abs3A_275, 0 {pack_format = #tpu.pack_format<interleaved>} : vector<32xbf16> -> vector<16xf32>
      %unpack3A_277 = tpu.unpack_subelements %abs3A_275, 1 {pack_format = #tpu.pack_format<interleaved>} : vector<32xbf16> -> vector<16xf32>
      %unpack3A_278 = tpu.unpack_subelements %sub3A_274, 0 {pack_format = #tpu.pack_format<interleaved>} : vector<32xbf16> -> vector<16xf32>
      %unpack3A_279 = tpu.unpack_subelements %sub3A_274, 1 {pack_format = #tpu.pack_format<interleaved>} : vector<32xbf16> -> vector<16xf32>
      %add3A_280 = arith.addf %unpack3A_276, %unpack3A_279 : vector<16xf32>
      %max3A_281 = arith.constant 0.000000e+00 : f32
      %max3A_282 = vector.broadcast %max3A_281 : f32 to vector<16xf32>
      %max3A_283 = arith.maximumf %add3A_280, %max3A_282 : vector<16xf32>
      %mul3A_284 = arith.mulf %max3A_283, %max3A_283 : vector<16xf32>
      %add3A_285 = arith.addf %add3A_261, %mul3A_284 : vector<16xf32>
      %get3A_286 = arith.constant 0 : i32
      %get3A_287 = arith.index_cast %get3A_286 : i32 to index
      %get3A_288 = arith.index_cast %scan3A_218 : i32 to index
      %get3A_289 = arith.constant 48 : index
      %get3A_290 = tpu.vector_load %arg8[%get3A_287, %get3A_288, %get3A_289] {strides = array<i32>} : memref<2x128x128xi32, #tpu.memory_space<vmem>>, vector<16xi32>,
      %get3A_291 = arith.constant 0 : i32
      %get3A_292 = arith.index_cast %get3A_291 : i32 to index
      %get3A_293 = arith.index_cast %scan3A_218 : i32 to index
      %get3A_294 = arith.constant 48 : index
      %get3A_295 = tpu.vector_load %arg9[%get3A_292, %get3A_293, %get3A_294] {strides = array<i32>} : memref<2x128x128xi32, #tpu.memory_space<vmem>>, vector<16xi32>,
      %bitcast3A_296 = vector.bitcast %get3A_290 : vector<16xi32> to vector<32xbf16>
      %bitcast3A_297 = vector.bitcast %get3A_295 : vector<16xi32> to vector<32xbf16>
      %sub3A_298 = arith.subf %bitcast3A_296, %bitcast3A_297 : vector<32xbf16>
      %abs3A_299 = math.absf %sub3A_298 : vector<32xbf16>
      %unpack3A_300 = tpu.unpack_subelements %abs3A_299, 0 {pack_format = #tpu.pack_format<interleaved>} : vector<32xbf16> -> vector<16xf32>
      %unpack3A_301 = tpu.unpack_subelements %abs3A_299, 1 {pack_format = #tpu.pack_format<interleaved>} : vector<32xbf16> -> vector<16xf32>
      %unpack3A_302 = tpu.unpack_subelements %sub3A_298, 0 {pack_format = #tpu.pack_format<interleaved>} : vector<32xbf16> -> vector<16xf32>
      %unpack3A_303 = tpu.unpack_subelements %sub3A_298, 1 {pack_format = #tpu.pack_format<interleaved>} : vector<32xbf16> -> vector<16xf32>
      %add3A_304 = arith.addf %unpack3A_300, %unpack3A_303 : vector<16xf32>
      %max3A_305 = arith.constant 0.000000e+00 : f32
      %max3A_306 = vector.broadcast %max3A_305 : f32 to vector<16xf32>
      %max3A_307 = arith.maximumf %add3A_304, %max3A_306 : vector<16xf32>
      %mul3A_308 = arith.mulf %max3A_307, %max3A_307 : vector<16xf32>
      %add3A_309 = arith.addf %add3A_285, %mul3A_308 : vector<16xf32>
      %get3A_310 = arith.constant 0 : i32
      %get3A_311 = arith.index_cast %get3A_310 : i32 to index
      %get3A_312 = arith.index_cast %scan3A_218 : i32 to index
      %get3A_313 = arith.constant 64 : index
      %get3A_314 = tpu.vector_load %arg8[%get3A_311, %get3A_312, %get3A_313] {strides = array<i32>} : memref<2x128x128xi32, #tpu.memory_space<vmem>>, vector<16xi32>,
      %get3A_315 = arith.constant 0 : i32
      %get3A_316 = arith.index_cast %get3A_315 : i32 to index
      %get3A_317 = arith.index_cast %scan3A_218 : i32 to index
      %get3A_318 = arith.constant 64 : index
      %get3A_319 = tpu.vector_load %arg9[%get3A_316, %get3A_317, %get3A_318] {strides = array<i32>} : memref<2x128x128xi32, #tpu.memory_space<vmem>>, vector<16xi32>,
      %bitcast3A_320 = vector.bitcast %get3A_314 : vector<16xi32> to vector<32xbf16>
      %bitcast3A_321 = vector.bitcast %get3A_319 : vector<16xi32> to vector<32xbf16>
      %sub3A_322 = arith.subf %bitcast3A_320, %bitcast3A_321 : vector<32xbf16>
      %abs3A_323 = math.absf %sub3A_322 : vector<32xbf16>
      %unpack3A_324 = tpu.unpack_subelements %abs3A_323, 0 {pack_format = #tpu.pack_format<interleaved>} : vector<32xbf16> -> vector<16xf32>
      %unpack3A_325 = tpu.unpack_subelements %abs3A_323, 1 {pack_format = #tpu.pack_format<interleaved>} : vector<32xbf16> -> vector<16xf32>
      %unpack3A_326 = tpu.unpack_subelements %sub3A_322, 0 {pack_format = #tpu.pack_format<interleaved>} : vector<32xbf16> -> vector<16xf32>
      %unpack3A_327 = tpu.unpack_subelements %sub3A_322, 1 {pack_format = #tpu.pack_format<interleaved>} : vector<32xbf16> -> vector<16xf32>
      %add3A_328 = arith.addf %unpack3A_324, %unpack3A_327 : vector<16xf32>
      %max3A_329 = arith.constant 0.000000e+00 : f32
      %max3A_330 = vector.broadcast %max3A_329 : f32 to vector<16xf32>
      %max3A_331 = arith.maximumf %add3A_328, %max3A_330 : vector<16xf32>
      %mul3A_332 = arith.mulf %max3A_331, %max3A_331 : vector<16xf32>
      %add3A_333 = arith.addf %add3A_309, %mul3A_332 : vector<16xf32>
      %get3A_334 = arith.constant 0 : i32
      %get3A_335 = arith.index_cast %get3A_334 : i32 to index
      %get3A_336 = arith.index_cast %scan3A_218 : i32 to index
      %get3A_337 = arith.constant 80 : index
      %get3A_338 = tpu.vector_load %arg8[%get3A_335, %get3A_336, %get3A_337] {strides = array<i32>} : memref<2x128x128xi32, #tpu.memory_space<vmem>>, vector<16xi32>,
      %get3A_339 = arith.constant 0 : i32
      %get3A_340 = arith.index_cast %get3A_339 : i32 to index
      %get3A_341 = arith.index_cast %scan3A_218 : i32 to index
      %get3A_342 = arith.constant 80 : index
      %get3A_343 = tpu.vector_load %arg9[%get3A_340, %get3A_341, %get3A_342] {strides = array<i32>} : memref<2x128x128xi32, #tpu.memory_space<vmem>>, vector<16xi32>,
      %bitcast3A_344 = vector.bitcast %get3A_338 : vector<16xi32> to vector<32xbf16>
      %bitcast3A_345 = vector.bitcast %get3A_343 : vector<16xi32> to vector<32xbf16>
      %sub3A_346 = arith.subf %bitcast3A_344, %bitcast3A_345 : vector<32xbf16>
      %abs3A_347 = math.absf %sub3A_346 : vector<32xbf16>
      %unpack3A_348 = tpu.unpack_subelements %abs3A_347, 0 {pack_format = #tpu.pack_format<interleaved>} : vector<32xbf16> -> vector<16xf32>
      %unpack3A_349 = tpu.unpack_subelements %abs3A_347, 1 {pack_format = #tpu.pack_format<interleaved>} : vector<32xbf16> -> vector<16xf32>
      %unpack3A_350 = tpu.unpack_subelements %sub3A_346, 0 {pack_format = #tpu.pack_format<interleaved>} : vector<32xbf16> -> vector<16xf32>
      %unpack3A_351 = tpu.unpack_subelements %sub3A_346, 1 {pack_format = #tpu.pack_format<interleaved>} : vector<32xbf16> -> vector<16xf32>
      %add3A_352 = arith.addf %unpack3A_348, %unpack3A_351 : vector<16xf32>
      %max3A_353 = arith.constant 0.000000e+00 : f32
      %max3A_354 = vector.broadcast %max3A_353 : f32 to vector<16xf32>
      %max3A_355 = arith.maximumf %add3A_352, %max3A_354 : vector<16xf32>
      %mul3A_356 = arith.mulf %max3A_355, %max3A_355 : vector<16xf32>
      %add3A_357 = arith.addf %add3A_333, %mul3A_356 : vector<16xf32>
      %get3A_358 = arith.constant 0 : i32
      %get3A_359 = arith.index_cast %get3A_358 : i32 to index
      %get3A_360 = arith.index_cast %scan3A_218 : i32 to index
      %get3A_361 = arith.constant 96 : index
      %get3A_362 = tpu.vector_load %arg8[%get3A_359, %get3A_360, %get3A_361] {strides = array<i32>} : memref<2x128x128xi32, #tpu.memory_space<vmem>>, vector<16xi32>,
      %get3A_363 = arith.constant 0 : i32
      %get3A_364 = arith.index_cast %get3A_363 : i32 to index
      %get3A_365 = arith.index_cast %scan3A_218 : i32 to index
      %get3A_366 = arith.constant 96 : index
      %get3A_367 = tpu.vector_load %arg9[%get3A_364, %get3A_365, %get3A_366] {strides = array<i32>} : memref<2x128x128xi32, #tpu.memory_space<vmem>>, vector<16xi32>,
      %bitcast3A_368 = vector.bitcast %get3A_362 : vector<16xi32> to vector<32xbf16>
      %bitcast3A_369 = vector.bitcast %get3A_367 : vector<16xi32> to vector<32xbf16>
      %sub3A_370 = arith.subf %bitcast3A_368, %bitcast3A_369 : vector<32xbf16>
      %abs3A_371 = math.absf %sub3A_370 : vector<32xbf16>
      %unpack3A_372 = tpu.unpack_subelements %abs3A_371, 0 {pack_format = #tpu.pack_format<interleaved>} : vector<32xbf16> -> vector<16xf32>
      %unpack3A_373 = tpu.unpack_subelements %abs3A_371, 1 {pack_format = #tpu.pack_format<interleaved>} : vector<32xbf16> -> vector<16xf32>
      %unpack3A_374 = tpu.unpack_subelements %sub3A_370, 0 {pack_format = #tpu.pack_format<interleaved>} : vector<32xbf16> -> vector<16xf32>
      %unpack3A_375 = tpu.unpack_subelements %sub3A_370, 1 {pack_format = #tpu.pack_format<interleaved>} : vector<32xbf16> -> vector<16xf32>
      %add3A_376 = arith.addf %unpack3A_372, %unpack3A_375 : vector<16xf32>
      %max3A_377 = arith.constant 0.000000e+00 : f32
      %max3A_378 = vector.broadcast %max3A_377 : f32 to vector<16xf32>
      %max3A_379 = arith.maximumf %add3A_376, %max3A_378 : vector<16xf32>
      %mul3A_380 = arith.mulf %max3A_379, %max3A_379 : vector<16xf32>
      %add3A_381 = arith.addf %add3A_357, %mul3A_380 : vector<16xf32>
      %get3A_382 = arith.constant 0 : i32
      %get3A_383 = arith.index_cast %get3A_382 : i32 to index
      %get3A_384 = arith.index_cast %scan3A_218 : i32 to index
      %get3A_385 = arith.constant 112 : index
      %get3A_386 = tpu.vector_load %arg8[%get3A_383, %get3A_384, %get3A_385] {strides = array<i32>} : memref<2x128x128xi32, #tpu.memory_space<vmem>>, vector<16xi32>,
      %get3A_387 = arith.constant 0 : i32
      %get3A_388 = arith.index_cast %get3A_387 : i32 to index
      %get3A_389 = arith.index_cast %scan3A_218 : i32 to index
      %get3A_390 = arith.constant 112 : index
      %get3A_391 = tpu.vector_load %arg9[%get3A_388, %get3A_389, %get3A_390] {strides = array<i32>} : memref<2x128x128xi32, #tpu.memory_space<vmem>>, vector<16xi32>,
      %bitcast3A_392 = vector.bitcast %get3A_386 : vector<16xi32> to vector<32xbf16>
      %bitcast3A_393 = vector.bitcast %get3A_391 : vector<16xi32> to vector<32xbf16>
      %sub3A_394 = arith.subf %bitcast3A_392, %bitcast3A_393 : vector<32xbf16>
      %abs3A_395 = math.absf %sub3A_394 : vector<32xbf16>
      %unpack3A_396 = tpu.unpack_subelements %abs3A_395, 0 {pack_format = #tpu.pack_format<interleaved>} : vector<32xbf16> -> vector<16xf32>
      %unpack3A_397 = tpu.unpack_subelements %abs3A_395, 1 {pack_format = #tpu.pack_format<interleaved>} : vector<32xbf16> -> vector<16xf32>
      %unpack3A_398 = tpu.unpack_subelements %sub3A_394, 0 {pack_format = #tpu.pack_format<interleaved>} : vector<32xbf16> -> vector<16xf32>
      %unpack3A_399 = tpu.unpack_subelements %sub3A_394, 1 {pack_format = #tpu.pack_format<interleaved>} : vector<32xbf16> -> vector<16xf32>
      %add3A_400 = arith.addf %unpack3A_396, %unpack3A_399 : vector<16xf32>
      %max3A_401 = arith.constant 0.000000e+00 : f32
      %max3A_402 = vector.broadcast %max3A_401 : f32 to vector<16xf32>
      %max3A_403 = arith.maximumf %add3A_400, %max3A_402 : vector<16xf32>
      %mul3A_404 = arith.mulf %max3A_403, %max3A_403 : vector<16xf32>
      %add3A_405 = arith.addf %add3A_381, %mul3A_404 : vector<16xf32>
      %swap3A = arith.index_cast %scan3A_218 : i32 to index
      %swap3A_406 = arith.constant 0 : index
      %swap3A_407 = tpu.vector_load %arg10[%swap3A, %swap3A_406] {strides = array<i32>} : memref<128x16xf32, #tpu.memory_space<vmem>>, vector<16xf32>,
      tpu.vector_store %arg10[%swap3A, %swap3A_406], %add3A_405 {strides = array<i32>} : memref<128x16xf32, #tpu.memory_space<vmem>>, vector<16xf32>,
    }
    %scan3A_69 = arith.constant 128 : i32
    %scan3A_70 = arith.constant 0 : i32
    %scan3A_71 = arith.constant 0 : i32
    %scan3A_72 = arith.constant 8 : i32
    %scan3A_73 = arith.addi %scan3A_71, %scan3A_72 : i32
    %scan3A_74 = arith.constant 1 : i32
    scf.for %scan3A_218 = %scan3A_71 to %scan3A_73 step %scan3A_74  : i32 {
      %mul3A_219 = arith.constant 16 : i32
      %mul3A_220 = arith.muli %scan3A_218, %mul3A_219 : i32
      %iota3A = tpu.iota {dimensions = array<i32: 0>} : vector<16xi32>
      %add3A_221 = vector.broadcast %mul3A_220 : i32 to vector<16xi32>
      %add3A_222 = arith.addi %add3A_221, %iota3A : vector<16xi32>
      %broadcast_in_dim3A = arith.constant 0.000000e+00 : f32
      %broadcast_in_dim3A_223 = vector.broadcast %broadcast_in_dim3A : f32 to vector<16xf32>
      %broadcast_in_dim3A_224 = arith.constant 0 : i32
      %broadcast_in_dim3A_225 = vector.broadcast %broadcast_in_dim3A_224 : i32 to vector<16xi32>
      %gather3A = tpu.vector_load_idx %arg10[%add3A_222, %broadcast_in_dim3A_225] : memref<128x16xf32, #tpu.memory_space<vmem>>[vector<16xi32>, vector<16xi32>], vector<16xf32>,
      %add3A_226 = arith.addf %broadcast_in_dim3A_223, %gather3A : vector<16xf32>
      %broadcast_in_dim3A_227 = arith.constant 1 : i32
      %broadcast_in_dim3A_228 = vector.broadcast %broadcast_in_dim3A_227 : i32 to vector<16xi32>
      %gather3A_229 = tpu.vector_load_idx %arg10[%add3A_222, %broadcast_in_dim3A_228] : memref<128x16xf32, #tpu.memory_space<vmem>>[vector<16xi32>, vector<16xi32>], vector<16xf32>,
      %add3A_230 = arith.addf %add3A_226, %gather3A_229 : vector<16xf32>
      %broadcast_in_dim3A_231 = arith.constant 2 : i32
      %broadcast_in_dim3A_232 = vector.broadcast %broadcast_in_dim3A_231 : i32 to vector<16xi32>
      %gather3A_233 = tpu.vector_load_idx %arg10[%add3A_222, %broadcast_in_dim3A_232] : memref<128x16xf32, #tpu.memory_space<vmem>>[vector<16xi32>, vector<16xi32>], vector<16xf32>,
      %add3A_234 = arith.addf %add3A_230, %gather3A_233 : vector<16xf32>
      %broadcast_in_dim3A_235 = arith.constant 3 : i32
      %broadcast_in_dim3A_236 = vector.broadcast %broadcast_in_dim3A_235 : i32 to vector<16xi32>
      %gather3A_237 = tpu.vector_load_idx %arg10[%add3A_222, %broadcast_in_dim3A_236] : memref<128x16xf32, #tpu.memory_space<vmem>>[vector<16xi32>, vector<16xi32>], vector<16xf32>,
      %add3A_238 = arith.addf %add3A_234, %gather3A_237 : vector<16xf32>
      %broadcast_in_dim3A_239 = arith.constant 4 : i32
      %broadcast_in_dim3A_240 = vector.broadcast %broadcast_in_dim3A_239 : i32 to vector<16xi32>
      %gather3A_241 = tpu.vector_load_idx %arg10[%add3A_222, %broadcast_in_dim3A_240] : memref<128x16xf32, #tpu.memory_space<vmem>>[vector<16xi32>, vector<16xi32>], vector<16xf32>,
      %add3A_242 = arith.addf %add3A_238, %gather3A_241 : vector<16xf32>
      %broadcast_in_dim3A_243 = arith.constant 5 : i32
      %broadcast_in_dim3A_244 = vector.broadcast %broadcast_in_dim3A_243 : i32 to vector<16xi32>
      %gather3A_245 = tpu.vector_load_idx %arg10[%add3A_222, %broadcast_in_dim3A_244] : memref<128x16xf32, #tpu.memory_space<vmem>>[vector<16xi32>, vector<16xi32>], vector<16xf32>,
      %add3A_246 = arith.addf %add3A_242, %gather3A_245 : vector<16xf32>
      %broadcast_in_dim3A_247 = arith.constant 6 : i32
      %broadcast_in_dim3A_248 = vector.broadcast %broadcast_in_dim3A_247 : i32 to vector<16xi32>
      %gather3A_249 = tpu.vector_load_idx %arg10[%add3A_222, %broadcast_in_dim3A_248] : memref<128x16xf32, #tpu.memory_space<vmem>>[vector<16xi32>, vector<16xi32>], vector<16xf32>,
      %add3A_250 = arith.addf %add3A_246, %gather3A_249 : vector<16xf32>
      %broadcast_in_dim3A_251 = arith.constant 7 : i32
      %broadcast_in_dim3A_252 = vector.broadcast %broadcast_in_dim3A_251 : i32 to vector<16xi32>
      %gather3A_253 = tpu.vector_load_idx %arg10[%add3A_222, %broadcast_in_dim3A_252] : memref<128x16xf32, #tpu.memory_space<vmem>>[vector<16xi32>, vector<16xi32>], vector<16xf32>,
      %add3A_254 = arith.addf %add3A_250, %gather3A_253 : vector<16xf32>
      %broadcast_in_dim3A_255 = arith.constant 8 : i32
      %broadcast_in_dim3A_256 = vector.broadcast %broadcast_in_dim3A_255 : i32 to vector<16xi32>
      %gather3A_257 = tpu.vector_load_idx %arg10[%add3A_222, %broadcast_in_dim3A_256] : memref<128x16xf32, #tpu.memory_space<vmem>>[vector<16xi32>, vector<16xi32>], vector<16xf32>,
      %add3A_258 = arith.addf %add3A_254, %gather3A_257 : vector<16xf32>
      %broadcast_in_dim3A_259 = arith.constant 9 : i32
      %broadcast_in_dim3A_260 = vector.broadcast %broadcast_in_dim3A_259 : i32 to vector<16xi32>
      %gather3A_261 = tpu.vector_load_idx %arg10[%add3A_222, %broadcast_in_dim3A_260] : memref<128x16xf32, #tpu.memory_space<vmem>>[vector<16xi32>, vector<16xi32>], vector<16xf32>,
      %add3A_262 = arith.addf %add3A_258, %gather3A_261 : vector<16xf32>
      %broadcast_in_dim3A_263 = arith.constant 10 : i32
      %broadcast_in_dim3A_264 = vector.broadcast %broadcast_in_dim3A_263 : i32 to vector<16xi32>
      %gather3A_265 = tpu.vector_load_idx %arg10[%add3A_222, %broadcast_in_dim3A_264] : memref<128x16xf32, #tpu.memory_space<vmem>>[vector<16xi32>, vector<16xi32>], vector<16xf32>,
      %add3A_266 = arith.addf %add3A_262, %gather3A_265 : vector<16xf32>
      %broadcast_in_dim3A_267 = arith.constant 11 : i32
      %broadcast_in_dim3A_268 = vector.broadcast %broadcast_in_dim3A_267 : i32 to vector<16xi32>
      %gather3A_269 = tpu.vector_load_idx %arg10[%add3A_222, %broadcast_in_dim3A_268] : memref<128x16xf32, #tpu.memory_space<vmem>>[vector<16xi32>, vector<16xi32>], vector<16xf32>,
      %add3A_270 = arith.addf %add3A_266, %gather3A_269 : vector<16xf32>
      %broadcast_in_dim3A_271 = arith.constant 12 : i32
      %broadcast_in_dim3A_272 = vector.broadcast %broadcast_in_dim3A_271 : i32 to vector<16xi32>
      %gather3A_273 = tpu.vector_load_idx %arg10[%add3A_222, %broadcast_in_dim3A_272] : memref<128x16xf32, #tpu.memory_space<vmem>>[vector<16xi32>, vector<16xi32>], vector<16xf32>,
      %add3A_274 = arith.addf %add3A_270, %gather3A_273 : vector<16xf32>
      %broadcast_in_dim3A_275 = arith.constant 13 : i32
      %broadcast_in_dim3A_276 = vector.broadcast %broadcast_in_dim3A_275 : i32 to vector<16xi32>
      %gather3A_277 = tpu.vector_load_idx %arg10[%add3A_222, %broadcast_in_dim3A_276] : memref<128x16xf32, #tpu.memory_space<vmem>>[vector<16xi32>, vector<16xi32>], vector<16xf32>,
      %add3A_278 = arith.addf %add3A_274, %gather3A_277 : vector<16xf32>
      %broadcast_in_dim3A_279 = arith.constant 14 : i32
      %broadcast_in_dim3A_280 = vector.broadcast %broadcast_in_dim3A_279 : i32 to vector<16xi32>
      %gather3A_281 = tpu.vector_load_idx %arg10[%add3A_222, %broadcast_in_dim3A_280] : memref<128x16xf32, #tpu.memory_space<vmem>>[vector<16xi32>, vector<16xi32>], vector<16xf32>,
      %add3A_282 = arith.addf %add3A_278, %gather3A_281 : vector<16xf32>
      %broadcast_in_dim3A_283 = arith.constant 15 : i32
      %broadcast_in_dim3A_284 = vector.broadcast %broadcast_in_dim3A_283 : i32 to vector<16xi32>
      %gather3A_285 = tpu.vector_load_idx %arg10[%add3A_222, %broadcast_in_dim3A_284] : memref<128x16xf32, #tpu.memory_space<vmem>>[vector<16xi32>, vector<16xi32>], vector<16xf32>,
      %add3A_286 = arith.addf %add3A_282, %gather3A_285 : vector<16xf32>
      %mul3A_287 = arith.constant 16 : i32
      %mul3A_288 = arith.muli %scan3A_218, %mul3A_287 : i32
      %add3A_289 = arith.constant 0 : i32
      %add3A_290 = arith.addi %add3A_289, %mul3A_288 : i32
      %swap3A = arith.index_cast %add3A_290 : i32 to index
      %swap3A_291 = tpu.vector_load %arg11[%swap3A] {strides = array<i32>} : memref<512xf32, #tpu.memory_space<vmem>>, vector<16xf32>,
      tpu.vector_store %arg11[%swap3A], %add3A_286 {strides = array<i32>} : memref<512xf32, #tpu.memory_space<vmem>>, vector<16xf32>,
    }
    %scan3A_75 = arith.constant 8 : i32
    %dma_start3A_76 = arith.constant 0 : i32
    %dma_start3A_77 = arith.constant 0 : i32
    %dma_start3A_78 = arith.constant 0 : i32
    %dma_start3A_79 = tpu.memref_slice %arg8[%dma_start3A_76, %dma_start3A_77, %dma_start3A_78] : memref<2x128x128xi32, #tpu.memory_space<vmem>> -> memref<1x128x128xi32, #tpu.memory_space<vmem>>
    %dma_start3A_80 = tpu.memref_squeeze %dma_start3A_79 : memref<1x128x128xi32, #tpu.memory_space<vmem>> -> memref<128x128xi32, #tpu.memory_space<vmem>>
    %dma_start3A_81 = arith.constant 256 : i32
    %dma_start3A_82 = tpu.memref_slice %arg5[%dma_start3A_81] : memref<512xi32, #tpu.memory_space<vmem>> -> memref<128xi32, #tpu.memory_space<vmem>>
    %dma_start3A_83 = arith.constant 0 : i32
    %dma_start3A_84 = arith.constant 0 : i32
    %dma_start3A_85 = tpu.memref_slice %arg7[%dma_start3A_83, %dma_start3A_84] : memref<1000x128xi32, #tpu.memory_space<vmem_shared>> -> memref<1000x128xi32, #tpu.memory_space<vmem_shared>>
    tpu.enqueue_indirect_dma source(%dma_start3A_85 : memref<1000x128xi32, #tpu.memory_space<vmem_shared>>) target(%dma_start3A_80 : memref<128x128xi32, #tpu.memory_space<vmem>>) offsets(%dma_start3A_82 : memref<128xi32, #tpu.memory_space<vmem>>) semaphore(%arg12 : memref<!tpu.dma_semaphore, #tpu.memory_space<semaphore_mem>>)
    %dma_start3A_86 = arith.constant 0 : i32
    %dma_start3A_87 = arith.constant 0 : i32
    %dma_start3A_88 = arith.constant 0 : i32
    %dma_start3A_89 = tpu.memref_slice %arg9[%dma_start3A_86, %dma_start3A_87, %dma_start3A_88] : memref<2x128x128xi32, #tpu.memory_space<vmem>> -> memref<1x128x128xi32, #tpu.memory_space<vmem>>
    %dma_start3A_90 = tpu.memref_squeeze %dma_start3A_89 : memref<1x128x128xi32, #tpu.memory_space<vmem>> -> memref<128x128xi32, #tpu.memory_space<vmem>>
    %dma_start3A_91 = arith.constant 256 : i32
    %dma_start3A_92 = tpu.memref_slice %arg6[%dma_start3A_91] : memref<512xi32, #tpu.memory_space<vmem>> -> memref<128xi32, #tpu.memory_space<vmem>>
    %dma_start3A_93 = arith.constant 0 : i32
    %dma_start3A_94 = arith.constant 0 : i32
    %dma_start3A_95 = tpu.memref_slice %arg7[%dma_start3A_93, %dma_start3A_94] : memref<1000x128xi32, #tpu.memory_space<vmem_shared>> -> memref<1000x128xi32, #tpu.memory_space<vmem_shared>>
    tpu.enqueue_indirect_dma source(%dma_start3A_95 : memref<1000x128xi32, #tpu.memory_space<vmem_shared>>) target(%dma_start3A_90 : memref<128x128xi32, #tpu.memory_space<vmem>>) offsets(%dma_start3A_92 : memref<128xi32, #tpu.memory_space<vmem>>) semaphore(%arg12 : memref<!tpu.dma_semaphore, #tpu.memory_space<semaphore_mem>>)
    %dma_wait3A_96 = arith.constant 1 : i32
    %dma_wait3A_97 = arith.constant 0 : i32
    %dma_wait3A_98 = arith.constant 0 : i32
    %dma_wait3A_99 = tpu.memref_slice %arg8[%dma_wait3A_96, %dma_wait3A_97, %dma_wait3A_98] : memref<2x128x128xi32, #tpu.memory_space<vmem>> -> memref<1x128x128xi32, #tpu.memory_space<vmem>>
    %dma_wait3A_100 = tpu.memref_squeeze %dma_wait3A_99 : memref<1x128x128xi32, #tpu.memory_space<vmem>> -> memref<128x128xi32, #tpu.memory_space<vmem>>
    %dma_wait3A_101 = arith.constant 128 : i32
    %dma_wait3A_102 = tpu.memref_slice %arg5[%dma_wait3A_101] : memref<512xi32, #tpu.memory_space<vmem>> -> memref<128xi32, #tpu.memory_space<vmem>>
    %dma_wait3A_103 = arith.constant 0 : i32
    %dma_wait3A_104 = arith.constant 0 : i32
    %dma_wait3A_105 = tpu.memref_slice %arg7[%dma_wait3A_103, %dma_wait3A_104] : memref<1000x128xi32, #tpu.memory_space<vmem_shared>> -> memref<1000x128xi32, #tpu.memory_space<vmem_shared>>
    tpu.wait_indirect_dma semaphore(%arg13 : memref<!tpu.dma_semaphore, #tpu.memory_space<semaphore_mem>>) src(%dma_wait3A_105 : memref<1000x128xi32, #tpu.memory_space<vmem_shared>>) dst(%dma_wait3A_100 : memref<128x128xi32, #tpu.memory_space<vmem>>)
    %dma_wait3A_106 = arith.constant 1 : i32
    %dma_wait3A_107 = arith.constant 0 : i32
    %dma_wait3A_108 = arith.constant 0 : i32
    %dma_wait3A_109 = tpu.memref_slice %arg9[%dma_wait3A_106, %dma_wait3A_107, %dma_wait3A_108] : memref<2x128x128xi32, #tpu.memory_space<vmem>> -> memref<1x128x128xi32, #tpu.memory_space<vmem>>
    %dma_wait3A_110 = tpu.memref_squeeze %dma_wait3A_109 : memref<1x128x128xi32, #tpu.memory_space<vmem>> -> memref<128x128xi32, #tpu.memory_space<vmem>>
    %dma_wait3A_111 = arith.constant 128 : i32
    %dma_wait3A_112 = tpu.memref_slice %arg6[%dma_wait3A_111] : memref<512xi32, #tpu.memory_space<vmem>> -> memref<128xi32, #tpu.memory_space<vmem>>
    %dma_wait3A_113 = arith.constant 0 : i32
    %dma_wait3A_114 = arith.constant 0 : i32
    %dma_wait3A_115 = tpu.memref_slice %arg7[%dma_wait3A_113, %dma_wait3A_114] : memref<1000x128xi32, #tpu.memory_space<vmem_shared>> -> memref<1000x128xi32, #tpu.memory_space<vmem_shared>>
    tpu.wait_indirect_dma semaphore(%arg13 : memref<!tpu.dma_semaphore, #tpu.memory_space<semaphore_mem>>) src(%dma_wait3A_115 : memref<1000x128xi32, #tpu.memory_space<vmem_shared>>) dst(%dma_wait3A_110 : memref<128x128xi32, #tpu.memory_space<vmem>>)
    %scan3A_116 = arith.constant 0 : i32
    %scan3A_117 = arith.constant 0 : i32
    %scan3A_118 = arith.constant 128 : i32
    %scan3A_119 = arith.addi %scan3A_117, %scan3A_118 : i32
    %scan3A_120 = arith.constant 1 : i32
    scf.for %scan3A_218 = %scan3A_117 to %scan3A_119 step %scan3A_120  : i32 {
      %broadcast_in_dim3A = arith.constant 0.000000e+00 : f32
      %broadcast_in_dim3A_219 = vector.broadcast %broadcast_in_dim3A : f32 to vector<16xf32>
      %get3A = arith.constant 1 : i32
      %get3A_220 = arith.index_cast %get3A : i32 to index
      %get3A_221 = arith.index_cast %scan3A_218 : i32 to index
      %get3A_222 = arith.constant 0 : index
      %get3A_223 = tpu.vector_load %arg8[%get3A_220, %get3A_221, %get3A_222] {strides = array<i32>} : memref<2x128x128xi32, #tpu.memory_space<vmem>>, vector<16xi32>,
      %get3A_224 = arith.constant 1 : i32
      %get3A_225 = arith.index_cast %get3A_224 : i32 to index
      %get3A_226 = arith.index_cast %scan3A_218 : i32 to index
      %get3A_227 = arith.constant 0 : index
      %get3A_228 = tpu.vector_load %arg9[%get3A_225, %get3A_226, %get3A_227] {strides = array<i32>} : memref<2x128x128xi32, #tpu.memory_space<vmem>>, vector<16xi32>,
      %bitcast3A = vector.bitcast %get3A_223 : vector<16xi32> to vector<32xbf16>
      %bitcast3A_229 = vector.bitcast %get3A_228 : vector<16xi32> to vector<32xbf16>
      %sub3A = arith.subf %bitcast3A, %bitcast3A_229 : vector<32xbf16>
      %abs3A = math.absf %sub3A : vector<32xbf16>
      %unpack3A = tpu.unpack_subelements %abs3A, 0 {pack_format = #tpu.pack_format<interleaved>} : vector<32xbf16> -> vector<16xf32>
      %unpack3A_230 = tpu.unpack_subelements %abs3A, 1 {pack_format = #tpu.pack_format<interleaved>} : vector<32xbf16> -> vector<16xf32>
      %unpack3A_231 = tpu.unpack_subelements %sub3A, 0 {pack_format = #tpu.pack_format<interleaved>} : vector<32xbf16> -> vector<16xf32>
      %unpack3A_232 = tpu.unpack_subelements %sub3A, 1 {pack_format = #tpu.pack_format<interleaved>} : vector<32xbf16> -> vector<16xf32>
      %add3A_233 = arith.addf %unpack3A, %unpack3A_232 : vector<16xf32>
      %max3A = arith.constant 0.000000e+00 : f32
      %max3A_234 = vector.broadcast %max3A : f32 to vector<16xf32>
      %max3A_235 = arith.maximumf %add3A_233, %max3A_234 : vector<16xf32>
      %mul3A_236 = arith.mulf %max3A_235, %max3A_235 : vector<16xf32>
      %add3A_237 = arith.addf %broadcast_in_dim3A_219, %mul3A_236 : vector<16xf32>
      %get3A_238 = arith.constant 1 : i32
      %get3A_239 = arith.index_cast %get3A_238 : i32 to index
      %get3A_240 = arith.index_cast %scan3A_218 : i32 to index
      %get3A_241 = arith.constant 16 : index
      %get3A_242 = tpu.vector_load %arg8[%get3A_239, %get3A_240, %get3A_241] {strides = array<i32>} : memref<2x128x128xi32, #tpu.memory_space<vmem>>, vector<16xi32>,
      %get3A_243 = arith.constant 1 : i32
      %get3A_244 = arith.index_cast %get3A_243 : i32 to index
      %get3A_245 = arith.index_cast %scan3A_218 : i32 to index
      %get3A_246 = arith.constant 16 : index
      %get3A_247 = tpu.vector_load %arg9[%get3A_244, %get3A_245, %get3A_246] {strides = array<i32>} : memref<2x128x128xi32, #tpu.memory_space<vmem>>, vector<16xi32>,
      %bitcast3A_248 = vector.bitcast %get3A_242 : vector<16xi32> to vector<32xbf16>
      %bitcast3A_249 = vector.bitcast %get3A_247 : vector<16xi32> to vector<32xbf16>
      %sub3A_250 = arith.subf %bitcast3A_248, %bitcast3A_249 : vector<32xbf16>
      %abs3A_251 = math.absf %sub3A_250 : vector<32xbf16>
      %unpack3A_252 = tpu.unpack_subelements %abs3A_251, 0 {pack_format = #tpu.pack_format<interleaved>} : vector<32xbf16> -> vector<16xf32>
      %unpack3A_253 = tpu.unpack_subelements %abs3A_251, 1 {pack_format = #tpu.pack_format<interleaved>} : vector<32xbf16> -> vector<16xf32>
      %unpack3A_254 = tpu.unpack_subelements %sub3A_250, 0 {pack_format = #tpu.pack_format<interleaved>} : vector<32xbf16> -> vector<16xf32>
      %unpack3A_255 = tpu.unpack_subelements %sub3A_250, 1 {pack_format = #tpu.pack_format<interleaved>} : vector<32xbf16> -> vector<16xf32>
      %add3A_256 = arith.addf %unpack3A_252, %unpack3A_255 : vector<16xf32>
      %max3A_257 = arith.constant 0.000000e+00 : f32
      %max3A_258 = vector.broadcast %max3A_257 : f32 to vector<16xf32>
      %max3A_259 = arith.maximumf %add3A_256, %max3A_258 : vector<16xf32>
      %mul3A_260 = arith.mulf %max3A_259, %max3A_259 : vector<16xf32>
      %add3A_261 = arith.addf %add3A_237, %mul3A_260 : vector<16xf32>
      %get3A_262 = arith.constant 1 : i32
      %get3A_263 = arith.index_cast %get3A_262 : i32 to index
      %get3A_264 = arith.index_cast %scan3A_218 : i32 to index
      %get3A_265 = arith.constant 32 : index
      %get3A_266 = tpu.vector_load %arg8[%get3A_263, %get3A_264, %get3A_265] {strides = array<i32>} : memref<2x128x128xi32, #tpu.memory_space<vmem>>, vector<16xi32>,
      %get3A_267 = arith.constant 1 : i32
      %get3A_268 = arith.index_cast %get3A_267 : i32 to index
      %get3A_269 = arith.index_cast %scan3A_218 : i32 to index
      %get3A_270 = arith.constant 32 : index
      %get3A_271 = tpu.vector_load %arg9[%get3A_268, %get3A_269, %get3A_270] {strides = array<i32>} : memref<2x128x128xi32, #tpu.memory_space<vmem>>, vector<16xi32>,
      %bitcast3A_272 = vector.bitcast %get3A_266 : vector<16xi32> to vector<32xbf16>
      %bitcast3A_273 = vector.bitcast %get3A_271 : vector<16xi32> to vector<32xbf16>
      %sub3A_274 = arith.subf %bitcast3A_272, %bitcast3A_273 : vector<32xbf16>
      %abs3A_275 = math.absf %sub3A_274 : vector<32xbf16>
      %unpack3A_276 = tpu.unpack_subelements %abs3A_275, 0 {pack_format = #tpu.pack_format<interleaved>} : vector<32xbf16> -> vector<16xf32>
      %unpack3A_277 = tpu.unpack_subelements %abs3A_275, 1 {pack_format = #tpu.pack_format<interleaved>} : vector<32xbf16> -> vector<16xf32>
      %unpack3A_278 = tpu.unpack_subelements %sub3A_274, 0 {pack_format = #tpu.pack_format<interleaved>} : vector<32xbf16> -> vector<16xf32>
      %unpack3A_279 = tpu.unpack_subelements %sub3A_274, 1 {pack_format = #tpu.pack_format<interleaved>} : vector<32xbf16> -> vector<16xf32>
      %add3A_280 = arith.addf %unpack3A_276, %unpack3A_279 : vector<16xf32>
      %max3A_281 = arith.constant 0.000000e+00 : f32
      %max3A_282 = vector.broadcast %max3A_281 : f32 to vector<16xf32>
      %max3A_283 = arith.maximumf %add3A_280, %max3A_282 : vector<16xf32>
      %mul3A_284 = arith.mulf %max3A_283, %max3A_283 : vector<16xf32>
      %add3A_285 = arith.addf %add3A_261, %mul3A_284 : vector<16xf32>
      %get3A_286 = arith.constant 1 : i32
      %get3A_287 = arith.index_cast %get3A_286 : i32 to index
      %get3A_288 = arith.index_cast %scan3A_218 : i32 to index
      %get3A_289 = arith.constant 48 : index
      %get3A_290 = tpu.vector_load %arg8[%get3A_287, %get3A_288, %get3A_289] {strides = array<i32>} : memref<2x128x128xi32, #tpu.memory_space<vmem>>, vector<16xi32>,
      %get3A_291 = arith.constant 1 : i32
      %get3A_292 = arith.index_cast %get3A_291 : i32 to index
      %get3A_293 = arith.index_cast %scan3A_218 : i32 to index
      %get3A_294 = arith.constant 48 : index
      %get3A_295 = tpu.vector_load %arg9[%get3A_292, %get3A_293, %get3A_294] {strides = array<i32>} : memref<2x128x128xi32, #tpu.memory_space<vmem>>, vector<16xi32>,
      %bitcast3A_296 = vector.bitcast %get3A_290 : vector<16xi32> to vector<32xbf16>
      %bitcast3A_297 = vector.bitcast %get3A_295 : vector<16xi32> to vector<32xbf16>
      %sub3A_298 = arith.subf %bitcast3A_296, %bitcast3A_297 : vector<32xbf16>
      %abs3A_299 = math.absf %sub3A_298 : vector<32xbf16>
      %unpack3A_300 = tpu.unpack_subelements %abs3A_299, 0 {pack_format = #tpu.pack_format<interleaved>} : vector<32xbf16> -> vector<16xf32>
      %unpack3A_301 = tpu.unpack_subelements %abs3A_299, 1 {pack_format = #tpu.pack_format<interleaved>} : vector<32xbf16> -> vector<16xf32>
      %unpack3A_302 = tpu.unpack_subelements %sub3A_298, 0 {pack_format = #tpu.pack_format<interleaved>} : vector<32xbf16> -> vector<16xf32>
      %unpack3A_303 = tpu.unpack_subelements %sub3A_298, 1 {pack_format = #tpu.pack_format<interleaved>} : vector<32xbf16> -> vector<16xf32>
      %add3A_304 = arith.addf %unpack3A_300, %unpack3A_303 : vector<16xf32>
      %max3A_305 = arith.constant 0.000000e+00 : f32
      %max3A_306 = vector.broadcast %max3A_305 : f32 to vector<16xf32>
      %max3A_307 = arith.maximumf %add3A_304, %max3A_306 : vector<16xf32>
      %mul3A_308 = arith.mulf %max3A_307, %max3A_307 : vector<16xf32>
      %add3A_309 = arith.addf %add3A_285, %mul3A_308 : vector<16xf32>
      %get3A_310 = arith.constant 1 : i32
      %get3A_311 = arith.index_cast %get3A_310 : i32 to index
      %get3A_312 = arith.index_cast %scan3A_218 : i32 to index
      %get3A_313 = arith.constant 64 : index
      %get3A_314 = tpu.vector_load %arg8[%get3A_311, %get3A_312, %get3A_313] {strides = array<i32>} : memref<2x128x128xi32, #tpu.memory_space<vmem>>, vector<16xi32>,
      %get3A_315 = arith.constant 1 : i32
      %get3A_316 = arith.index_cast %get3A_315 : i32 to index
      %get3A_317 = arith.index_cast %scan3A_218 : i32 to index
      %get3A_318 = arith.constant 64 : index
      %get3A_319 = tpu.vector_load %arg9[%get3A_316, %get3A_317, %get3A_318] {strides = array<i32>} : memref<2x128x128xi32, #tpu.memory_space<vmem>>, vector<16xi32>,
      %bitcast3A_320 = vector.bitcast %get3A_314 : vector<16xi32> to vector<32xbf16>
      %bitcast3A_321 = vector.bitcast %get3A_319 : vector<16xi32> to vector<32xbf16>
      %sub3A_322 = arith.subf %bitcast3A_320, %bitcast3A_321 : vector<32xbf16>
      %abs3A_323 = math.absf %sub3A_322 : vector<32xbf16>
      %unpack3A_324 = tpu.unpack_subelements %abs3A_323, 0 {pack_format = #tpu.pack_format<interleaved>} : vector<32xbf16> -> vector<16xf32>
      %unpack3A_325 = tpu.unpack_subelements %abs3A_323, 1 {pack_format = #tpu.pack_format<interleaved>} : vector<32xbf16> -> vector<16xf32>
      %unpack3A_326 = tpu.unpack_subelements %sub3A_322, 0 {pack_format = #tpu.pack_format<interleaved>} : vector<32xbf16> -> vector<16xf32>
      %unpack3A_327 = tpu.unpack_subelements %sub3A_322, 1 {pack_format = #tpu.pack_format<interleaved>} : vector<32xbf16> -> vector<16xf32>
      %add3A_328 = arith.addf %unpack3A_324, %unpack3A_327 : vector<16xf32>
      %max3A_329 = arith.constant 0.000000e+00 : f32
      %max3A_330 = vector.broadcast %max3A_329 : f32 to vector<16xf32>
      %max3A_331 = arith.maximumf %add3A_328, %max3A_330 : vector<16xf32>
      %mul3A_332 = arith.mulf %max3A_331, %max3A_331 : vector<16xf32>
      %add3A_333 = arith.addf %add3A_309, %mul3A_332 : vector<16xf32>
      %get3A_334 = arith.constant 1 : i32
      %get3A_335 = arith.index_cast %get3A_334 : i32 to index
      %get3A_336 = arith.index_cast %scan3A_218 : i32 to index
      %get3A_337 = arith.constant 80 : index
      %get3A_338 = tpu.vector_load %arg8[%get3A_335, %get3A_336, %get3A_337] {strides = array<i32>} : memref<2x128x128xi32, #tpu.memory_space<vmem>>, vector<16xi32>,
      %get3A_339 = arith.constant 1 : i32
      %get3A_340 = arith.index_cast %get3A_339 : i32 to index
      %get3A_341 = arith.index_cast %scan3A_218 : i32 to index
      %get3A_342 = arith.constant 80 : index
      %get3A_343 = tpu.vector_load %arg9[%get3A_340, %get3A_341, %get3A_342] {strides = array<i32>} : memref<2x128x128xi32, #tpu.memory_space<vmem>>, vector<16xi32>,
      %bitcast3A_344 = vector.bitcast %get3A_338 : vector<16xi32> to vector<32xbf16>
      %bitcast3A_345 = vector.bitcast %get3A_343 : vector<16xi32> to vector<32xbf16>
      %sub3A_346 = arith.subf %bitcast3A_344, %bitcast3A_345 : vector<32xbf16>
      %abs3A_347 = math.absf %sub3A_346 : vector<32xbf16>
      %unpack3A_348 = tpu.unpack_subelements %abs3A_347, 0 {pack_format = #tpu.pack_format<interleaved>} : vector<32xbf16> -> vector<16xf32>
      %unpack3A_349 = tpu.unpack_subelements %abs3A_347, 1 {pack_format = #tpu.pack_format<interleaved>} : vector<32xbf16> -> vector<16xf32>
      %unpack3A_350 = tpu.unpack_subelements %sub3A_346, 0 {pack_format = #tpu.pack_format<interleaved>} : vector<32xbf16> -> vector<16xf32>
      %unpack3A_351 = tpu.unpack_subelements %sub3A_346, 1 {pack_format = #tpu.pack_format<interleaved>} : vector<32xbf16> -> vector<16xf32>
      %add3A_352 = arith.addf %unpack3A_348, %unpack3A_351 : vector<16xf32>
      %max3A_353 = arith.constant 0.000000e+00 : f32
      %max3A_354 = vector.broadcast %max3A_353 : f32 to vector<16xf32>
      %max3A_355 = arith.maximumf %add3A_352, %max3A_354 : vector<16xf32>
      %mul3A_356 = arith.mulf %max3A_355, %max3A_355 : vector<16xf32>
      %add3A_357 = arith.addf %add3A_333, %mul3A_356 : vector<16xf32>
      %get3A_358 = arith.constant 1 : i32
      %get3A_359 = arith.index_cast %get3A_358 : i32 to index
      %get3A_360 = arith.index_cast %scan3A_218 : i32 to index
      %get3A_361 = arith.constant 96 : index
      %get3A_362 = tpu.vector_load %arg8[%get3A_359, %get3A_360, %get3A_361] {strides = array<i32>} : memref<2x128x128xi32, #tpu.memory_space<vmem>>, vector<16xi32>,
      %get3A_363 = arith.constant 1 : i32
      %get3A_364 = arith.index_cast %get3A_363 : i32 to index
      %get3A_365 = arith.index_cast %scan3A_218 : i32 to index
      %get3A_366 = arith.constant 96 : index
      %get3A_367 = tpu.vector_load %arg9[%get3A_364, %get3A_365, %get3A_366] {strides = array<i32>} : memref<2x128x128xi32, #tpu.memory_space<vmem>>, vector<16xi32>,
      %bitcast3A_368 = vector.bitcast %get3A_362 : vector<16xi32> to vector<32xbf16>
      %bitcast3A_369 = vector.bitcast %get3A_367 : vector<16xi32> to vector<32xbf16>
      %sub3A_370 = arith.subf %bitcast3A_368, %bitcast3A_369 : vector<32xbf16>
      %abs3A_371 = math.absf %sub3A_370 : vector<32xbf16>
      %unpack3A_372 = tpu.unpack_subelements %abs3A_371, 0 {pack_format = #tpu.pack_format<interleaved>} : vector<32xbf16> -> vector<16xf32>
      %unpack3A_373 = tpu.unpack_subelements %abs3A_371, 1 {pack_format = #tpu.pack_format<interleaved>} : vector<32xbf16> -> vector<16xf32>
      %unpack3A_374 = tpu.unpack_subelements %sub3A_370, 0 {pack_format = #tpu.pack_format<interleaved>} : vector<32xbf16> -> vector<16xf32>
      %unpack3A_375 = tpu.unpack_subelements %sub3A_370, 1 {pack_format = #tpu.pack_format<interleaved>} : vector<32xbf16> -> vector<16xf32>
      %add3A_376 = arith.addf %unpack3A_372, %unpack3A_375 : vector<16xf32>
      %max3A_377 = arith.constant 0.000000e+00 : f32
      %max3A_378 = vector.broadcast %max3A_377 : f32 to vector<16xf32>
      %max3A_379 = arith.maximumf %add3A_376, %max3A_378 : vector<16xf32>
      %mul3A_380 = arith.mulf %max3A_379, %max3A_379 : vector<16xf32>
      %add3A_381 = arith.addf %add3A_357, %mul3A_380 : vector<16xf32>
      %get3A_382 = arith.constant 1 : i32
      %get3A_383 = arith.index_cast %get3A_382 : i32 to index
      %get3A_384 = arith.index_cast %scan3A_218 : i32 to index
      %get3A_385 = arith.constant 112 : index
      %get3A_386 = tpu.vector_load %arg8[%get3A_383, %get3A_384, %get3A_385] {strides = array<i32>} : memref<2x128x128xi32, #tpu.memory_space<vmem>>, vector<16xi32>,
      %get3A_387 = arith.constant 1 : i32
      %get3A_388 = arith.index_cast %get3A_387 : i32 to index
      %get3A_389 = arith.index_cast %scan3A_218 : i32 to index
      %get3A_390 = arith.constant 112 : index
      %get3A_391 = tpu.vector_load %arg9[%get3A_388, %get3A_389, %get3A_390] {strides = array<i32>} : memref<2x128x128xi32, #tpu.memory_space<vmem>>, vector<16xi32>,
      %bitcast3A_392 = vector.bitcast %get3A_386 : vector<16xi32> to vector<32xbf16>
      %bitcast3A_393 = vector.bitcast %get3A_391 : vector<16xi32> to vector<32xbf16>
      %sub3A_394 = arith.subf %bitcast3A_392, %bitcast3A_393 : vector<32xbf16>
      %abs3A_395 = math.absf %sub3A_394 : vector<32xbf16>
      %unpack3A_396 = tpu.unpack_subelements %abs3A_395, 0 {pack_format = #tpu.pack_format<interleaved>} : vector<32xbf16> -> vector<16xf32>
      %unpack3A_397 = tpu.unpack_subelements %abs3A_395, 1 {pack_format = #tpu.pack_format<interleaved>} : vector<32xbf16> -> vector<16xf32>
      %unpack3A_398 = tpu.unpack_subelements %sub3A_394, 0 {pack_format = #tpu.pack_format<interleaved>} : vector<32xbf16> -> vector<16xf32>
      %unpack3A_399 = tpu.unpack_subelements %sub3A_394, 1 {pack_format = #tpu.pack_format<interleaved>} : vector<32xbf16> -> vector<16xf32>
      %add3A_400 = arith.addf %unpack3A_396, %unpack3A_399 : vector<16xf32>
      %max3A_401 = arith.constant 0.000000e+00 : f32
      %max3A_402 = vector.broadcast %max3A_401 : f32 to vector<16xf32>
      %max3A_403 = arith.maximumf %add3A_400, %max3A_402 : vector<16xf32>
      %mul3A_404 = arith.mulf %max3A_403, %max3A_403 : vector<16xf32>
      %add3A_405 = arith.addf %add3A_381, %mul3A_404 : vector<16xf32>
      %swap3A = arith.index_cast %scan3A_218 : i32 to index
      %swap3A_406 = arith.constant 0 : index
      %swap3A_407 = tpu.vector_load %arg10[%swap3A, %swap3A_406] {strides = array<i32>} : memref<128x16xf32, #tpu.memory_space<vmem>>, vector<16xf32>,
      tpu.vector_store %arg10[%swap3A, %swap3A_406], %add3A_405 {strides = array<i32>} : memref<128x16xf32, #tpu.memory_space<vmem>>, vector<16xf32>,
    }
    %scan3A_121 = arith.constant 128 : i32
    %scan3A_122 = arith.constant 0 : i32
    %scan3A_123 = arith.constant 0 : i32
    %scan3A_124 = arith.constant 8 : i32
    %scan3A_125 = arith.addi %scan3A_123, %scan3A_124 : i32
    %scan3A_126 = arith.constant 1 : i32
    scf.for %scan3A_218 = %scan3A_123 to %scan3A_125 step %scan3A_126  : i32 {
      %mul3A_219 = arith.constant 16 : i32
      %mul3A_220 = arith.muli %scan3A_218, %mul3A_219 : i32
      %iota3A = tpu.iota {dimensions = array<i32: 0>} : vector<16xi32>
      %add3A_221 = vector.broadcast %mul3A_220 : i32 to vector<16xi32>
      %add3A_222 = arith.addi %add3A_221, %iota3A : vector<16xi32>
      %broadcast_in_dim3A = arith.constant 0.000000e+00 : f32
      %broadcast_in_dim3A_223 = vector.broadcast %broadcast_in_dim3A : f32 to vector<16xf32>
      %broadcast_in_dim3A_224 = arith.constant 0 : i32
      %broadcast_in_dim3A_225 = vector.broadcast %broadcast_in_dim3A_224 : i32 to vector<16xi32>
      %gather3A = tpu.vector_load_idx %arg10[%add3A_222, %broadcast_in_dim3A_225] : memref<128x16xf32, #tpu.memory_space<vmem>>[vector<16xi32>, vector<16xi32>], vector<16xf32>,
      %add3A_226 = arith.addf %broadcast_in_dim3A_223, %gather3A : vector<16xf32>
      %broadcast_in_dim3A_227 = arith.constant 1 : i32
      %broadcast_in_dim3A_228 = vector.broadcast %broadcast_in_dim3A_227 : i32 to vector<16xi32>
      %gather3A_229 = tpu.vector_load_idx %arg10[%add3A_222, %broadcast_in_dim3A_228] : memref<128x16xf32, #tpu.memory_space<vmem>>[vector<16xi32>, vector<16xi32>], vector<16xf32>,
      %add3A_230 = arith.addf %add3A_226, %gather3A_229 : vector<16xf32>
      %broadcast_in_dim3A_231 = arith.constant 2 : i32
      %broadcast_in_dim3A_232 = vector.broadcast %broadcast_in_dim3A_231 : i32 to vector<16xi32>
      %gather3A_233 = tpu.vector_load_idx %arg10[%add3A_222, %broadcast_in_dim3A_232] : memref<128x16xf32, #tpu.memory_space<vmem>>[vector<16xi32>, vector<16xi32>], vector<16xf32>,
      %add3A_234 = arith.addf %add3A_230, %gather3A_233 : vector<16xf32>
      %broadcast_in_dim3A_235 = arith.constant 3 : i32
      %broadcast_in_dim3A_236 = vector.broadcast %broadcast_in_dim3A_235 : i32 to vector<16xi32>
      %gather3A_237 = tpu.vector_load_idx %arg10[%add3A_222, %broadcast_in_dim3A_236] : memref<128x16xf32, #tpu.memory_space<vmem>>[vector<16xi32>, vector<16xi32>], vector<16xf32>,
      %add3A_238 = arith.addf %add3A_234, %gather3A_237 : vector<16xf32>
      %broadcast_in_dim3A_239 = arith.constant 4 : i32
      %broadcast_in_dim3A_240 = vector.broadcast %broadcast_in_dim3A_239 : i32 to vector<16xi32>
      %gather3A_241 = tpu.vector_load_idx %arg10[%add3A_222, %broadcast_in_dim3A_240] : memref<128x16xf32, #tpu.memory_space<vmem>>[vector<16xi32>, vector<16xi32>], vector<16xf32>,
      %add3A_242 = arith.addf %add3A_238, %gather3A_241 : vector<16xf32>
      %broadcast_in_dim3A_243 = arith.constant 5 : i32
      %broadcast_in_dim3A_244 = vector.broadcast %broadcast_in_dim3A_243 : i32 to vector<16xi32>
      %gather3A_245 = tpu.vector_load_idx %arg10[%add3A_222, %broadcast_in_dim3A_244] : memref<128x16xf32, #tpu.memory_space<vmem>>[vector<16xi32>, vector<16xi32>], vector<16xf32>,
      %add3A_246 = arith.addf %add3A_242, %gather3A_245 : vector<16xf32>
      %broadcast_in_dim3A_247 = arith.constant 6 : i32
      %broadcast_in_dim3A_248 = vector.broadcast %broadcast_in_dim3A_247 : i32 to vector<16xi32>
      %gather3A_249 = tpu.vector_load_idx %arg10[%add3A_222, %broadcast_in_dim3A_248] : memref<128x16xf32, #tpu.memory_space<vmem>>[vector<16xi32>, vector<16xi32>], vector<16xf32>,
      %add3A_250 = arith.addf %add3A_246, %gather3A_249 : vector<16xf32>
      %broadcast_in_dim3A_251 = arith.constant 7 : i32
      %broadcast_in_dim3A_252 = vector.broadcast %broadcast_in_dim3A_251 : i32 to vector<16xi32>
      %gather3A_253 = tpu.vector_load_idx %arg10[%add3A_222, %broadcast_in_dim3A_252] : memref<128x16xf32, #tpu.memory_space<vmem>>[vector<16xi32>, vector<16xi32>], vector<16xf32>,
      %add3A_254 = arith.addf %add3A_250, %gather3A_253 : vector<16xf32>
      %broadcast_in_dim3A_255 = arith.constant 8 : i32
      %broadcast_in_dim3A_256 = vector.broadcast %broadcast_in_dim3A_255 : i32 to vector<16xi32>
      %gather3A_257 = tpu.vector_load_idx %arg10[%add3A_222, %broadcast_in_dim3A_256] : memref<128x16xf32, #tpu.memory_space<vmem>>[vector<16xi32>, vector<16xi32>], vector<16xf32>,
      %add3A_258 = arith.addf %add3A_254, %gather3A_257 : vector<16xf32>
      %broadcast_in_dim3A_259 = arith.constant 9 : i32
      %broadcast_in_dim3A_260 = vector.broadcast %broadcast_in_dim3A_259 : i32 to vector<16xi32>
      %gather3A_261 = tpu.vector_load_idx %arg10[%add3A_222, %broadcast_in_dim3A_260] : memref<128x16xf32, #tpu.memory_space<vmem>>[vector<16xi32>, vector<16xi32>], vector<16xf32>,
      %add3A_262 = arith.addf %add3A_258, %gather3A_261 : vector<16xf32>
      %broadcast_in_dim3A_263 = arith.constant 10 : i32
      %broadcast_in_dim3A_264 = vector.broadcast %broadcast_in_dim3A_263 : i32 to vector<16xi32>
      %gather3A_265 = tpu.vector_load_idx %arg10[%add3A_222, %broadcast_in_dim3A_264] : memref<128x16xf32, #tpu.memory_space<vmem>>[vector<16xi32>, vector<16xi32>], vector<16xf32>,
      %add3A_266 = arith.addf %add3A_262, %gather3A_265 : vector<16xf32>
      %broadcast_in_dim3A_267 = arith.constant 11 : i32
      %broadcast_in_dim3A_268 = vector.broadcast %broadcast_in_dim3A_267 : i32 to vector<16xi32>
      %gather3A_269 = tpu.vector_load_idx %arg10[%add3A_222, %broadcast_in_dim3A_268] : memref<128x16xf32, #tpu.memory_space<vmem>>[vector<16xi32>, vector<16xi32>], vector<16xf32>,
      %add3A_270 = arith.addf %add3A_266, %gather3A_269 : vector<16xf32>
      %broadcast_in_dim3A_271 = arith.constant 12 : i32
      %broadcast_in_dim3A_272 = vector.broadcast %broadcast_in_dim3A_271 : i32 to vector<16xi32>
      %gather3A_273 = tpu.vector_load_idx %arg10[%add3A_222, %broadcast_in_dim3A_272] : memref<128x16xf32, #tpu.memory_space<vmem>>[vector<16xi32>, vector<16xi32>], vector<16xf32>,
      %add3A_274 = arith.addf %add3A_270, %gather3A_273 : vector<16xf32>
      %broadcast_in_dim3A_275 = arith.constant 13 : i32
      %broadcast_in_dim3A_276 = vector.broadcast %broadcast_in_dim3A_275 : i32 to vector<16xi32>
      %gather3A_277 = tpu.vector_load_idx %arg10[%add3A_222, %broadcast_in_dim3A_276] : memref<128x16xf32, #tpu.memory_space<vmem>>[vector<16xi32>, vector<16xi32>], vector<16xf32>,
      %add3A_278 = arith.addf %add3A_274, %gather3A_277 : vector<16xf32>
      %broadcast_in_dim3A_279 = arith.constant 14 : i32
      %broadcast_in_dim3A_280 = vector.broadcast %broadcast_in_dim3A_279 : i32 to vector<16xi32>
      %gather3A_281 = tpu.vector_load_idx %arg10[%add3A_222, %broadcast_in_dim3A_280] : memref<128x16xf32, #tpu.memory_space<vmem>>[vector<16xi32>, vector<16xi32>], vector<16xf32>,
      %add3A_282 = arith.addf %add3A_278, %gather3A_281 : vector<16xf32>
      %broadcast_in_dim3A_283 = arith.constant 15 : i32
      %broadcast_in_dim3A_284 = vector.broadcast %broadcast_in_dim3A_283 : i32 to vector<16xi32>
      %gather3A_285 = tpu.vector_load_idx %arg10[%add3A_222, %broadcast_in_dim3A_284] : memref<128x16xf32, #tpu.memory_space<vmem>>[vector<16xi32>, vector<16xi32>], vector<16xf32>,
      %add3A_286 = arith.addf %add3A_282, %gather3A_285 : vector<16xf32>
      %mul3A_287 = arith.constant 16 : i32
      %mul3A_288 = arith.muli %scan3A_218, %mul3A_287 : i32
      %add3A_289 = arith.constant 128 : i32
      %add3A_290 = arith.addi %add3A_289, %mul3A_288 : i32
      %swap3A = arith.index_cast %add3A_290 : i32 to index
      %swap3A_291 = tpu.vector_load %arg11[%swap3A] {strides = array<i32>} : memref<512xf32, #tpu.memory_space<vmem>>, vector<16xf32>,
      tpu.vector_store %arg11[%swap3A], %add3A_286 {strides = array<i32>} : memref<512xf32, #tpu.memory_space<vmem>>, vector<16xf32>,
    }
    %scan3A_127 = arith.constant 8 : i32
    %dma_start3A_128 = arith.constant 1 : i32
    %dma_start3A_129 = arith.constant 0 : i32
    %dma_start3A_130 = arith.constant 0 : i32
    %dma_start3A_131 = tpu.memref_slice %arg8[%dma_start3A_128, %dma_start3A_129, %dma_start3A_130] : memref<2x128x128xi32, #tpu.memory_space<vmem>> -> memref<1x128x128xi32, #tpu.memory_space<vmem>>
    %dma_start3A_132 = tpu.memref_squeeze %dma_start3A_131 : memref<1x128x128xi32, #tpu.memory_space<vmem>> -> memref<128x128xi32, #tpu.memory_space<vmem>>
    %dma_start3A_133 = arith.constant 384 : i32
    %dma_start3A_134 = tpu.memref_slice %arg5[%dma_start3A_133] : memref<512xi32, #tpu.memory_space<vmem>> -> memref<128xi32, #tpu.memory_space<vmem>>
    %dma_start3A_135 = arith.constant 0 : i32
    %dma_start3A_136 = arith.constant 0 : i32
    %dma_start3A_137 = tpu.memref_slice %arg7[%dma_start3A_135, %dma_start3A_136] : memref<1000x128xi32, #tpu.memory_space<vmem_shared>> -> memref<1000x128xi32, #tpu.memory_space<vmem_shared>>
    tpu.enqueue_indirect_dma source(%dma_start3A_137 : memref<1000x128xi32, #tpu.memory_space<vmem_shared>>) target(%dma_start3A_132 : memref<128x128xi32, #tpu.memory_space<vmem>>) offsets(%dma_start3A_134 : memref<128xi32, #tpu.memory_space<vmem>>) semaphore(%arg13 : memref<!tpu.dma_semaphore, #tpu.memory_space<semaphore_mem>>)
    %dma_start3A_138 = arith.constant 1 : i32
    %dma_start3A_139 = arith.constant 0 : i32
    %dma_start3A_140 = arith.constant 0 : i32
    %dma_start3A_141 = tpu.memref_slice %arg9[%dma_start3A_138, %dma_start3A_139, %dma_start3A_140] : memref<2x128x128xi32, #tpu.memory_space<vmem>> -> memref<1x128x128xi32, #tpu.memory_space<vmem>>
    %dma_start3A_142 = tpu.memref_squeeze %dma_start3A_141 : memref<1x128x128xi32, #tpu.memory_space<vmem>> -> memref<128x128xi32, #tpu.memory_space<vmem>>
    %dma_start3A_143 = arith.constant 384 : i32
    %dma_start3A_144 = tpu.memref_slice %arg6[%dma_start3A_143] : memref<512xi32, #tpu.memory_space<vmem>> -> memref<128xi32, #tpu.memory_space<vmem>>
    %dma_start3A_145 = arith.constant 0 : i32
    %dma_start3A_146 = arith.constant 0 : i32
    %dma_start3A_147 = tpu.memref_slice %arg7[%dma_start3A_145, %dma_start3A_146] : memref<1000x128xi32, #tpu.memory_space<vmem_shared>> -> memref<1000x128xi32, #tpu.memory_space<vmem_shared>>
    tpu.enqueue_indirect_dma source(%dma_start3A_147 : memref<1000x128xi32, #tpu.memory_space<vmem_shared>>) target(%dma_start3A_142 : memref<128x128xi32, #tpu.memory_space<vmem>>) offsets(%dma_start3A_144 : memref<128xi32, #tpu.memory_space<vmem>>) semaphore(%arg13 : memref<!tpu.dma_semaphore, #tpu.memory_space<semaphore_mem>>)
    %dma_wait3A_148 = arith.constant 0 : i32
    %dma_wait3A_149 = arith.constant 0 : i32
    %dma_wait3A_150 = arith.constant 0 : i32
    %dma_wait3A_151 = tpu.memref_slice %arg8[%dma_wait3A_148, %dma_wait3A_149, %dma_wait3A_150] : memref<2x128x128xi32, #tpu.memory_space<vmem>> -> memref<1x128x128xi32, #tpu.memory_space<vmem>>
    %dma_wait3A_152 = tpu.memref_squeeze %dma_wait3A_151 : memref<1x128x128xi32, #tpu.memory_space<vmem>> -> memref<128x128xi32, #tpu.memory_space<vmem>>
    %dma_wait3A_153 = arith.constant 256 : i32
    %dma_wait3A_154 = tpu.memref_slice %arg5[%dma_wait3A_153] : memref<512xi32, #tpu.memory_space<vmem>> -> memref<128xi32, #tpu.memory_space<vmem>>
    %dma_wait3A_155 = arith.constant 0 : i32
    %dma_wait3A_156 = arith.constant 0 : i32
    %dma_wait3A_157 = tpu.memref_slice %arg7[%dma_wait3A_155, %dma_wait3A_156] : memref<1000x128xi32, #tpu.memory_space<vmem_shared>> -> memref<1000x128xi32, #tpu.memory_space<vmem_shared>>
    tpu.wait_indirect_dma semaphore(%arg12 : memref<!tpu.dma_semaphore, #tpu.memory_space<semaphore_mem>>) src(%dma_wait3A_157 : memref<1000x128xi32, #tpu.memory_space<vmem_shared>>) dst(%dma_wait3A_152 : memref<128x128xi32, #tpu.memory_space<vmem>>)
    %dma_wait3A_158 = arith.constant 0 : i32
    %dma_wait3A_159 = arith.constant 0 : i32
    %dma_wait3A_160 = arith.constant 0 : i32
    %dma_wait3A_161 = tpu.memref_slice %arg9[%dma_wait3A_158, %dma_wait3A_159, %dma_wait3A_160] : memref<2x128x128xi32, #tpu.memory_space<vmem>> -> memref<1x128x128xi32, #tpu.memory_space<vmem>>
    %dma_wait3A_162 = tpu.memref_squeeze %dma_wait3A_161 : memref<1x128x128xi32, #tpu.memory_space<vmem>> -> memref<128x128xi32, #tpu.memory_space<vmem>>
    %dma_wait3A_163 = arith.constant 256 : i32
    %dma_wait3A_164 = tpu.memref_slice %arg6[%dma_wait3A_163] : memref<512xi32, #tpu.memory_space<vmem>> -> memref<128xi32, #tpu.memory_space<vmem>>
    %dma_wait3A_165 = arith.constant 0 : i32
    %dma_wait3A_166 = arith.constant 0 : i32
    %dma_wait3A_167 = tpu.memref_slice %arg7[%dma_wait3A_165, %dma_wait3A_166] : memref<1000x128xi32, #tpu.memory_space<vmem_shared>> -> memref<1000x128xi32, #tpu.memory_space<vmem_shared>>
    tpu.wait_indirect_dma semaphore(%arg12 : memref<!tpu.dma_semaphore, #tpu.memory_space<semaphore_mem>>) src(%dma_wait3A_167 : memref<1000x128xi32, #tpu.memory_space<vmem_shared>>) dst(%dma_wait3A_162 : memref<128x128xi32, #tpu.memory_space<vmem>>)
    %scan3A_168 = arith.constant 0 : i32
    %scan3A_169 = arith.constant 0 : i32
    %scan3A_170 = arith.constant 128 : i32
    %scan3A_171 = arith.addi %scan3A_169, %scan3A_170 : i32
    %scan3A_172 = arith.constant 1 : i32
    scf.for %scan3A_218 = %scan3A_169 to %scan3A_171 step %scan3A_172  : i32 {
      %broadcast_in_dim3A = arith.constant 0.000000e+00 : f32
      %broadcast_in_dim3A_219 = vector.broadcast %broadcast_in_dim3A : f32 to vector<16xf32>
      %get3A = arith.constant 0 : i32
      %get3A_220 = arith.index_cast %get3A : i32 to index
      %get3A_221 = arith.index_cast %scan3A_218 : i32 to index
      %get3A_222 = arith.constant 0 : index
      %get3A_223 = tpu.vector_load %arg8[%get3A_220, %get3A_221, %get3A_222] {strides = array<i32>} : memref<2x128x128xi32, #tpu.memory_space<vmem>>, vector<16xi32>,
      %get3A_224 = arith.constant 0 : i32
      %get3A_225 = arith.index_cast %get3A_224 : i32 to index
      %get3A_226 = arith.index_cast %scan3A_218 : i32 to index
      %get3A_227 = arith.constant 0 : index
      %get3A_228 = tpu.vector_load %arg9[%get3A_225, %get3A_226, %get3A_227] {strides = array<i32>} : memref<2x128x128xi32, #tpu.memory_space<vmem>>, vector<16xi32>,
      %bitcast3A = vector.bitcast %get3A_223 : vector<16xi32> to vector<32xbf16>
      %bitcast3A_229 = vector.bitcast %get3A_228 : vector<16xi32> to vector<32xbf16>
      %sub3A = arith.subf %bitcast3A, %bitcast3A_229 : vector<32xbf16>
      %abs3A = math.absf %sub3A : vector<32xbf16>
      %unpack3A = tpu.unpack_subelements %abs3A, 0 {pack_format = #tpu.pack_format<interleaved>} : vector<32xbf16> -> vector<16xf32>
      %unpack3A_230 = tpu.unpack_subelements %abs3A, 1 {pack_format = #tpu.pack_format<interleaved>} : vector<32xbf16> -> vector<16xf32>
      %unpack3A_231 = tpu.unpack_subelements %sub3A, 0 {pack_format = #tpu.pack_format<interleaved>} : vector<32xbf16> -> vector<16xf32>
      %unpack3A_232 = tpu.unpack_subelements %sub3A, 1 {pack_format = #tpu.pack_format<interleaved>} : vector<32xbf16> -> vector<16xf32>
      %add3A_233 = arith.addf %unpack3A, %unpack3A_232 : vector<16xf32>
      %max3A = arith.constant 0.000000e+00 : f32
      %max3A_234 = vector.broadcast %max3A : f32 to vector<16xf32>
      %max3A_235 = arith.maximumf %add3A_233, %max3A_234 : vector<16xf32>
      %mul3A_236 = arith.mulf %max3A_235, %max3A_235 : vector<16xf32>
      %add3A_237 = arith.addf %broadcast_in_dim3A_219, %mul3A_236 : vector<16xf32>
      %get3A_238 = arith.constant 0 : i32
      %get3A_239 = arith.index_cast %get3A_238 : i32 to index
      %get3A_240 = arith.index_cast %scan3A_218 : i32 to index
      %get3A_241 = arith.constant 16 : index
      %get3A_242 = tpu.vector_load %arg8[%get3A_239, %get3A_240, %get3A_241] {strides = array<i32>} : memref<2x128x128xi32, #tpu.memory_space<vmem>>, vector<16xi32>,
      %get3A_243 = arith.constant 0 : i32
      %get3A_244 = arith.index_cast %get3A_243 : i32 to index
      %get3A_245 = arith.index_cast %scan3A_218 : i32 to index
      %get3A_246 = arith.constant 16 : index
      %get3A_247 = tpu.vector_load %arg9[%get3A_244, %get3A_245, %get3A_246] {strides = array<i32>} : memref<2x128x128xi32, #tpu.memory_space<vmem>>, vector<16xi32>,
      %bitcast3A_248 = vector.bitcast %get3A_242 : vector<16xi32> to vector<32xbf16>
      %bitcast3A_249 = vector.bitcast %get3A_247 : vector<16xi32> to vector<32xbf16>
      %sub3A_250 = arith.subf %bitcast3A_248, %bitcast3A_249 : vector<32xbf16>
      %abs3A_251 = math.absf %sub3A_250 : vector<32xbf16>
      %unpack3A_252 = tpu.unpack_subelements %abs3A_251, 0 {pack_format = #tpu.pack_format<interleaved>} : vector<32xbf16> -> vector<16xf32>
      %unpack3A_253 = tpu.unpack_subelements %abs3A_251, 1 {pack_format = #tpu.pack_format<interleaved>} : vector<32xbf16> -> vector<16xf32>
      %unpack3A_254 = tpu.unpack_subelements %sub3A_250, 0 {pack_format = #tpu.pack_format<interleaved>} : vector<32xbf16> -> vector<16xf32>
      %unpack3A_255 = tpu.unpack_subelements %sub3A_250, 1 {pack_format = #tpu.pack_format<interleaved>} : vector<32xbf16> -> vector<16xf32>
      %add3A_256 = arith.addf %unpack3A_252, %unpack3A_255 : vector<16xf32>
      %max3A_257 = arith.constant 0.000000e+00 : f32
      %max3A_258 = vector.broadcast %max3A_257 : f32 to vector<16xf32>
      %max3A_259 = arith.maximumf %add3A_256, %max3A_258 : vector<16xf32>
      %mul3A_260 = arith.mulf %max3A_259, %max3A_259 : vector<16xf32>
      %add3A_261 = arith.addf %add3A_237, %mul3A_260 : vector<16xf32>
      %get3A_262 = arith.constant 0 : i32
      %get3A_263 = arith.index_cast %get3A_262 : i32 to index
      %get3A_264 = arith.index_cast %scan3A_218 : i32 to index
      %get3A_265 = arith.constant 32 : index
      %get3A_266 = tpu.vector_load %arg8[%get3A_263, %get3A_264, %get3A_265] {strides = array<i32>} : memref<2x128x128xi32, #tpu.memory_space<vmem>>, vector<16xi32>,
      %get3A_267 = arith.constant 0 : i32
      %get3A_268 = arith.index_cast %get3A_267 : i32 to index
      %get3A_269 = arith.index_cast %scan3A_218 : i32 to index
      %get3A_270 = arith.constant 32 : index
      %get3A_271 = tpu.vector_load %arg9[%get3A_268, %get3A_269, %get3A_270] {strides = array<i32>} : memref<2x128x128xi32, #tpu.memory_space<vmem>>, vector<16xi32>,
      %bitcast3A_272 = vector.bitcast %get3A_266 : vector<16xi32> to vector<32xbf16>
      %bitcast3A_273 = vector.bitcast %get3A_271 : vector<16xi32> to vector<32xbf16>
      %sub3A_274 = arith.subf %bitcast3A_272, %bitcast3A_273 : vector<32xbf16>
      %abs3A_275 = math.absf %sub3A_274 : vector<32xbf16>
      %unpack3A_276 = tpu.unpack_subelements %abs3A_275, 0 {pack_format = #tpu.pack_format<interleaved>} : vector<32xbf16> -> vector<16xf32>
      %unpack3A_277 = tpu.unpack_subelements %abs3A_275, 1 {pack_format = #tpu.pack_format<interleaved>} : vector<32xbf16> -> vector<16xf32>
      %unpack3A_278 = tpu.unpack_subelements %sub3A_274, 0 {pack_format = #tpu.pack_format<interleaved>} : vector<32xbf16> -> vector<16xf32>
      %unpack3A_279 = tpu.unpack_subelements %sub3A_274, 1 {pack_format = #tpu.pack_format<interleaved>} : vector<32xbf16> -> vector<16xf32>
      %add3A_280 = arith.addf %unpack3A_276, %unpack3A_279 : vector<16xf32>
      %max3A_281 = arith.constant 0.000000e+00 : f32
      %max3A_282 = vector.broadcast %max3A_281 : f32 to vector<16xf32>
      %max3A_283 = arith.maximumf %add3A_280, %max3A_282 : vector<16xf32>
      %mul3A_284 = arith.mulf %max3A_283, %max3A_283 : vector<16xf32>
      %add3A_285 = arith.addf %add3A_261, %mul3A_284 : vector<16xf32>
      %get3A_286 = arith.constant 0 : i32
      %get3A_287 = arith.index_cast %get3A_286 : i32 to index
      %get3A_288 = arith.index_cast %scan3A_218 : i32 to index
      %get3A_289 = arith.constant 48 : index
      %get3A_290 = tpu.vector_load %arg8[%get3A_287, %get3A_288, %get3A_289] {strides = array<i32>} : memref<2x128x128xi32, #tpu.memory_space<vmem>>, vector<16xi32>,
      %get3A_291 = arith.constant 0 : i32
      %get3A_292 = arith.index_cast %get3A_291 : i32 to index
      %get3A_293 = arith.index_cast %scan3A_218 : i32 to index
      %get3A_294 = arith.constant 48 : index
      %get3A_295 = tpu.vector_load %arg9[%get3A_292, %get3A_293, %get3A_294] {strides = array<i32>} : memref<2x128x128xi32, #tpu.memory_space<vmem>>, vector<16xi32>,
      %bitcast3A_296 = vector.bitcast %get3A_290 : vector<16xi32> to vector<32xbf16>
      %bitcast3A_297 = vector.bitcast %get3A_295 : vector<16xi32> to vector<32xbf16>
      %sub3A_298 = arith.subf %bitcast3A_296, %bitcast3A_297 : vector<32xbf16>
      %abs3A_299 = math.absf %sub3A_298 : vector<32xbf16>
      %unpack3A_300 = tpu.unpack_subelements %abs3A_299, 0 {pack_format = #tpu.pack_format<interleaved>} : vector<32xbf16> -> vector<16xf32>
      %unpack3A_301 = tpu.unpack_subelements %abs3A_299, 1 {pack_format = #tpu.pack_format<interleaved>} : vector<32xbf16> -> vector<16xf32>
      %unpack3A_302 = tpu.unpack_subelements %sub3A_298, 0 {pack_format = #tpu.pack_format<interleaved>} : vector<32xbf16> -> vector<16xf32>
      %unpack3A_303 = tpu.unpack_subelements %sub3A_298, 1 {pack_format = #tpu.pack_format<interleaved>} : vector<32xbf16> -> vector<16xf32>
      %add3A_304 = arith.addf %unpack3A_300, %unpack3A_303 : vector<16xf32>
      %max3A_305 = arith.constant 0.000000e+00 : f32
      %max3A_306 = vector.broadcast %max3A_305 : f32 to vector<16xf32>
      %max3A_307 = arith.maximumf %add3A_304, %max3A_306 : vector<16xf32>
      %mul3A_308 = arith.mulf %max3A_307, %max3A_307 : vector<16xf32>
      %add3A_309 = arith.addf %add3A_285, %mul3A_308 : vector<16xf32>
      %get3A_310 = arith.constant 0 : i32
      %get3A_311 = arith.index_cast %get3A_310 : i32 to index
      %get3A_312 = arith.index_cast %scan3A_218 : i32 to index
      %get3A_313 = arith.constant 64 : index
      %get3A_314 = tpu.vector_load %arg8[%get3A_311, %get3A_312, %get3A_313] {strides = array<i32>} : memref<2x128x128xi32, #tpu.memory_space<vmem>>, vector<16xi32>,
      %get3A_315 = arith.constant 0 : i32
      %get3A_316 = arith.index_cast %get3A_315 : i32 to index
      %get3A_317 = arith.index_cast %scan3A_218 : i32 to index
      %get3A_318 = arith.constant 64 : index
      %get3A_319 = tpu.vector_load %arg9[%get3A_316, %get3A_317, %get3A_318] {strides = array<i32>} : memref<2x128x128xi32, #tpu.memory_space<vmem>>, vector<16xi32>,
      %bitcast3A_320 = vector.bitcast %get3A_314 : vector<16xi32> to vector<32xbf16>
      %bitcast3A_321 = vector.bitcast %get3A_319 : vector<16xi32> to vector<32xbf16>
      %sub3A_322 = arith.subf %bitcast3A_320, %bitcast3A_321 : vector<32xbf16>
      %abs3A_323 = math.absf %sub3A_322 : vector<32xbf16>
      %unpack3A_324 = tpu.unpack_subelements %abs3A_323, 0 {pack_format = #tpu.pack_format<interleaved>} : vector<32xbf16> -> vector<16xf32>
      %unpack3A_325 = tpu.unpack_subelements %abs3A_323, 1 {pack_format = #tpu.pack_format<interleaved>} : vector<32xbf16> -> vector<16xf32>
      %unpack3A_326 = tpu.unpack_subelements %sub3A_322, 0 {pack_format = #tpu.pack_format<interleaved>} : vector<32xbf16> -> vector<16xf32>
      %unpack3A_327 = tpu.unpack_subelements %sub3A_322, 1 {pack_format = #tpu.pack_format<interleaved>} : vector<32xbf16> -> vector<16xf32>
      %add3A_328 = arith.addf %unpack3A_324, %unpack3A_327 : vector<16xf32>
      %max3A_329 = arith.constant 0.000000e+00 : f32
      %max3A_330 = vector.broadcast %max3A_329 : f32 to vector<16xf32>
      %max3A_331 = arith.maximumf %add3A_328, %max3A_330 : vector<16xf32>
      %mul3A_332 = arith.mulf %max3A_331, %max3A_331 : vector<16xf32>
      %add3A_333 = arith.addf %add3A_309, %mul3A_332 : vector<16xf32>
      %get3A_334 = arith.constant 0 : i32
      %get3A_335 = arith.index_cast %get3A_334 : i32 to index
      %get3A_336 = arith.index_cast %scan3A_218 : i32 to index
      %get3A_337 = arith.constant 80 : index
      %get3A_338 = tpu.vector_load %arg8[%get3A_335, %get3A_336, %get3A_337] {strides = array<i32>} : memref<2x128x128xi32, #tpu.memory_space<vmem>>, vector<16xi32>,
      %get3A_339 = arith.constant 0 : i32
      %get3A_340 = arith.index_cast %get3A_339 : i32 to index
      %get3A_341 = arith.index_cast %scan3A_218 : i32 to index
      %get3A_342 = arith.constant 80 : index
      %get3A_343 = tpu.vector_load %arg9[%get3A_340, %get3A_341, %get3A_342] {strides = array<i32>} : memref<2x128x128xi32, #tpu.memory_space<vmem>>, vector<16xi32>,
      %bitcast3A_344 = vector.bitcast %get3A_338 : vector<16xi32> to vector<32xbf16>
      %bitcast3A_345 = vector.bitcast %get3A_343 : vector<16xi32> to vector<32xbf16>
      %sub3A_346 = arith.subf %bitcast3A_344, %bitcast3A_345 : vector<32xbf16>
      %abs3A_347 = math.absf %sub3A_346 : vector<32xbf16>
      %unpack3A_348 = tpu.unpack_subelements %abs3A_347, 0 {pack_format = #tpu.pack_format<interleaved>} : vector<32xbf16> -> vector<16xf32>
      %unpack3A_349 = tpu.unpack_subelements %abs3A_347, 1 {pack_format = #tpu.pack_format<interleaved>} : vector<32xbf16> -> vector<16xf32>
      %unpack3A_350 = tpu.unpack_subelements %sub3A_346, 0 {pack_format = #tpu.pack_format<interleaved>} : vector<32xbf16> -> vector<16xf32>
      %unpack3A_351 = tpu.unpack_subelements %sub3A_346, 1 {pack_format = #tpu.pack_format<interleaved>} : vector<32xbf16> -> vector<16xf32>
      %add3A_352 = arith.addf %unpack3A_348, %unpack3A_351 : vector<16xf32>
      %max3A_353 = arith.constant 0.000000e+00 : f32
      %max3A_354 = vector.broadcast %max3A_353 : f32 to vector<16xf32>
      %max3A_355 = arith.maximumf %add3A_352, %max3A_354 : vector<16xf32>
      %mul3A_356 = arith.mulf %max3A_355, %max3A_355 : vector<16xf32>
      %add3A_357 = arith.addf %add3A_333, %mul3A_356 : vector<16xf32>
      %get3A_358 = arith.constant 0 : i32
      %get3A_359 = arith.index_cast %get3A_358 : i32 to index
      %get3A_360 = arith.index_cast %scan3A_218 : i32 to index
      %get3A_361 = arith.constant 96 : index
      %get3A_362 = tpu.vector_load %arg8[%get3A_359, %get3A_360, %get3A_361] {strides = array<i32>} : memref<2x128x128xi32, #tpu.memory_space<vmem>>, vector<16xi32>,
      %get3A_363 = arith.constant 0 : i32
      %get3A_364 = arith.index_cast %get3A_363 : i32 to index
      %get3A_365 = arith.index_cast %scan3A_218 : i32 to index
      %get3A_366 = arith.constant 96 : index
      %get3A_367 = tpu.vector_load %arg9[%get3A_364, %get3A_365, %get3A_366] {strides = array<i32>} : memref<2x128x128xi32, #tpu.memory_space<vmem>>, vector<16xi32>,
      %bitcast3A_368 = vector.bitcast %get3A_362 : vector<16xi32> to vector<32xbf16>
      %bitcast3A_369 = vector.bitcast %get3A_367 : vector<16xi32> to vector<32xbf16>
      %sub3A_370 = arith.subf %bitcast3A_368, %bitcast3A_369 : vector<32xbf16>
      %abs3A_371 = math.absf %sub3A_370 : vector<32xbf16>
      %unpack3A_372 = tpu.unpack_subelements %abs3A_371, 0 {pack_format = #tpu.pack_format<interleaved>} : vector<32xbf16> -> vector<16xf32>
      %unpack3A_373 = tpu.unpack_subelements %abs3A_371, 1 {pack_format = #tpu.pack_format<interleaved>} : vector<32xbf16> -> vector<16xf32>
      %unpack3A_374 = tpu.unpack_subelements %sub3A_370, 0 {pack_format = #tpu.pack_format<interleaved>} : vector<32xbf16> -> vector<16xf32>
      %unpack3A_375 = tpu.unpack_subelements %sub3A_370, 1 {pack_format = #tpu.pack_format<interleaved>} : vector<32xbf16> -> vector<16xf32>
      %add3A_376 = arith.addf %unpack3A_372, %unpack3A_375 : vector<16xf32>
      %max3A_377 = arith.constant 0.000000e+00 : f32
      %max3A_378 = vector.broadcast %max3A_377 : f32 to vector<16xf32>
      %max3A_379 = arith.maximumf %add3A_376, %max3A_378 : vector<16xf32>
      %mul3A_380 = arith.mulf %max3A_379, %max3A_379 : vector<16xf32>
      %add3A_381 = arith.addf %add3A_357, %mul3A_380 : vector<16xf32>
      %get3A_382 = arith.constant 0 : i32
      %get3A_383 = arith.index_cast %get3A_382 : i32 to index
      %get3A_384 = arith.index_cast %scan3A_218 : i32 to index
      %get3A_385 = arith.constant 112 : index
      %get3A_386 = tpu.vector_load %arg8[%get3A_383, %get3A_384, %get3A_385] {strides = array<i32>} : memref<2x128x128xi32, #tpu.memory_space<vmem>>, vector<16xi32>,
      %get3A_387 = arith.constant 0 : i32
      %get3A_388 = arith.index_cast %get3A_387 : i32 to index
      %get3A_389 = arith.index_cast %scan3A_218 : i32 to index
      %get3A_390 = arith.constant 112 : index
      %get3A_391 = tpu.vector_load %arg9[%get3A_388, %get3A_389, %get3A_390] {strides = array<i32>} : memref<2x128x128xi32, #tpu.memory_space<vmem>>, vector<16xi32>,
      %bitcast3A_392 = vector.bitcast %get3A_386 : vector<16xi32> to vector<32xbf16>
      %bitcast3A_393 = vector.bitcast %get3A_391 : vector<16xi32> to vector<32xbf16>
      %sub3A_394 = arith.subf %bitcast3A_392, %bitcast3A_393 : vector<32xbf16>
      %abs3A_395 = math.absf %sub3A_394 : vector<32xbf16>
      %unpack3A_396 = tpu.unpack_subelements %abs3A_395, 0 {pack_format = #tpu.pack_format<interleaved>} : vector<32xbf16> -> vector<16xf32>
      %unpack3A_397 = tpu.unpack_subelements %abs3A_395, 1 {pack_format = #tpu.pack_format<interleaved>} : vector<32xbf16> -> vector<16xf32>
      %unpack3A_398 = tpu.unpack_subelements %sub3A_394, 0 {pack_format = #tpu.pack_format<interleaved>} : vector<32xbf16> -> vector<16xf32>
      %unpack3A_399 = tpu.unpack_subelements %sub3A_394, 1 {pack_format = #tpu.pack_format<interleaved>} : vector<32xbf16> -> vector<16xf32>
      %add3A_400 = arith.addf %unpack3A_396, %unpack3A_399 : vector<16xf32>
      %max3A_401 = arith.constant 0.000000e+00 : f32
      %max3A_402 = vector.broadcast %max3A_401 : f32 to vector<16xf32>
      %max3A_403 = arith.maximumf %add3A_400, %max3A_402 : vector<16xf32>
      %mul3A_404 = arith.mulf %max3A_403, %max3A_403 : vector<16xf32>
      %add3A_405 = arith.addf %add3A_381, %mul3A_404 : vector<16xf32>
      %swap3A = arith.index_cast %scan3A_218 : i32 to index
      %swap3A_406 = arith.constant 0 : index
      %swap3A_407 = tpu.vector_load %arg10[%swap3A, %swap3A_406] {strides = array<i32>} : memref<128x16xf32, #tpu.memory_space<vmem>>, vector<16xf32>,
      tpu.vector_store %arg10[%swap3A, %swap3A_406], %add3A_405 {strides = array<i32>} : memref<128x16xf32, #tpu.memory_space<vmem>>, vector<16xf32>,
    }
    %scan3A_173 = arith.constant 128 : i32
    %scan3A_174 = arith.constant 0 : i32
    %scan3A_175 = arith.constant 0 : i32
    %scan3A_176 = arith.constant 8 : i32
    %scan3A_177 = arith.addi %scan3A_175, %scan3A_176 : i32
    %scan3A_178 = arith.constant 1 : i32
    scf.for %scan3A_218 = %scan3A_175 to %scan3A_177 step %scan3A_178  : i32 {
      %mul3A_219 = arith.constant 16 : i32
      %mul3A_220 = arith.muli %scan3A_218, %mul3A_219 : i32
      %iota3A = tpu.iota {dimensions = array<i32: 0>} : vector<16xi32>
      %add3A_221 = vector.broadcast %mul3A_220 : i32 to vector<16xi32>
      %add3A_222 = arith.addi %add3A_221, %iota3A : vector<16xi32>
      %broadcast_in_dim3A = arith.constant 0.000000e+00 : f32
      %broadcast_in_dim3A_223 = vector.broadcast %broadcast_in_dim3A : f32 to vector<16xf32>
      %broadcast_in_dim3A_224 = arith.constant 0 : i32
      %broadcast_in_dim3A_225 = vector.broadcast %broadcast_in_dim3A_224 : i32 to vector<16xi32>
      %gather3A = tpu.vector_load_idx %arg10[%add3A_222, %broadcast_in_dim3A_225] : memref<128x16xf32, #tpu.memory_space<vmem>>[vector<16xi32>, vector<16xi32>], vector<16xf32>,
      %add3A_226 = arith.addf %broadcast_in_dim3A_223, %gather3A : vector<16xf32>
      %broadcast_in_dim3A_227 = arith.constant 1 : i32
      %broadcast_in_dim3A_228 = vector.broadcast %broadcast_in_dim3A_227 : i32 to vector<16xi32>
      %gather3A_229 = tpu.vector_load_idx %arg10[%add3A_222, %broadcast_in_dim3A_228] : memref<128x16xf32, #tpu.memory_space<vmem>>[vector<16xi32>, vector<16xi32>], vector<16xf32>,
      %add3A_230 = arith.addf %add3A_226, %gather3A_229 : vector<16xf32>
      %broadcast_in_dim3A_231 = arith.constant 2 : i32
      %broadcast_in_dim3A_232 = vector.broadcast %broadcast_in_dim3A_231 : i32 to vector<16xi32>
      %gather3A_233 = tpu.vector_load_idx %arg10[%add3A_222, %broadcast_in_dim3A_232] : memref<128x16xf32, #tpu.memory_space<vmem>>[vector<16xi32>, vector<16xi32>], vector<16xf32>,
      %add3A_234 = arith.addf %add3A_230, %gather3A_233 : vector<16xf32>
      %broadcast_in_dim3A_235 = arith.constant 3 : i32
      %broadcast_in_dim3A_236 = vector.broadcast %broadcast_in_dim3A_235 : i32 to vector<16xi32>
      %gather3A_237 = tpu.vector_load_idx %arg10[%add3A_222, %broadcast_in_dim3A_236] : memref<128x16xf32, #tpu.memory_space<vmem>>[vector<16xi32>, vector<16xi32>], vector<16xf32>,
      %add3A_238 = arith.addf %add3A_234, %gather3A_237 : vector<16xf32>
      %broadcast_in_dim3A_239 = arith.constant 4 : i32
      %broadcast_in_dim3A_240 = vector.broadcast %broadcast_in_dim3A_239 : i32 to vector<16xi32>
      %gather3A_241 = tpu.vector_load_idx %arg10[%add3A_222, %broadcast_in_dim3A_240] : memref<128x16xf32, #tpu.memory_space<vmem>>[vector<16xi32>, vector<16xi32>], vector<16xf32>,
      %add3A_242 = arith.addf %add3A_238, %gather3A_241 : vector<16xf32>
      %broadcast_in_dim3A_243 = arith.constant 5 : i32
      %broadcast_in_dim3A_244 = vector.broadcast %broadcast_in_dim3A_243 : i32 to vector<16xi32>
      %gather3A_245 = tpu.vector_load_idx %arg10[%add3A_222, %broadcast_in_dim3A_244] : memref<128x16xf32, #tpu.memory_space<vmem>>[vector<16xi32>, vector<16xi32>], vector<16xf32>,
      %add3A_246 = arith.addf %add3A_242, %gather3A_245 : vector<16xf32>
      %broadcast_in_dim3A_247 = arith.constant 6 : i32
      %broadcast_in_dim3A_248 = vector.broadcast %broadcast_in_dim3A_247 : i32 to vector<16xi32>
      %gather3A_249 = tpu.vector_load_idx %arg10[%add3A_222, %broadcast_in_dim3A_248] : memref<128x16xf32, #tpu.memory_space<vmem>>[vector<16xi32>, vector<16xi32>], vector<16xf32>,
      %add3A_250 = arith.addf %add3A_246, %gather3A_249 : vector<16xf32>
      %broadcast_in_dim3A_251 = arith.constant 7 : i32
      %broadcast_in_dim3A_252 = vector.broadcast %broadcast_in_dim3A_251 : i32 to vector<16xi32>
      %gather3A_253 = tpu.vector_load_idx %arg10[%add3A_222, %broadcast_in_dim3A_252] : memref<128x16xf32, #tpu.memory_space<vmem>>[vector<16xi32>, vector<16xi32>], vector<16xf32>,
      %add3A_254 = arith.addf %add3A_250, %gather3A_253 : vector<16xf32>
      %broadcast_in_dim3A_255 = arith.constant 8 : i32
      %broadcast_in_dim3A_256 = vector.broadcast %broadcast_in_dim3A_255 : i32 to vector<16xi32>
      %gather3A_257 = tpu.vector_load_idx %arg10[%add3A_222, %broadcast_in_dim3A_256] : memref<128x16xf32, #tpu.memory_space<vmem>>[vector<16xi32>, vector<16xi32>], vector<16xf32>,
      %add3A_258 = arith.addf %add3A_254, %gather3A_257 : vector<16xf32>
      %broadcast_in_dim3A_259 = arith.constant 9 : i32
      %broadcast_in_dim3A_260 = vector.broadcast %broadcast_in_dim3A_259 : i32 to vector<16xi32>
      %gather3A_261 = tpu.vector_load_idx %arg10[%add3A_222, %broadcast_in_dim3A_260] : memref<128x16xf32, #tpu.memory_space<vmem>>[vector<16xi32>, vector<16xi32>], vector<16xf32>,
      %add3A_262 = arith.addf %add3A_258, %gather3A_261 : vector<16xf32>
      %broadcast_in_dim3A_263 = arith.constant 10 : i32
      %broadcast_in_dim3A_264 = vector.broadcast %broadcast_in_dim3A_263 : i32 to vector<16xi32>
      %gather3A_265 = tpu.vector_load_idx %arg10[%add3A_222, %broadcast_in_dim3A_264] : memref<128x16xf32, #tpu.memory_space<vmem>>[vector<16xi32>, vector<16xi32>], vector<16xf32>,
      %add3A_266 = arith.addf %add3A_262, %gather3A_265 : vector<16xf32>
      %broadcast_in_dim3A_267 = arith.constant 11 : i32
      %broadcast_in_dim3A_268 = vector.broadcast %broadcast_in_dim3A_267 : i32 to vector<16xi32>
      %gather3A_269 = tpu.vector_load_idx %arg10[%add3A_222, %broadcast_in_dim3A_268] : memref<128x16xf32, #tpu.memory_space<vmem>>[vector<16xi32>, vector<16xi32>], vector<16xf32>,
      %add3A_270 = arith.addf %add3A_266, %gather3A_269 : vector<16xf32>
      %broadcast_in_dim3A_271 = arith.constant 12 : i32
      %broadcast_in_dim3A_272 = vector.broadcast %broadcast_in_dim3A_271 : i32 to vector<16xi32>
      %gather3A_273 = tpu.vector_load_idx %arg10[%add3A_222, %broadcast_in_dim3A_272] : memref<128x16xf32, #tpu.memory_space<vmem>>[vector<16xi32>, vector<16xi32>], vector<16xf32>,
      %add3A_274 = arith.addf %add3A_270, %gather3A_273 : vector<16xf32>
      %broadcast_in_dim3A_275 = arith.constant 13 : i32
      %broadcast_in_dim3A_276 = vector.broadcast %broadcast_in_dim3A_275 : i32 to vector<16xi32>
      %gather3A_277 = tpu.vector_load_idx %arg10[%add3A_222, %broadcast_in_dim3A_276] : memref<128x16xf32, #tpu.memory_space<vmem>>[vector<16xi32>, vector<16xi32>], vector<16xf32>,
      %add3A_278 = arith.addf %add3A_274, %gather3A_277 : vector<16xf32>
      %broadcast_in_dim3A_279 = arith.constant 14 : i32
      %broadcast_in_dim3A_280 = vector.broadcast %broadcast_in_dim3A_279 : i32 to vector<16xi32>
      %gather3A_281 = tpu.vector_load_idx %arg10[%add3A_222, %broadcast_in_dim3A_280] : memref<128x16xf32, #tpu.memory_space<vmem>>[vector<16xi32>, vector<16xi32>], vector<16xf32>,
      %add3A_282 = arith.addf %add3A_278, %gather3A_281 : vector<16xf32>
      %broadcast_in_dim3A_283 = arith.constant 15 : i32
      %broadcast_in_dim3A_284 = vector.broadcast %broadcast_in_dim3A_283 : i32 to vector<16xi32>
      %gather3A_285 = tpu.vector_load_idx %arg10[%add3A_222, %broadcast_in_dim3A_284] : memref<128x16xf32, #tpu.memory_space<vmem>>[vector<16xi32>, vector<16xi32>], vector<16xf32>,
      %add3A_286 = arith.addf %add3A_282, %gather3A_285 : vector<16xf32>
      %mul3A_287 = arith.constant 16 : i32
      %mul3A_288 = arith.muli %scan3A_218, %mul3A_287 : i32
      %add3A_289 = arith.constant 256 : i32
      %add3A_290 = arith.addi %add3A_289, %mul3A_288 : i32
      %swap3A = arith.index_cast %add3A_290 : i32 to index
      %swap3A_291 = tpu.vector_load %arg11[%swap3A] {strides = array<i32>} : memref<512xf32, #tpu.memory_space<vmem>>, vector<16xf32>,
      tpu.vector_store %arg11[%swap3A], %add3A_286 {strides = array<i32>} : memref<512xf32, #tpu.memory_space<vmem>>, vector<16xf32>,
    }
    %scan3A_179 = arith.constant 8 : i32
    %dma_wait3A_180 = arith.constant 1 : i32
    %dma_wait3A_181 = arith.constant 0 : i32
    %dma_wait3A_182 = arith.constant 0 : i32
    %dma_wait3A_183 = tpu.memref_slice %arg8[%dma_wait3A_180, %dma_wait3A_181, %dma_wait3A_182] : memref<2x128x128xi32, #tpu.memory_space<vmem>> -> memref<1x128x128xi32, #tpu.memory_space<vmem>>
    %dma_wait3A_184 = tpu.memref_squeeze %dma_wait3A_183 : memref<1x128x128xi32, #tpu.memory_space<vmem>> -> memref<128x128xi32, #tpu.memory_space<vmem>>
    %dma_wait3A_185 = arith.constant 384 : i32
    %dma_wait3A_186 = tpu.memref_slice %arg5[%dma_wait3A_185] : memref<512xi32, #tpu.memory_space<vmem>> -> memref<128xi32, #tpu.memory_space<vmem>>
    %dma_wait3A_187 = arith.constant 0 : i32
    %dma_wait3A_188 = arith.constant 0 : i32
    %dma_wait3A_189 = tpu.memref_slice %arg7[%dma_wait3A_187, %dma_wait3A_188] : memref<1000x128xi32, #tpu.memory_space<vmem_shared>> -> memref<1000x128xi32, #tpu.memory_space<vmem_shared>>
    tpu.wait_indirect_dma semaphore(%arg13 : memref<!tpu.dma_semaphore, #tpu.memory_space<semaphore_mem>>) src(%dma_wait3A_189 : memref<1000x128xi32, #tpu.memory_space<vmem_shared>>) dst(%dma_wait3A_184 : memref<128x128xi32, #tpu.memory_space<vmem>>)
    %dma_wait3A_190 = arith.constant 1 : i32
    %dma_wait3A_191 = arith.constant 0 : i32
    %dma_wait3A_192 = arith.constant 0 : i32
    %dma_wait3A_193 = tpu.memref_slice %arg9[%dma_wait3A_190, %dma_wait3A_191, %dma_wait3A_192] : memref<2x128x128xi32, #tpu.memory_space<vmem>> -> memref<1x128x128xi32, #tpu.memory_space<vmem>>
    %dma_wait3A_194 = tpu.memref_squeeze %dma_wait3A_193 : memref<1x128x128xi32, #tpu.memory_space<vmem>> -> memref<128x128xi32, #tpu.memory_space<vmem>>
    %dma_wait3A_195 = arith.constant 384 : i32
    %dma_wait3A_196 = tpu.memref_slice %arg6[%dma_wait3A_195] : memref<512xi32, #tpu.memory_space<vmem>> -> memref<128xi32, #tpu.memory_space<vmem>>
    %dma_wait3A_197 = arith.constant 0 : i32
    %dma_wait3A_198 = arith.constant 0 : i32
    %dma_wait3A_199 = tpu.memref_slice %arg7[%dma_wait3A_197, %dma_wait3A_198] : memref<1000x128xi32, #tpu.memory_space<vmem_shared>> -> memref<1000x128xi32, #tpu.memory_space<vmem_shared>>
    tpu.wait_indirect_dma semaphore(%arg13 : memref<!tpu.dma_semaphore, #tpu.memory_space<semaphore_mem>>) src(%dma_wait3A_199 : memref<1000x128xi32, #tpu.memory_space<vmem_shared>>) dst(%dma_wait3A_194 : memref<128x128xi32, #tpu.memory_space<vmem>>)
    %scan3A_200 = arith.constant 0 : i32
    %scan3A_201 = arith.constant 0 : i32
    %scan3A_202 = arith.constant 128 : i32
    %scan3A_203 = arith.addi %scan3A_201, %scan3A_202 : i32
    %scan3A_204 = arith.constant 1 : i32
    scf.for %scan3A_218 = %scan3A_201 to %scan3A_203 step %scan3A_204  : i32 {
      %broadcast_in_dim3A = arith.constant 0.000000e+00 : f32
      %broadcast_in_dim3A_219 = vector.broadcast %broadcast_in_dim3A : f32 to vector<16xf32>
      %get3A = arith.constant 1 : i32
      %get3A_220 = arith.index_cast %get3A : i32 to index
      %get3A_221 = arith.index_cast %scan3A_218 : i32 to index
      %get3A_222 = arith.constant 0 : index
      %get3A_223 = tpu.vector_load %arg8[%get3A_220, %get3A_221, %get3A_222] {strides = array<i32>} : memref<2x128x128xi32, #tpu.memory_space<vmem>>, vector<16xi32>,
      %get3A_224 = arith.constant 1 : i32
      %get3A_225 = arith.index_cast %get3A_224 : i32 to index
      %get3A_226 = arith.index_cast %scan3A_218 : i32 to index
      %get3A_227 = arith.constant 0 : index
      %get3A_228 = tpu.vector_load %arg9[%get3A_225, %get3A_226, %get3A_227] {strides = array<i32>} : memref<2x128x128xi32, #tpu.memory_space<vmem>>, vector<16xi32>,
      %bitcast3A = vector.bitcast %get3A_223 : vector<16xi32> to vector<32xbf16>
      %bitcast3A_229 = vector.bitcast %get3A_228 : vector<16xi32> to vector<32xbf16>
      %sub3A = arith.subf %bitcast3A, %bitcast3A_229 : vector<32xbf16>
      %abs3A = math.absf %sub3A : vector<32xbf16>
      %unpack3A = tpu.unpack_subelements %abs3A, 0 {pack_format = #tpu.pack_format<interleaved>} : vector<32xbf16> -> vector<16xf32>
      %unpack3A_230 = tpu.unpack_subelements %abs3A, 1 {pack_format = #tpu.pack_format<interleaved>} : vector<32xbf16> -> vector<16xf32>
      %unpack3A_231 = tpu.unpack_subelements %sub3A, 0 {pack_format = #tpu.pack_format<interleaved>} : vector<32xbf16> -> vector<16xf32>
      %unpack3A_232 = tpu.unpack_subelements %sub3A, 1 {pack_format = #tpu.pack_format<interleaved>} : vector<32xbf16> -> vector<16xf32>
      %add3A_233 = arith.addf %unpack3A, %unpack3A_232 : vector<16xf32>
      %max3A = arith.constant 0.000000e+00 : f32
      %max3A_234 = vector.broadcast %max3A : f32 to vector<16xf32>
      %max3A_235 = arith.maximumf %add3A_233, %max3A_234 : vector<16xf32>
      %mul3A_236 = arith.mulf %max3A_235, %max3A_235 : vector<16xf32>
      %add3A_237 = arith.addf %broadcast_in_dim3A_219, %mul3A_236 : vector<16xf32>
      %get3A_238 = arith.constant 1 : i32
      %get3A_239 = arith.index_cast %get3A_238 : i32 to index
      %get3A_240 = arith.index_cast %scan3A_218 : i32 to index
      %get3A_241 = arith.constant 16 : index
      %get3A_242 = tpu.vector_load %arg8[%get3A_239, %get3A_240, %get3A_241] {strides = array<i32>} : memref<2x128x128xi32, #tpu.memory_space<vmem>>, vector<16xi32>,
      %get3A_243 = arith.constant 1 : i32
      %get3A_244 = arith.index_cast %get3A_243 : i32 to index
      %get3A_245 = arith.index_cast %scan3A_218 : i32 to index
      %get3A_246 = arith.constant 16 : index
      %get3A_247 = tpu.vector_load %arg9[%get3A_244, %get3A_245, %get3A_246] {strides = array<i32>} : memref<2x128x128xi32, #tpu.memory_space<vmem>>, vector<16xi32>,
      %bitcast3A_248 = vector.bitcast %get3A_242 : vector<16xi32> to vector<32xbf16>
      %bitcast3A_249 = vector.bitcast %get3A_247 : vector<16xi32> to vector<32xbf16>
      %sub3A_250 = arith.subf %bitcast3A_248, %bitcast3A_249 : vector<32xbf16>
      %abs3A_251 = math.absf %sub3A_250 : vector<32xbf16>
      %unpack3A_252 = tpu.unpack_subelements %abs3A_251, 0 {pack_format = #tpu.pack_format<interleaved>} : vector<32xbf16> -> vector<16xf32>
      %unpack3A_253 = tpu.unpack_subelements %abs3A_251, 1 {pack_format = #tpu.pack_format<interleaved>} : vector<32xbf16> -> vector<16xf32>
      %unpack3A_254 = tpu.unpack_subelements %sub3A_250, 0 {pack_format = #tpu.pack_format<interleaved>} : vector<32xbf16> -> vector<16xf32>
      %unpack3A_255 = tpu.unpack_subelements %sub3A_250, 1 {pack_format = #tpu.pack_format<interleaved>} : vector<32xbf16> -> vector<16xf32>
      %add3A_256 = arith.addf %unpack3A_252, %unpack3A_255 : vector<16xf32>
      %max3A_257 = arith.constant 0.000000e+00 : f32
      %max3A_258 = vector.broadcast %max3A_257 : f32 to vector<16xf32>
      %max3A_259 = arith.maximumf %add3A_256, %max3A_258 : vector<16xf32>
      %mul3A_260 = arith.mulf %max3A_259, %max3A_259 : vector<16xf32>
      %add3A_261 = arith.addf %add3A_237, %mul3A_260 : vector<16xf32>
      %get3A_262 = arith.constant 1 : i32
      %get3A_263 = arith.index_cast %get3A_262 : i32 to index
      %get3A_264 = arith.index_cast %scan3A_218 : i32 to index
      %get3A_265 = arith.constant 32 : index
      %get3A_266 = tpu.vector_load %arg8[%get3A_263, %get3A_264, %get3A_265] {strides = array<i32>} : memref<2x128x128xi32, #tpu.memory_space<vmem>>, vector<16xi32>,
      %get3A_267 = arith.constant 1 : i32
      %get3A_268 = arith.index_cast %get3A_267 : i32 to index
      %get3A_269 = arith.index_cast %scan3A_218 : i32 to index
      %get3A_270 = arith.constant 32 : index
      %get3A_271 = tpu.vector_load %arg9[%get3A_268, %get3A_269, %get3A_270] {strides = array<i32>} : memref<2x128x128xi32, #tpu.memory_space<vmem>>, vector<16xi32>,
      %bitcast3A_272 = vector.bitcast %get3A_266 : vector<16xi32> to vector<32xbf16>
      %bitcast3A_273 = vector.bitcast %get3A_271 : vector<16xi32> to vector<32xbf16>
      %sub3A_274 = arith.subf %bitcast3A_272, %bitcast3A_273 : vector<32xbf16>
      %abs3A_275 = math.absf %sub3A_274 : vector<32xbf16>
      %unpack3A_276 = tpu.unpack_subelements %abs3A_275, 0 {pack_format = #tpu.pack_format<interleaved>} : vector<32xbf16> -> vector<16xf32>
      %unpack3A_277 = tpu.unpack_subelements %abs3A_275, 1 {pack_format = #tpu.pack_format<interleaved>} : vector<32xbf16> -> vector<16xf32>
      %unpack3A_278 = tpu.unpack_subelements %sub3A_274, 0 {pack_format = #tpu.pack_format<interleaved>} : vector<32xbf16> -> vector<16xf32>
      %unpack3A_279 = tpu.unpack_subelements %sub3A_274, 1 {pack_format = #tpu.pack_format<interleaved>} : vector<32xbf16> -> vector<16xf32>
      %add3A_280 = arith.addf %unpack3A_276, %unpack3A_279 : vector<16xf32>
      %max3A_281 = arith.constant 0.000000e+00 : f32
      %max3A_282 = vector.broadcast %max3A_281 : f32 to vector<16xf32>
      %max3A_283 = arith.maximumf %add3A_280, %max3A_282 : vector<16xf32>
      %mul3A_284 = arith.mulf %max3A_283, %max3A_283 : vector<16xf32>
      %add3A_285 = arith.addf %add3A_261, %mul3A_284 : vector<16xf32>
      %get3A_286 = arith.constant 1 : i32
      %get3A_287 = arith.index_cast %get3A_286 : i32 to index
      %get3A_288 = arith.index_cast %scan3A_218 : i32 to index
      %get3A_289 = arith.constant 48 : index
      %get3A_290 = tpu.vector_load %arg8[%get3A_287, %get3A_288, %get3A_289] {strides = array<i32>} : memref<2x128x128xi32, #tpu.memory_space<vmem>>, vector<16xi32>,
      %get3A_291 = arith.constant 1 : i32
      %get3A_292 = arith.index_cast %get3A_291 : i32 to index
      %get3A_293 = arith.index_cast %scan3A_218 : i32 to index
      %get3A_294 = arith.constant 48 : index
      %get3A_295 = tpu.vector_load %arg9[%get3A_292, %get3A_293, %get3A_294] {strides = array<i32>} : memref<2x128x128xi32, #tpu.memory_space<vmem>>, vector<16xi32>,
      %bitcast3A_296 = vector.bitcast %get3A_290 : vector<16xi32> to vector<32xbf16>
      %bitcast3A_297 = vector.bitcast %get3A_295 : vector<16xi32> to vector<32xbf16>
      %sub3A_298 = arith.subf %bitcast3A_296, %bitcast3A_297 : vector<32xbf16>
      %abs3A_299 = math.absf %sub3A_298 : vector<32xbf16>
      %unpack3A_300 = tpu.unpack_subelements %abs3A_299, 0 {pack_format = #tpu.pack_format<interleaved>} : vector<32xbf16> -> vector<16xf32>
      %unpack3A_301 = tpu.unpack_subelements %abs3A_299, 1 {pack_format = #tpu.pack_format<interleaved>} : vector<32xbf16> -> vector<16xf32>
      %unpack3A_302 = tpu.unpack_subelements %sub3A_298, 0 {pack_format = #tpu.pack_format<interleaved>} : vector<32xbf16> -> vector<16xf32>
      %unpack3A_303 = tpu.unpack_subelements %sub3A_298, 1 {pack_format = #tpu.pack_format<interleaved>} : vector<32xbf16> -> vector<16xf32>
      %add3A_304 = arith.addf %unpack3A_300, %unpack3A_303 : vector<16xf32>
      %max3A_305 = arith.constant 0.000000e+00 : f32
      %max3A_306 = vector.broadcast %max3A_305 : f32 to vector<16xf32>
      %max3A_307 = arith.maximumf %add3A_304, %max3A_306 : vector<16xf32>
      %mul3A_308 = arith.mulf %max3A_307, %max3A_307 : vector<16xf32>
      %add3A_309 = arith.addf %add3A_285, %mul3A_308 : vector<16xf32>
      %get3A_310 = arith.constant 1 : i32
      %get3A_311 = arith.index_cast %get3A_310 : i32 to index
      %get3A_312 = arith.index_cast %scan3A_218 : i32 to index
      %get3A_313 = arith.constant 64 : index
      %get3A_314 = tpu.vector_load %arg8[%get3A_311, %get3A_312, %get3A_313] {strides = array<i32>} : memref<2x128x128xi32, #tpu.memory_space<vmem>>, vector<16xi32>,
      %get3A_315 = arith.constant 1 : i32
      %get3A_316 = arith.index_cast %get3A_315 : i32 to index
      %get3A_317 = arith.index_cast %scan3A_218 : i32 to index
      %get3A_318 = arith.constant 64 : index
      %get3A_319 = tpu.vector_load %arg9[%get3A_316, %get3A_317, %get3A_318] {strides = array<i32>} : memref<2x128x128xi32, #tpu.memory_space<vmem>>, vector<16xi32>,
      %bitcast3A_320 = vector.bitcast %get3A_314 : vector<16xi32> to vector<32xbf16>
      %bitcast3A_321 = vector.bitcast %get3A_319 : vector<16xi32> to vector<32xbf16>
      %sub3A_322 = arith.subf %bitcast3A_320, %bitcast3A_321 : vector<32xbf16>
      %abs3A_323 = math.absf %sub3A_322 : vector<32xbf16>
      %unpack3A_324 = tpu.unpack_subelements %abs3A_323, 0 {pack_format = #tpu.pack_format<interleaved>} : vector<32xbf16> -> vector<16xf32>
      %unpack3A_325 = tpu.unpack_subelements %abs3A_323, 1 {pack_format = #tpu.pack_format<interleaved>} : vector<32xbf16> -> vector<16xf32>
      %unpack3A_326 = tpu.unpack_subelements %sub3A_322, 0 {pack_format = #tpu.pack_format<interleaved>} : vector<32xbf16> -> vector<16xf32>
      %unpack3A_327 = tpu.unpack_subelements %sub3A_322, 1 {pack_format = #tpu.pack_format<interleaved>} : vector<32xbf16> -> vector<16xf32>
      %add3A_328 = arith.addf %unpack3A_324, %unpack3A_327 : vector<16xf32>
      %max3A_329 = arith.constant 0.000000e+00 : f32
      %max3A_330 = vector.broadcast %max3A_329 : f32 to vector<16xf32>
      %max3A_331 = arith.maximumf %add3A_328, %max3A_330 : vector<16xf32>
      %mul3A_332 = arith.mulf %max3A_331, %max3A_331 : vector<16xf32>
      %add3A_333 = arith.addf %add3A_309, %mul3A_332 : vector<16xf32>
      %get3A_334 = arith.constant 1 : i32
      %get3A_335 = arith.index_cast %get3A_334 : i32 to index
      %get3A_336 = arith.index_cast %scan3A_218 : i32 to index
      %get3A_337 = arith.constant 80 : index
      %get3A_338 = tpu.vector_load %arg8[%get3A_335, %get3A_336, %get3A_337] {strides = array<i32>} : memref<2x128x128xi32, #tpu.memory_space<vmem>>, vector<16xi32>,
      %get3A_339 = arith.constant 1 : i32
      %get3A_340 = arith.index_cast %get3A_339 : i32 to index
      %get3A_341 = arith.index_cast %scan3A_218 : i32 to index
      %get3A_342 = arith.constant 80 : index
      %get3A_343 = tpu.vector_load %arg9[%get3A_340, %get3A_341, %get3A_342] {strides = array<i32>} : memref<2x128x128xi32, #tpu.memory_space<vmem>>, vector<16xi32>,
      %bitcast3A_344 = vector.bitcast %get3A_338 : vector<16xi32> to vector<32xbf16>
      %bitcast3A_345 = vector.bitcast %get3A_343 : vector<16xi32> to vector<32xbf16>
      %sub3A_346 = arith.subf %bitcast3A_344, %bitcast3A_345 : vector<32xbf16>
      %abs3A_347 = math.absf %sub3A_346 : vector<32xbf16>
      %unpack3A_348 = tpu.unpack_subelements %abs3A_347, 0 {pack_format = #tpu.pack_format<interleaved>} : vector<32xbf16> -> vector<16xf32>
      %unpack3A_349 = tpu.unpack_subelements %abs3A_347, 1 {pack_format = #tpu.pack_format<interleaved>} : vector<32xbf16> -> vector<16xf32>
      %unpack3A_350 = tpu.unpack_subelements %sub3A_346, 0 {pack_format = #tpu.pack_format<interleaved>} : vector<32xbf16> -> vector<16xf32>
      %unpack3A_351 = tpu.unpack_subelements %sub3A_346, 1 {pack_format = #tpu.pack_format<interleaved>} : vector<32xbf16> -> vector<16xf32>
      %add3A_352 = arith.addf %unpack3A_348, %unpack3A_351 : vector<16xf32>
      %max3A_353 = arith.constant 0.000000e+00 : f32
      %max3A_354 = vector.broadcast %max3A_353 : f32 to vector<16xf32>
      %max3A_355 = arith.maximumf %add3A_352, %max3A_354 : vector<16xf32>
      %mul3A_356 = arith.mulf %max3A_355, %max3A_355 : vector<16xf32>
      %add3A_357 = arith.addf %add3A_333, %mul3A_356 : vector<16xf32>
      %get3A_358 = arith.constant 1 : i32
      %get3A_359 = arith.index_cast %get3A_358 : i32 to index
      %get3A_360 = arith.index_cast %scan3A_218 : i32 to index
      %get3A_361 = arith.constant 96 : index
      %get3A_362 = tpu.vector_load %arg8[%get3A_359, %get3A_360, %get3A_361] {strides = array<i32>} : memref<2x128x128xi32, #tpu.memory_space<vmem>>, vector<16xi32>,
      %get3A_363 = arith.constant 1 : i32
      %get3A_364 = arith.index_cast %get3A_363 : i32 to index
      %get3A_365 = arith.index_cast %scan3A_218 : i32 to index
      %get3A_366 = arith.constant 96 : index
      %get3A_367 = tpu.vector_load %arg9[%get3A_364, %get3A_365, %get3A_366] {strides = array<i32>} : memref<2x128x128xi32, #tpu.memory_space<vmem>>, vector<16xi32>,
      %bitcast3A_368 = vector.bitcast %get3A_362 : vector<16xi32> to vector<32xbf16>
      %bitcast3A_369 = vector.bitcast %get3A_367 : vector<16xi32> to vector<32xbf16>
      %sub3A_370 = arith.subf %bitcast3A_368, %bitcast3A_369 : vector<32xbf16>
      %abs3A_371 = math.absf %sub3A_370 : vector<32xbf16>
      %unpack3A_372 = tpu.unpack_subelements %abs3A_371, 0 {pack_format = #tpu.pack_format<interleaved>} : vector<32xbf16> -> vector<16xf32>
      %unpack3A_373 = tpu.unpack_subelements %abs3A_371, 1 {pack_format = #tpu.pack_format<interleaved>} : vector<32xbf16> -> vector<16xf32>
      %unpack3A_374 = tpu.unpack_subelements %sub3A_370, 0 {pack_format = #tpu.pack_format<interleaved>} : vector<32xbf16> -> vector<16xf32>
      %unpack3A_375 = tpu.unpack_subelements %sub3A_370, 1 {pack_format = #tpu.pack_format<interleaved>} : vector<32xbf16> -> vector<16xf32>
      %add3A_376 = arith.addf %unpack3A_372, %unpack3A_375 : vector<16xf32>
      %max3A_377 = arith.constant 0.000000e+00 : f32
      %max3A_378 = vector.broadcast %max3A_377 : f32 to vector<16xf32>
      %max3A_379 = arith.maximumf %add3A_376, %max3A_378 : vector<16xf32>
      %mul3A_380 = arith.mulf %max3A_379, %max3A_379 : vector<16xf32>
      %add3A_381 = arith.addf %add3A_357, %mul3A_380 : vector<16xf32>
      %get3A_382 = arith.constant 1 : i32
      %get3A_383 = arith.index_cast %get3A_382 : i32 to index
      %get3A_384 = arith.index_cast %scan3A_218 : i32 to index
      %get3A_385 = arith.constant 112 : index
      %get3A_386 = tpu.vector_load %arg8[%get3A_383, %get3A_384, %get3A_385] {strides = array<i32>} : memref<2x128x128xi32, #tpu.memory_space<vmem>>, vector<16xi32>,
      %get3A_387 = arith.constant 1 : i32
      %get3A_388 = arith.index_cast %get3A_387 : i32 to index
      %get3A_389 = arith.index_cast %scan3A_218 : i32 to index
      %get3A_390 = arith.constant 112 : index
      %get3A_391 = tpu.vector_load %arg9[%get3A_388, %get3A_389, %get3A_390] {strides = array<i32>} : memref<2x128x128xi32, #tpu.memory_space<vmem>>, vector<16xi32>,
      %bitcast3A_392 = vector.bitcast %get3A_386 : vector<16xi32> to vector<32xbf16>
      %bitcast3A_393 = vector.bitcast %get3A_391 : vector<16xi32> to vector<32xbf16>
      %sub3A_394 = arith.subf %bitcast3A_392, %bitcast3A_393 : vector<32xbf16>
      %abs3A_395 = math.absf %sub3A_394 : vector<32xbf16>
      %unpack3A_396 = tpu.unpack_subelements %abs3A_395, 0 {pack_format = #tpu.pack_format<interleaved>} : vector<32xbf16> -> vector<16xf32>
      %unpack3A_397 = tpu.unpack_subelements %abs3A_395, 1 {pack_format = #tpu.pack_format<interleaved>} : vector<32xbf16> -> vector<16xf32>
      %unpack3A_398 = tpu.unpack_subelements %sub3A_394, 0 {pack_format = #tpu.pack_format<interleaved>} : vector<32xbf16> -> vector<16xf32>
      %unpack3A_399 = tpu.unpack_subelements %sub3A_394, 1 {pack_format = #tpu.pack_format<interleaved>} : vector<32xbf16> -> vector<16xf32>
      %add3A_400 = arith.addf %unpack3A_396, %unpack3A_399 : vector<16xf32>
      %max3A_401 = arith.constant 0.000000e+00 : f32
      %max3A_402 = vector.broadcast %max3A_401 : f32 to vector<16xf32>
      %max3A_403 = arith.maximumf %add3A_400, %max3A_402 : vector<16xf32>
      %mul3A_404 = arith.mulf %max3A_403, %max3A_403 : vector<16xf32>
      %add3A_405 = arith.addf %add3A_381, %mul3A_404 : vector<16xf32>
      %swap3A = arith.index_cast %scan3A_218 : i32 to index
      %swap3A_406 = arith.constant 0 : index
      %swap3A_407 = tpu.vector_load %arg10[%swap3A, %swap3A_406] {strides = array<i32>} : memref<128x16xf32, #tpu.memory_space<vmem>>, vector<16xf32>,
      tpu.vector_store %arg10[%swap3A, %swap3A_406], %add3A_405 {strides = array<i32>} : memref<128x16xf32, #tpu.memory_space<vmem>>, vector<16xf32>,
    }
    %scan3A_205 = arith.constant 128 : i32
    %scan3A_206 = arith.constant 0 : i32
    %scan3A_207 = arith.constant 0 : i32
    %scan3A_208 = arith.constant 8 : i32
    %scan3A_209 = arith.addi %scan3A_207, %scan3A_208 : i32
    %scan3A_210 = arith.constant 1 : i32
    scf.for %scan3A_218 = %scan3A_207 to %scan3A_209 step %scan3A_210  : i32 {
      %mul3A_219 = arith.constant 16 : i32
      %mul3A_220 = arith.muli %scan3A_218, %mul3A_219 : i32
      %iota3A = tpu.iota {dimensions = array<i32: 0>} : vector<16xi32>
      %add3A_221 = vector.broadcast %mul3A_220 : i32 to vector<16xi32>
      %add3A_222 = arith.addi %add3A_221, %iota3A : vector<16xi32>
      %broadcast_in_dim3A = arith.constant 0.000000e+00 : f32
      %broadcast_in_dim3A_223 = vector.broadcast %broadcast_in_dim3A : f32 to vector<16xf32>
      %broadcast_in_dim3A_224 = arith.constant 0 : i32
      %broadcast_in_dim3A_225 = vector.broadcast %broadcast_in_dim3A_224 : i32 to vector<16xi32>
      %gather3A = tpu.vector_load_idx %arg10[%add3A_222, %broadcast_in_dim3A_225] : memref<128x16xf32, #tpu.memory_space<vmem>>[vector<16xi32>, vector<16xi32>], vector<16xf32>,
      %add3A_226 = arith.addf %broadcast_in_dim3A_223, %gather3A : vector<16xf32>
      %broadcast_in_dim3A_227 = arith.constant 1 : i32
      %broadcast_in_dim3A_228 = vector.broadcast %broadcast_in_dim3A_227 : i32 to vector<16xi32>
      %gather3A_229 = tpu.vector_load_idx %arg10[%add3A_222, %broadcast_in_dim3A_228] : memref<128x16xf32, #tpu.memory_space<vmem>>[vector<16xi32>, vector<16xi32>], vector<16xf32>,
      %add3A_230 = arith.addf %add3A_226, %gather3A_229 : vector<16xf32>
      %broadcast_in_dim3A_231 = arith.constant 2 : i32
      %broadcast_in_dim3A_232 = vector.broadcast %broadcast_in_dim3A_231 : i32 to vector<16xi32>
      %gather3A_233 = tpu.vector_load_idx %arg10[%add3A_222, %broadcast_in_dim3A_232] : memref<128x16xf32, #tpu.memory_space<vmem>>[vector<16xi32>, vector<16xi32>], vector<16xf32>,
      %add3A_234 = arith.addf %add3A_230, %gather3A_233 : vector<16xf32>
      %broadcast_in_dim3A_235 = arith.constant 3 : i32
      %broadcast_in_dim3A_236 = vector.broadcast %broadcast_in_dim3A_235 : i32 to vector<16xi32>
      %gather3A_237 = tpu.vector_load_idx %arg10[%add3A_222, %broadcast_in_dim3A_236] : memref<128x16xf32, #tpu.memory_space<vmem>>[vector<16xi32>, vector<16xi32>], vector<16xf32>,
      %add3A_238 = arith.addf %add3A_234, %gather3A_237 : vector<16xf32>
      %broadcast_in_dim3A_239 = arith.constant 4 : i32
      %broadcast_in_dim3A_240 = vector.broadcast %broadcast_in_dim3A_239 : i32 to vector<16xi32>
      %gather3A_241 = tpu.vector_load_idx %arg10[%add3A_222, %broadcast_in_dim3A_240] : memref<128x16xf32, #tpu.memory_space<vmem>>[vector<16xi32>, vector<16xi32>], vector<16xf32>,
      %add3A_242 = arith.addf %add3A_238, %gather3A_241 : vector<16xf32>
      %broadcast_in_dim3A_243 = arith.constant 5 : i32
      %broadcast_in_dim3A_244 = vector.broadcast %broadcast_in_dim3A_243 : i32 to vector<16xi32>
      %gather3A_245 = tpu.vector_load_idx %arg10[%add3A_222, %broadcast_in_dim3A_244] : memref<128x16xf32, #tpu.memory_space<vmem>>[vector<16xi32>, vector<16xi32>], vector<16xf32>,
      %add3A_246 = arith.addf %add3A_242, %gather3A_245 : vector<16xf32>
      %broadcast_in_dim3A_247 = arith.constant 6 : i32
      %broadcast_in_dim3A_248 = vector.broadcast %broadcast_in_dim3A_247 : i32 to vector<16xi32>
      %gather3A_249 = tpu.vector_load_idx %arg10[%add3A_222, %broadcast_in_dim3A_248] : memref<128x16xf32, #tpu.memory_space<vmem>>[vector<16xi32>, vector<16xi32>], vector<16xf32>,
      %add3A_250 = arith.addf %add3A_246, %gather3A_249 : vector<16xf32>
      %broadcast_in_dim3A_251 = arith.constant 7 : i32
      %broadcast_in_dim3A_252 = vector.broadcast %broadcast_in_dim3A_251 : i32 to vector<16xi32>
      %gather3A_253 = tpu.vector_load_idx %arg10[%add3A_222, %broadcast_in_dim3A_252] : memref<128x16xf32, #tpu.memory_space<vmem>>[vector<16xi32>, vector<16xi32>], vector<16xf32>,
      %add3A_254 = arith.addf %add3A_250, %gather3A_253 : vector<16xf32>
      %broadcast_in_dim3A_255 = arith.constant 8 : i32
      %broadcast_in_dim3A_256 = vector.broadcast %broadcast_in_dim3A_255 : i32 to vector<16xi32>
      %gather3A_257 = tpu.vector_load_idx %arg10[%add3A_222, %broadcast_in_dim3A_256] : memref<128x16xf32, #tpu.memory_space<vmem>>[vector<16xi32>, vector<16xi32>], vector<16xf32>,
      %add3A_258 = arith.addf %add3A_254, %gather3A_257 : vector<16xf32>
      %broadcast_in_dim3A_259 = arith.constant 9 : i32
      %broadcast_in_dim3A_260 = vector.broadcast %broadcast_in_dim3A_259 : i32 to vector<16xi32>
      %gather3A_261 = tpu.vector_load_idx %arg10[%add3A_222, %broadcast_in_dim3A_260] : memref<128x16xf32, #tpu.memory_space<vmem>>[vector<16xi32>, vector<16xi32>], vector<16xf32>,
      %add3A_262 = arith.addf %add3A_258, %gather3A_261 : vector<16xf32>
      %broadcast_in_dim3A_263 = arith.constant 10 : i32
      %broadcast_in_dim3A_264 = vector.broadcast %broadcast_in_dim3A_263 : i32 to vector<16xi32>
      %gather3A_265 = tpu.vector_load_idx %arg10[%add3A_222, %broadcast_in_dim3A_264] : memref<128x16xf32, #tpu.memory_space<vmem>>[vector<16xi32>, vector<16xi32>], vector<16xf32>,
      %add3A_266 = arith.addf %add3A_262, %gather3A_265 : vector<16xf32>
      %broadcast_in_dim3A_267 = arith.constant 11 : i32
      %broadcast_in_dim3A_268 = vector.broadcast %broadcast_in_dim3A_267 : i32 to vector<16xi32>
      %gather3A_269 = tpu.vector_load_idx %arg10[%add3A_222, %broadcast_in_dim3A_268] : memref<128x16xf32, #tpu.memory_space<vmem>>[vector<16xi32>, vector<16xi32>], vector<16xf32>,
      %add3A_270 = arith.addf %add3A_266, %gather3A_269 : vector<16xf32>
      %broadcast_in_dim3A_271 = arith.constant 12 : i32
      %broadcast_in_dim3A_272 = vector.broadcast %broadcast_in_dim3A_271 : i32 to vector<16xi32>
      %gather3A_273 = tpu.vector_load_idx %arg10[%add3A_222, %broadcast_in_dim3A_272] : memref<128x16xf32, #tpu.memory_space<vmem>>[vector<16xi32>, vector<16xi32>], vector<16xf32>,
      %add3A_274 = arith.addf %add3A_270, %gather3A_273 : vector<16xf32>
      %broadcast_in_dim3A_275 = arith.constant 13 : i32
      %broadcast_in_dim3A_276 = vector.broadcast %broadcast_in_dim3A_275 : i32 to vector<16xi32>
      %gather3A_277 = tpu.vector_load_idx %arg10[%add3A_222, %broadcast_in_dim3A_276] : memref<128x16xf32, #tpu.memory_space<vmem>>[vector<16xi32>, vector<16xi32>], vector<16xf32>,
      %add3A_278 = arith.addf %add3A_274, %gather3A_277 : vector<16xf32>
      %broadcast_in_dim3A_279 = arith.constant 14 : i32
      %broadcast_in_dim3A_280 = vector.broadcast %broadcast_in_dim3A_279 : i32 to vector<16xi32>
      %gather3A_281 = tpu.vector_load_idx %arg10[%add3A_222, %broadcast_in_dim3A_280] : memref<128x16xf32, #tpu.memory_space<vmem>>[vector<16xi32>, vector<16xi32>], vector<16xf32>,
      %add3A_282 = arith.addf %add3A_278, %gather3A_281 : vector<16xf32>
      %broadcast_in_dim3A_283 = arith.constant 15 : i32
      %broadcast_in_dim3A_284 = vector.broadcast %broadcast_in_dim3A_283 : i32 to vector<16xi32>
      %gather3A_285 = tpu.vector_load_idx %arg10[%add3A_222, %broadcast_in_dim3A_284] : memref<128x16xf32, #tpu.memory_space<vmem>>[vector<16xi32>, vector<16xi32>], vector<16xf32>,
      %add3A_286 = arith.addf %add3A_282, %gather3A_285 : vector<16xf32>
      %mul3A_287 = arith.constant 16 : i32
      %mul3A_288 = arith.muli %scan3A_218, %mul3A_287 : i32
      %add3A_289 = arith.constant 384 : i32
      %add3A_290 = arith.addi %add3A_289, %mul3A_288 : i32
      %swap3A = arith.index_cast %add3A_290 : i32 to index
      %swap3A_291 = tpu.vector_load %arg11[%swap3A] {strides = array<i32>} : memref<512xf32, #tpu.memory_space<vmem>>, vector<16xf32>,
      tpu.vector_store %arg11[%swap3A], %add3A_286 {strides = array<i32>} : memref<512xf32, #tpu.memory_space<vmem>>, vector<16xf32>,
    }
    %scan3A_211 = arith.constant 8 : i32
    %scan3A_212 = arith.constant 0 : i32
    %scan3A_213 = arith.constant 0 : i32
    %scan3A_214 = arith.constant 32 : i32
    %scan3A_215 = arith.addi %scan3A_213, %scan3A_214 : i32
    %scan3A_216 = arith.constant 1 : i32
    scf.for %scan3A_218 = %scan3A_213 to %scan3A_215 step %scan3A_216  : i32 {
      %mul3A_219 = arith.constant 16 : i32
      %mul3A_220 = arith.muli %scan3A_218, %mul3A_219 : i32
      %get3A = arith.index_cast %mul3A_220 : i32 to index
      %get3A_221 = tpu.vector_load %arg11[%get3A] {strides = array<i32>} : memref<512xf32, #tpu.memory_space<vmem>>, vector<16xf32>,
      %bitcast_convert_type3A = tpu.bitcast %get3A_221 : vector<16xf32> -> vector<16xi32>
      %shift_right_logical3A = arith.constant 1 : i32
      %shift_right_logical3A_222 = vector.broadcast %shift_right_logical3A : i32 to vector<16xi32>
      %shift_right_logical3A_223 = arith.shrui %bitcast_convert_type3A, %shift_right_logical3A_222 : vector<16xi32>
      %add3A_224 = arith.constant 532487670 : i32
      %add3A_225 = vector.broadcast %add3A_224 : i32 to vector<16xi32>
      %add3A_226 = arith.addi %shift_right_logical3A_223, %add3A_225 : vector<16xi32>
      %bitcast_convert_type3A_227 = tpu.bitcast %add3A_226 : vector<16xi32> -> vector<16xf32>
      %div3A = arith.divf %get3A_221, %bitcast_convert_type3A_227 : vector<16xf32>
      %add3A_228 = arith.addf %bitcast_convert_type3A_227, %div3A : vector<16xf32>
      %mul3A_229 = arith.constant 5.000000e-01 : f32
      %mul3A_230 = vector.broadcast %mul3A_229 : f32 to vector<16xf32>
      %mul3A_231 = arith.mulf %mul3A_230, %add3A_228 : vector<16xf32>
      %div3A_232 = arith.divf %get3A_221, %mul3A_231 : vector<16xf32>
      %add3A_233 = arith.addf %mul3A_231, %div3A_232 : vector<16xf32>
      %mul3A_234 = arith.constant 5.000000e-01 : f32
      %mul3A_235 = vector.broadcast %mul3A_234 : f32 to vector<16xf32>
      %mul3A_236 = arith.mulf %mul3A_235, %add3A_233 : vector<16xf32>
      %div3A_237 = arith.divf %get3A_221, %mul3A_236 : vector<16xf32>
      %add3A_238 = arith.addf %mul3A_236, %div3A_237 : vector<16xf32>
      %mul3A_239 = arith.constant 5.000000e-01 : f32
      %mul3A_240 = vector.broadcast %mul3A_239 : f32 to vector<16xf32>
      %mul3A_241 = arith.mulf %mul3A_240, %add3A_238 : vector<16xf32>
      %gt3A = arith.constant 0.000000e+00 : f32
      %gt3A_242 = vector.broadcast %gt3A : f32 to vector<16xf32>
      %gt3A_243 = arith.cmpf ogt, %get3A_221, %gt3A_242 : vector<16xf32>
      %jit3A = arith.constant 0.000000e+00 : f32
      %broadcast_in_dim3A = vector.broadcast %jit3A : f32 to vector<16xf32>
      %select_n3A = arith.select %gt3A_243, %mul3A_241, %broadcast_in_dim3A : vector<16xi1>, vector<16xf32>
      %mul3A_244 = arith.constant 16 : i32
      %mul3A_245 = arith.muli %scan3A_218, %mul3A_244 : i32
      %swap3A = arith.index_cast %mul3A_245 : i32 to index
      %swap3A_246 = tpu.vector_load %arg11[%swap3A] {strides = array<i32>} : memref<512xf32, #tpu.memory_space<vmem>>, vector<16xf32>,
      tpu.vector_store %arg11[%swap3A], %select_n3A {strides = array<i32>} : memref<512xf32, #tpu.memory_space<vmem>>, vector<16xf32>,
    }
    %scan3A_217 = arith.constant 32 : i32
    "tpu.region"() ({
      %run_scoped3A_218 = tpu.sem_alloc : memref<!tpu.dma_semaphore, #tpu.memory_space<semaphore_mem>>
      %dma_start3A_219 = tpu.memref_slice %arg4[%mul3A_2] : memref<16384xf32, #tpu.memory_space<hbm>> -> memref<512xf32, #tpu.memory_space<hbm>>
      %dma_start3A_220 = tpu.memref_slice %arg4[%mul3A_2] : memref<16384xf32, #tpu.memory_space<hbm>> -> memref<512xf32, #tpu.memory_space<hbm>>
      tpu.enqueue_dma source(%arg11 : memref<512xf32, #tpu.memory_space<vmem>>) target(%dma_start3A_220 : memref<512xf32, #tpu.memory_space<hbm>>) target_semaphore(%run_scoped3A_218 : memref<!tpu.dma_semaphore, #tpu.memory_space<semaphore_mem>>)
      %dma_wait3A_221 = tpu.memref_slice %arg4[%mul3A_2] : memref<16384xf32, #tpu.memory_space<hbm>> -> memref<512xf32, #tpu.memory_space<hbm>>
      %dma_wait3A_222 = tpu.memref_slice %arg4[%mul3A_2] : memref<16384xf32, #tpu.memory_space<hbm>> -> memref<512xf32, #tpu.memory_space<hbm>>
      tpu.wait_dma2 semaphore(%run_scoped3A_218 : memref<!tpu.dma_semaphore, #tpu.memory_space<semaphore_mem>>) src(%arg11 : memref<512xf32, #tpu.memory_space<vmem>>) dst(%dma_wait3A_222 : memref<512xf32, #tpu.memory_space<hbm>>)
      tpu.yield
    }) : () -> ()
    return
  }
}

module attributes {stable_mosaic.version = 14 : i64} {
  func.func @_pack_body(%arg0: memref<1000x256xf32, #tpu.memory_space<vmem>>, %arg1: memref<1000x128xi32, #tpu.memory_space<vmem>>) attributes {dimension_semantics = [], scalar_prefetch = 0 : i64, scratch_operands = 0 : i64, tpu.core_type = #tpu.core_type<tc>} {
    %get3A = arith.constant 0 : index
    %get3A_0 = arith.constant 0 : index
    %get3A_1 = vector.load %arg0[%get3A, %get3A_0] : memref<1000x256xf32, #tpu.memory_space<vmem>>, vector<1000x256xf32>
    %slice3A = vector.extract_strided_slice %get3A_1 {offsets = [0, 128], sizes = [1000, 128], strides = [1, 1]} : vector<1000x256xf32> to vector<1000x128xf32>
    %abs3A = math.absf %slice3A : vector<1000x128xf32>
    %mul3A = arith.constant 5.000000e-01 : f32
    %mul3A_2 = vector.broadcast %mul3A : f32 to vector<1000x128xf32>
    %mul3A_3 = arith.mulf %abs3A, %mul3A_2 : vector<1000x128xf32>
    %slice3A_4 = vector.extract_strided_slice %get3A_1 {offsets = [0, 0], sizes = [1000, 128], strides = [1, 1]} : vector<1000x256xf32> to vector<1000x128xf32>
    %add3A = arith.addf %slice3A_4, %mul3A_3 : vector<1000x128xf32>
    %bitcast_convert_type3A = tpu.bitcast %add3A : vector<1000x128xf32> -> vector<1000x128xi32>
    %shift_right_logical3A = arith.constant 16 : i32
    %shift_right_logical3A_5 = vector.broadcast %shift_right_logical3A : i32 to vector<1000x128xi32>
    %shift_right_logical3A_6 = arith.shrui %bitcast_convert_type3A, %shift_right_logical3A_5 : vector<1000x128xi32>
    %and3A = arith.constant 1 : i32
    %and3A_7 = vector.broadcast %and3A : i32 to vector<1000x128xi32>
    %and3A_8 = arith.andi %shift_right_logical3A_6, %and3A_7 : vector<1000x128xi32>
    %add3A_9 = arith.constant 32767 : i32
    %add3A_10 = vector.broadcast %add3A_9 : i32 to vector<1000x128xi32>
    %add3A_11 = arith.addi %bitcast_convert_type3A, %add3A_10 : vector<1000x128xi32>
    %add3A_12 = arith.addi %add3A_11, %and3A_8 : vector<1000x128xi32>
    %shift_right_logical3A_13 = arith.constant 16 : i32
    %shift_right_logical3A_14 = vector.broadcast %shift_right_logical3A_13 : i32 to vector<1000x128xi32>
    %shift_right_logical3A_15 = arith.shrui %add3A_12, %shift_right_logical3A_14 : vector<1000x128xi32>
    %bitcast_convert_type3A_16 = tpu.bitcast %mul3A_3 : vector<1000x128xf32> -> vector<1000x128xi32>
    %shift_right_logical3A_17 = arith.constant 16 : i32
    %shift_right_logical3A_18 = vector.broadcast %shift_right_logical3A_17 : i32 to vector<1000x128xi32>
    %shift_right_logical3A_19 = arith.shrui %bitcast_convert_type3A_16, %shift_right_logical3A_18 : vector<1000x128xi32>
    %and3A_20 = arith.constant 1 : i32
    %and3A_21 = vector.broadcast %and3A_20 : i32 to vector<1000x128xi32>
    %and3A_22 = arith.andi %shift_right_logical3A_19, %and3A_21 : vector<1000x128xi32>
    %add3A_23 = arith.constant 32767 : i32
    %add3A_24 = vector.broadcast %add3A_23 : i32 to vector<1000x128xi32>
    %add3A_25 = arith.addi %bitcast_convert_type3A_16, %add3A_24 : vector<1000x128xi32>
    %add3A_26 = arith.addi %add3A_25, %and3A_22 : vector<1000x128xi32>
    %shift_right_logical3A_27 = arith.constant 16 : i32
    %shift_right_logical3A_28 = vector.broadcast %shift_right_logical3A_27 : i32 to vector<1000x128xi32>
    %shift_right_logical3A_29 = arith.shrui %add3A_26, %shift_right_logical3A_28 : vector<1000x128xi32>
    %shift_left3A = arith.constant 16 : i32
    %shift_left3A_30 = vector.broadcast %shift_left3A : i32 to vector<1000x128xi32>
    %shift_left3A_31 = arith.shli %shift_right_logical3A_29, %shift_left3A_30 : vector<1000x128xi32>
    %or3A = arith.ori %shift_right_logical3A_15, %shift_left3A_31 : vector<1000x128xi32>
    %swap3A = arith.constant 0 : index
    %swap3A_32 = arith.constant 0 : index
    %swap3A_33 = vector.load %arg1[%swap3A, %swap3A_32] : memref<1000x128xi32, #tpu.memory_space<vmem>>, vector<1000x128xi32>
    tpu.vector_store %arg1[%swap3A, %swap3A_32], %or3A {strides = array<i32>} : memref<1000x128xi32, #tpu.memory_space<vmem>>, vector<1000x128xi32>,
    return
  }
}

</mosaic_0001>

<sc_bundles>
// kernel: kernel.4.cloned.1.call-start
scs
__scs_entry_jumppad:
0x0: {  	(pc) =	sbr.rel $0x88, $3  }
0x1: {  	(tag) =	ssettag $0x0;
	lr =	simm.s32 $0x1  }
0x2: {  	[smem:$0x3F9F] =	sst lr;
	_ =	strace $0xD0000000  }
0x3: {  	_ = 	snop  }
0x4: {  	_ = 	snop  }
0x5: {  	_ = 	snop  }
0x6: {  	_ = 	snop  }
0x7: {  	_ = 	snop  }
__scs_overlays_trampoline_lowered:
0x8: {  	[smem:$0x3FAE] =	sst s0  }
0x9: {  	[smem:$0x3FAF] =	sst s1  }
0xa: {  	[smem:$0x3FB0] =	sst s2  }
0xb: {  	[smem:$0x3FB1] =	sst s3  }
0xc: {  	[smem:$0x3FB2] =	sst s4  }
0xd: {  	[smem:$0x3FB3] =	sst s5  }
0xe: {  	[smem:$0x3FB4] =	sst s6  }
0xf: {  	[smem:$0x3FB5] =	sst s7  }
0x10: {  	[smem:$0x3FB6] =	sst s8  }
0x11: {  	[smem:$0x3FB7] =	sst s9;
	s0 =	simm.s32 @!p0 $0x0  }
0x12: {  	s1 =	sld [smem:$0x3F9D];
	s0 =	simm.s32 @p0 $0x1  }
0x13: {  	[smem:$0x3FB8] =	sst s0;
	s0 =	simm.s32 @!p1 $0x0  }
0x14: {  	s2 =	sld [smem:$0x3F9C];
	s0 =	simm.s32 @p1 $0x1  }
0x15: {  	[smem:$0x3FB9] =	sst s0;
	s0 =	simm.s32 @!p2 $0x0  }
0x16: {  	s3 =	sld [smem:$0x3FDB];
	s0 =	simm.s32 @p2 $0x1  }
0x17: {  	s4 =	simm.s32 $0x1BF5;
	[smem:$0x3FBB] =	sst s0  }
0x18: {  	s0 =	sld [smem:$0x3F9E];
	_ =	swait.ge [sflag:s4], $0x0  }
0x19: {  	s7 =	sld [smem:$0x3F9F]  }
0x1a: {  	s8 =	sadd.s32 $0xFFFFE003, lr  }
0x1b: {  	s9 =	sadd.s32 $0xFFFFFEF7, lr;
	s5 =	simm.s32 $0xFFFFFFFF;
	p2 =	slt.u32 s8, $0xFFFFF086  }
0x1c: {  	p1 =	slt.u32 s9, $0xF7A;
	s5 =	simm.s32 @!p2 $0x0  }
0x1d: {  	s5 =	simm.s32 @p1 $0x1;
	p0 =	seq.s32 s7, s2  }
0x1e: {  	s7 =	smul.u32 @!p0 $0xF7A, s2;
	p2 =	seq.s32 @!p0 s5, $0x0  }
0x1f: {  	s9 =	smul.u32 $0xF7A, s1;
	s8 =	simm.s32 @!p0 $0x1BF5;
	p2 =	por !p2, p0  }
0x20: {  	[sflag:s8] =	ssyncset.s32 @!p0 $0xFFFFF086;
	s6 =	sadd.s32 @!p0 s3, s7;
	s7 =	simm.s32 @!p0 $0x108  }
0x21: {  	s3 =	sadd.s32 s3, s9;
	s6 =	sadd.s32 @!p0 $0x88, s6;
	s7 =	simm.s32 @p2 $0x1082  }
0x22: {  	[simem:s7], [sflag:s8] =	dma.local @!p0 [hbm:s6], $0xF7A  }
0x23: {  	s9 =	sor.u32 $0xD0000000, s2;
	s6 =	simm.s32 $0x108;
	_ =	swait.ge @!p0 [sflag:s8], $0x0  }
0x24: {  	s3 =	sadd.s32 $0x88, s3;
	s6 =	simm.s32 @!p1 $0x1082;
	[sflag:s4] =	ssyncset.s32 $0xFFFFF086  }
0x25: {  	[simem:s6], [sflag:s4] =	dma.local [hbm:s3], $0xF7A  }
0x26: {  	[smem:$0x3F9F] =	sst s1;
	(tag) =	ssettag s2;
	_ =	strace s9  }
0x27: {  	s1 =	sld [smem:$0x3FAF]  }
0x28: {  	s2 =	sld [smem:$0x3FB0]  }
0x29: {  	s4 =	sld [smem:$0x3FB2]  }
0x2a: {  	p0 =	seq.s32 s5, $0x0;
	s5 =	sld [smem:$0x3FB3]  }
0x2b: {  	s6 =	sld [smem:$0x3FB4]  }
0x2c: {  	s7 =	sld [smem:$0x3FB5]  }
0x2d: {  	s3 =	simm.s32 $0x108;
	s8 =	sld [smem:$0x3FB6]  }
0x2e: {  	s3 =	simm.s32 @!p0 $0x1082;
	s9 =	sld [smem:$0x3FB7]  }
0x2f: {  	lr =	sadd.s32 s0, s3;
	s0 =	sld [smem:$0x3FAE]  }
0x30: {  	s3 =	sld [smem:$0x3FB1]  }
0x31: {  	[smem:$0x3FBA] =	sst s10  }
0x32: {  	s10 =	sld [smem:$0x3FB8];
	_ =	sdelay $0x3  }
0x33: {  	p0 =	seq.s32 s10, $0x1;
	s10 =	sld [smem:$0x3FBA];
	_ =	sdelay $0x3  }
0x34: {  	[smem:$0x3FBA] =	sst s10  }
0x35: {  	s10 =	sld [smem:$0x3FB9];
	_ =	sdelay $0x3  }
0x36: {  	p1 =	seq.s32 s10, $0x1;
	s10 =	sld [smem:$0x3FBA];
	_ =	sdelay $0x3  }
0x37: {  	[smem:$0x3FBA] =	sst s10  }
0x38: {  	s10 =	sld [smem:$0x3FBB]  }
0x39: {  	_ = 	snop;
	(pc) =	sbr.ind lr, $3  }
0x3a: {  	_ = 	snop  }
0x3b: {  	_ = 	snop  }
0x3c: {  	p2 =	seq.s32 s10, $0x1;
	s10 =	sld [smem:$0x3FBA]  }
0x3d: {  	_ =	shalt  }
0x3e: {  	_ =	shalt  }
0x3f: {  	_ =	shalt  }
0x40: {  	_ =	shalt  }
0x41: {  	_ =	shalt  }
0x42: {  	_ =	shalt  }
0x43: {  	_ =	shalt  }
0x44: {  	_ =	shalt  }
0x45: {  	_ =	shalt  }
0x46: {  	_ =	shalt  }
0x47: {  	_ =	shalt  }
0x48: {  	_ =	shalt  }
0x49: {  	_ =	shalt  }
0x4a: {  	_ =	shalt  }
0x4b: {  	_ =	shalt  }
0x4c: {  	_ =	shalt  }
0x4d: {  	_ =	shalt  }
0x4e: {  	_ =	shalt  }
0x4f: {  	_ =	shalt  }
0x50: {  	_ =	shalt  }
0x51: {  	_ =	shalt  }
0x52: {  	_ =	shalt  }
0x53: {  	_ =	shalt  }
0x54: {  	_ =	shalt  }
0x55: {  	_ =	shalt  }
0x56: {  	_ =	shalt  }
0x57: {  	_ =	shalt  }
0x58: {  	_ =	shalt  }
0x59: {  	_ =	shalt  }
0x5a: {  	_ =	shalt  }
0x5b: {  	_ =	shalt  }
0x5c: {  	_ =	shalt  }
0x5d: {  	_ =	shalt  }
0x5e: {  	_ =	shalt  }
0x5f: {  	_ =	shalt  }
0x60: {  	_ =	shalt  }
0x61: {  	_ =	shalt  }
0x62: {  	_ =	shalt  }
0x63: {  	_ =	shalt  }
0x64: {  	_ =	shalt  }
0x65: {  	_ =	shalt  }
0x66: {  	_ =	shalt  }
0x67: {  	_ =	shalt  }
0x68: {  	_ =	shalt  }
0x69: {  	_ =	shalt  }
0x6a: {  	_ =	shalt  }
0x6b: {  	_ =	shalt  }
0x6c: {  	_ =	shalt  }
0x6d: {  	_ =	shalt  }
0x6e: {  	_ =	shalt  }
0x6f: {  	_ =	shalt  }
0x70: {  	_ =	shalt  }
0x71: {  	_ =	shalt  }
0x72: {  	_ =	shalt  }
0x73: {  	_ =	shalt  }
0x74: {  	_ =	shalt  }
0x75: {  	_ =	shalt  }
0x76: {  	_ =	shalt  }
0x77: {  	_ =	shalt  }
0x78: {  	_ =	shalt  }
0x79: {  	_ =	shalt  }
0x7a: {  	_ =	shalt  }
0x7b: {  	_ =	shalt  }
0x7c: {  	_ =	shalt  }
0x7d: {  	_ =	shalt  }
0x7e: {  	_ =	shalt  }
0x7f: {  	_ =	shalt  }
0x80: {  	_ =	shalt  }
0x81: {  	_ =	shalt  }
0x82: {  	_ =	shalt  }
0x83: {  	_ =	shalt  }
0x84: {  	_ =	shalt  }
0x85: {  	_ =	shalt  }
0x86: {  	_ =	shalt  }
0x87: {  	_ =	shalt  }
.Lfunc_end0:
.L_simem_size_0:
called_computation_lowered:
.L_overlay_start_0:
0x88: {  	s2 =	sld [smem:$0x3FD9]  }
0x89: {  	s3 =	sld [smem:$0x3FFE];
	_ =	sdelay $0x1  }
0x8a: {  	s1 =	srdreg.scid  }
0x8b: {  	s0 =	sand.u32 $0x1, s1  }
0x8c: {  	s17 =	sshll.u32 s0, $0xA;
	s2 =	sadd.s32 s3, s2  }
0x8d: {  	s2 =	sadd.s32 s2, s17  }
0x8e: {  	[smem:$0x3FC6] =	sst s2  }
0x8f: {  	_ = 	snop  }
0x90: {  	s2 =	sld [smem:$0x3FC9]  }
0x91: {  	s18 =	sld [smem:$0x3FD0];
	(tm) =	ssettm $0x1  }
0x92: {  	s4 =	sld [smem:$0x3FFB];
	_ =	sdelay $0x3  }
0x93: {  	_ =	strace s4  }
0x94: {  	s4 =	sld [smem:$0x3FFC];
	_ =	sdelay $0x3  }
0x95: {  	_ =	strace s4  }
0x96: {  	s4 =	sld [smem:$0x3FFD];
	_ =	sdelay $0x3  }
0x97: {  	_ =	strace s4  }
0x98: {  	_ =	strace $0x8FFFFFFF  }
0x99: {  	s19 =	sld [smem:$0x3FDB];
	_ =	sdelay $0x1  }
0x9a: {  	s5 =	simm.s32 $_scs_section_size  }
0x9b: {  	s6 =	simm.s32 $_size__tile_overlayer_lowered;
	s7 =	simm.s32 $_tile_overlayer_lowered  }
0x9c: {  	s22 =	simm.s32 $0x1BFF;
	s21 =	sshll.u32 s7, $0x1;
	s4 =	sadd.s32 s5, s19  }
0x9d: {  	s8 =	simm.s32 $0x0;
	s20 =	sshll.u32 s6, $0x1;
	s6 =	sadd.s32 s21, s4  }
0x9e: {  	[timem:s8], [sflag:s22] =	dma.local [hbm:s6], s20  }
0x9f: {  	_ =	swait.ge [sflag:s22], s20  }
0xa0: {  	s5 =	ssub.s32 $0x0, s20;
	[sflag:s22] =	ssyncset.done $0x0  }
0xa1: {  	[sflag:s22] =	ssyncadd.s32 s5;
	_ =	sdelay $0x1  }
0xa2: {  	s23 =	simm.s32 $0x1B8B  }
0xa3: {  	_ =	swait.ge [sflag:s23], $0x1  }
0xa4: {  	[sflag:s23] =	ssyncset.done $0x0  }
0xa5: {  	s25 =	simm.s32 $0x1B8E;
	s24 =	sld [smem:$0x3FFE];
	[sflag:s23] =	ssyncadd.s32 $0xFFFFFFFF  }
0xa6: {  	s26 =	simm.s32 $execute0_lowered;
	[smem:$0x3FD2] =	sst s25  }
0xa7: {  	s6 =	sshll.u32 s26, $0x1;
	_ =	strace $0x80000046;
	[dreg:$0x1] =	wrdreg $0xFFFFFFFF  }
0xa8: {  	s28 =	simm.s32 $_size_execute0_lowered;
	s4 =	sadd.s32 s4, s6;
	[dreg:$0x0] =	wrdreg $0x0  }
0xa9: {  	s6 =	sshll.u32 s28, $0x1;
	[dreg:$0x2] =	wrdreg s4  }
0xaa: {  	[dreg:$0x3] =	wrdreg s6  }
0xab: {  	[dreg:$0x4] =	wrdreg $0xC0  }
0xac: {  	_ =	task [dreg:s8], $0x5FFFF  }
0xad: {  	[dreg:$0x1] =	wrdreg $0xFFFFFFFF  }
0xae: {  	[dreg:$0x0] =	wrdreg $0x60  }
0xaf: {  	[dreg:$0x2] =	wrdreg s24  }
0xb0: {  	[dreg:$0x3] =	wrdreg s2  }
0xb1: {  	[dreg:$0x4] =	wrdreg s18  }
0xb2: {  	[dreg:$0x5] =	wrdreg $0x4000  }
0xb3: {  	[dreg:$0x6] =	wrdreg $0x9  }
0xb4: {  	_ =	task.clear_ibuf [dreg:s8], $0x7FFFF;
	_ =	strace $0x90000046  }
0xb5: {  	s29 =	simm.s32 $0x9;
	_ =	strace $0x80000048  }
0xb6: {  	_ =	swait.ge [sflag:s29], $0x1  }
0xb7: {  	[sflag:s29] =	ssyncadd.s32 $0xFFFFFFFF  }
0xb8: {  	_ =	strace $0x90000048  }
0xb9: {  	_ =	sfence  }
0xba: {  	s30 =	sld [smem:$0x0];
	_ =	sdelay $0x2  }
0xbb: {  	s31 =	sshll.u32 s1, $0xD;
	s1 =	sshrl.u32 s1, $0x2  }
0xbc: {  	s3 =	sand.u32 $0x4000, s31;
	s1 =	sadd.s32 s1, s30  }
0xbd: {  	s0 =	sor.u32 s3, s0;
	s1 =	sshll.u32 s1, $0x11  }
0xbe: {  	s0 =	sor.u32 s1, s0  }
0xbf: {  	s0 =	sadd.s32 $0x8F2B, s0  }
0xc0: {  	[sflag:s0] =	ssyncadd.remote.s32 $0x1  }
0xc1: {  	_ =	sfence.sel $0xFFFF  }
0xc2: {  	[dreg:$0x0] =	wrdreg $0xFFFFFFFF;
	(pc) =	sbr.abs _section_cstart, $3  }
0xc3: {  	[dreg:$0x1] =	wrdreg $0xFFFFFFFF  }
0xc4: {  	_ =	task.clear_ibuf [dreg:s8], $0x2FFFF;
	_ =	strace $0x9FFFFFFF  }
0xc5: {  	(tm) =	ssettm $0x7FFFFFFF  }
tec
execute0_lowered:
.L_overlay_start_1:
0x0: {  	(tag) =	ssettag $0x1  }
0x1: {  	s0 =	rddreg [dreg:$0x0]  }
0x2: {  	s6 =	rddreg [dreg:$0x1]  }
0x3: {  	s8 =	rddreg [dreg:$0x2]  }
0x4: {  	s2 =	rddreg [dreg:$0x3];
	s1 =	stileid.u32;
	s3 =	simm.s32 $0x0  }
0x5: {  	s7 =	srdreg.scid;
	s12 =	simm.s32 $0x80;
	s13 =	simm.s32 $0x100  }
0x6: {  	s14 =	simm.s32 $0x200;
	s15 =	simm.s32 $0x2340;
	s16 =	simm.s32 $0xA340  }
0x7: {  	s17 =	simm.s32 $0x6340;
	s18 =	simm.s32 $0x280;
	s19 =	simm.s32 $0xE340  }
0x8: {  	s20 =	simm.s32 $0x1;
	s21 =	simm.s32 $0x12340;
	s22 =	simm.s32 $0x300  }
0x9: {  	s23 =	simm.s32 $0x2;
	s24 =	simm.s32 $0x180;
	s25 =	simm.s32 $0x380  }
0xa: {  	s28 =	simm.s32 $0x0;
	s5 =	sshll.u32 s1, $0x6;
	[smem:$0x7FF] =	sst s3  }
0xb: {  	s7 =	sand.u32 $0x1, s7;
	s11 =	sshll.u32 s1, $0xA;
	s4 =	smin.u32 s5, $0x3A8  }
0xc: {  	_ =	strace $0x80000047;
	s26 =	ssub.s32 $0x2, s7;
	s7 =	sshll.u32 s7, $0x9  }
0xd: {  	s5 =	sor.u32 $0x1C03, s5;
	s9 =	sshll.u32 s4, $0x4;
	s10 =	sshrl.u32 s26, $0x1  }
0xe: {  	s7 =	sor.u32 s7, s11;
	s4 =	sshll.u32 s4, $0x7;
	s11 =	simm.s32 $0x3  }
0xf: {  	s0 =	sadd.s32 s9, s0;
	s9 =	ssub.s32 s26, s10;
	s29 =	sadd.s32 s4, s2  }
0x10: {  	s30 =	sshrl.u32 s7, $0x2;
	s31 =	sshrl.u32 s7, $0x3;
	s26 =	simm.s32 $0x16340  }
0x11: {  	v0 =	vlaneseq.u32;
	s4 =	sadd.s32 $0x800, s0;
	s6 =	sadd.s32 s6, s30;
	s8 =	sadd.s32 s8, s31  }
0x12: {  	v0 =	vmul.u32 $0x80, v0;
	s9 =	smax.u32 s9, $0x1;
	s10 =	sshrl.u32 s29, $0x3;
	s7 =	sadd.s32 $0x10, s6  }
.LBB2_1:
0x13: {  	[spmem:s10], [sflag:s5] =	dma.local [hbm:s4], $0x400  }
0x14: {  	_ =	swait.ge [sflag:s11], $0x400  }
0x15: {  	[sflag:s11] =	ssyncset.done $0x0  }
0x16: {  	[sflag:s11] =	ssyncadd.s32 $0xFFFFFC00  }
0x17: {  	[tilespmem:s3], [sflag:$0x3] =	stream.strided.gather [hbm4b:s6+s12], $0x200, s13, s12, $0x38;
	[tilespmem:$0x16540] =	vst v63  }
0x18: {  	_ =	swait.ge [sflag:s11], $0x200  }
0x19: {  	[sflag:s11] =	ssyncset.done $0x0  }
0x1a: {  	[sflag:s11] =	ssyncadd.s32 $0xFFFFFE00  }
0x1b: {  	[tilespmem:s14], [sflag:$0x3] =	stream.strided.gather [hbm4b:s7+s12], $0x200, s13, s12, $0x38;
	[tilespmem:$0x16540] =	vst v63  }
0x1c: {  	_ =	swait.ge [sflag:s11], $0x200  }
0x1d: {  	[sflag:s11] =	ssyncset.done $0x0  }
0x1e: {  	[sflag:s11] =	ssyncadd.s32 $0xFFFFFE00  }
0x1f: {  	[bflag:$0x0] =	sbarrier.arrive $0xFFFF  }
0x20: {  	[tilespmem:s15], [sflag:$0x1] =	stream.indirect.gather [spmem:s2], $0x80, s3, s12, $0xb8;
	[tilespmem:$0x16540] =	vst v63  }
0x21: {  	_ = 	snop  }
0x22: {  	[tilespmem:s16], [sflag:$0x1] =	stream.indirect.gather [spmem:s2], $0x80, s14, s12, $0xb8;
	[tilespmem:$0x16540] =	vst v63  }
0x23: {  	_ = 	snop  }
0x24: {  	[tilespmem:s17], [sflag:$0x2] =	stream.indirect.gather [spmem:s2], $0x80, s12, s12, $0xb8;
	[tilespmem:$0x16540] =	vst v63  }
0x25: {  	_ = 	snop  }
0x26: {  	[tilespmem:s19], [sflag:$0x2] =	stream.indirect.gather [spmem:s2], $0x80, s18, s12, $0xb8;
	[tilespmem:$0x16540] =	vst v63  }
0x27: {  	_ =	swait.ge [sflag:s20], $0x4000  }
0x28: {  	[sflag:s20] =	ssyncset.done $0x0  }
0x29: {  	[sflag:s20] =	ssyncadd.s32 $0xFFFFC000  }
0x2a: {  	_ =	swait.ge [sflag:s20], $0x4000  }
0x2b: {  	[sflag:s20] =	ssyncset.done $0x0  }
0x2c: {  	s29 =	simm.s32 $0x0;
	[sflag:s20] =	ssyncadd.s32 $0xFFFFC000  }
0x2d: {  	v1 =	vld [tilespmem:s29+$0xA3A0]  }
0x2e: {  	v2 =	vld [tilespmem:s29+$0x2390]  }
0x2f: {  	v3 =	vld [tilespmem:s29+$0x23A0]  }
0x30: {  	v4 =	vld [tilespmem:s29+$0xA380]  }
0x31: {  	v5 =	vld [tilespmem:s29+$0xA390]  }
0x32: {  	v6 =	vld [tilespmem:s29+$0xA370]  }
0x33: {  	v7 =	vld [tilespmem:s29+$0xA350]  }
0x34: {  	v8 =	vld [tilespmem:s29+$0x2380]  }
0x35: {  	v9 =	vld [tilespmem:s29+$0x2340]  }
0x36: {  	v10 =	vld [tilespmem:s29+$0x2370]  }
0x37: {  	v11 =	vld [tilespmem:s29+$0x2350]  }
0x38: {  	v12 =	vld [tilespmem:s29+$0xA340];
	_ =	sdelay $0x2  }
0x39: {  	v14 =	vld [tilespmem:s29+$0xA3B0];
	v2 =	vsub.bf16 v2, v5;
	v1 =	vsub.bf16 v3, v1  }
0x3a: {  	v5 =	vld [tilespmem:s29+$0xA360];
	v4 =	vsub.bf16 v8, v4;
	v7 =	vsub.bf16 v11, v7  }
0x3b: {  	v3 =	vld [tilespmem:s29+$0x2360];
	v9 =	vsub.bf16 v9, v12;
	v6 =	vsub.bf16 v10, v6  }
0x3c: {  	v8 =	vld [tilespmem:s29+$0x23B0];
	v13 =	vand.u32 $0x7FFF7FFF, v2;
	v15 =	vand.u32 $0x7FFF7FFF, v1;
	v2 =	vunpack.i.u.bf16.f32 v2  }
0x3d: {  	v1 =	vunpack.i.u.bf16.f32 v1;
	v11 =	vand.u32 $0x7FFF7FFF, v4;
	v12 =	vand.u32 $0x7FFF7FFF, v7  }
0x3e: {  	v10 =	vand.u32 $0x7FFF7FFF, v9;
	v9 =	vunpack.i.u.bf16.f32 v9;
	v7 =	vunpack.i.u.bf16.f32 v7  }
0x3f: {  	v4 =	vunpack.i.u.bf16.f32 v4;
	v13 =	vunpack.i.l.bf16.f32 v13;
	v15 =	vunpack.i.l.bf16.f32 v15  }
0x40: {  	s30 =	simm.s32 $0x80;
	v11 =	vunpack.i.l.bf16.f32 v11;
	v2 =	vadd.f32 v2, v13;
	v13 =	vadd.f32 v1, v15  }
0x41: {  	v17 =	vld [tilespmem:s30+$0x23A0];
	v3 =	vsub.bf16 v3, v5;
	v5 =	vunpack.i.l.bf16.f32 v10;
	v8 =	vsub.bf16 v8, v14  }
0x42: {  	v18 =	vld [tilespmem:s30+$0xA380];
	v11 =	vadd.f32 v4, v11;
	v10 =	vunpack.i.l.bf16.f32 v12;
	v5 =	vadd.f32 v9, v5  }
0x43: {  	v12 =	vld [tilespmem:s30+$0xA3A0];
	v9 =	vunpack.i.u.bf16.f32 v6;
	v7 =	vadd.f32 v7, v10;
	v10 =	vand.u32 $0x7FFF7FFF, v8  }
0x44: {  	v14 =	vld [tilespmem:s30+$0x2390];
	v6 =	vand.u32 $0x7FFF7FFF, v6;
	v8 =	vunpack.i.u.bf16.f32 v8;
	v10 =	vunpack.i.l.bf16.f32 v10  }
0x45: {  	v2 =	vmax.f32 v2, $0.0e+00;
	v16 =	vand.u32 $0x7FFF7FFF, v3;
	v8 =	vadd.f32 v8, v10;
	v10 =	vld [tilespmem:s30+$0xA390]  }
0x46: {  	v19 =	vld [tilespmem:s30+$0xA350];
	v6 =	vunpack.i.l.bf16.f32 v6;
	v3 =	vunpack.i.u.bf16.f32 v3;
	v7 =	vmax.f32 v7, $0.0e+00  }
0x47: {  	v22 =	vld [tilespmem:s30+$0xA360];
	v5 =	vmax.f32 v5, $0.0e+00;
	v6 =	vadd.f32 v9, v6;
	v16 =	vunpack.i.l.bf16.f32 v16  }
0x48: {  	v15 =	vld [tilespmem:s30+$0x2380];
	v7 =	vmul.f32 v7, v7;
	v5 =	vmul.f32 v5, v5;
	v3 =	vadd.f32 v3, v16  }
0x49: {  	v20 =	vmul.f32 v2, v2;
	v9 =	vld [tilespmem:s30+$0xA370];
	v12 =	vsub.bf16 v17, v12;
	v6 =	vmax.f32 v6, $0.0e+00  }
0x4a: {  	v16 =	vld [tilespmem:s30+$0x2370];
	v5 =	vadd.f32 v7, v5;
	v3 =	vmax.f32 v3, $0.0e+00;
	v7 =	vsub.bf16 v14, v10  }
0x4b: {  	v17 =	vld [tilespmem:s30+$0xA340];
	v8 =	vmax.f32 v8, $0.0e+00;
	v21 =	vmul.f32 v6, v6;
	v14 =	vmul.f32 v3, v3  }
0x4c: {  	v1 =	vmul.f32 v8, v8;
	v8 =	vld [tilespmem:s30+$0x2340];
	v4 =	vand.u32 $0x7FFF7FFF, v12;
	v2 =	vand.u32 $0x7FFF7FFF, v7  }
0x4d: {  	v10 =	vld [tilespmem:s30+$0x2350];
	v14 =	vadd.f32 v14, v5;
	v6 =	vunpack.i.u.bf16.f32 v7;
	v5 =	vunpack.i.u.bf16.f32 v12  }
0x4e: {  	v23 =	vld [tilespmem:s30+$0x2360];
	v7 =	vmax.f32 v11, $0.0e+00;
	v3 =	vunpack.i.l.bf16.f32 v2;
	v2 =	vunpack.i.l.bf16.f32 v4  }
0x4f: {  	v4 =	vsub.bf16 v15, v18;
	v15 =	vmul.f32 v7, v7;
	v12 =	vadd.f32 v21, v14  }
0x50: {  	v14 =	vsub.bf16 v16, v9;
	v9 =	vld [tilespmem:s30+$0xA3B0]  }
0x51: {  	v11 =	vmax.f32 v13, $0.0e+00;
	v17 =	vsub.bf16 v8, v17;
	v18 =	vadd.f32 v15, v12;
	v12 =	vld [tilespmem:s30+$0x23B0]  }
0x52: {  	v8 =	vmul.f32 v11, v11;
	v13 =	vsub.bf16 v10, v19  }
0x53: {  	v11 =	vsub.bf16 v23, v22;
	v10 =	vand.u32 $0x7FFF7FFF, v4;
	v16 =	vunpack.i.u.bf16.f32 v17  }
0x54: {  	v7 =	vunpack.i.l.bf16.f32 v10;
	v15 =	vand.u32 $0x7FFF7FFF, v17;
	v10 =	vand.u32 $0x7FFF7FFF, v13  }
0x55: {  	s31 =	simm.s32 $0x400;
	v17 =	vunpack.i.l.bf16.f32 v15;
	v15 =	vunpack.i.l.bf16.f32 v10;
	v10 =	vadd.f32 v20, v18  }
.LBB2_2:
0x56: {  	s0 =	sshra.s32 s31, $0x2;
	p0 =	sne.s32 s31, $0xFE00;
	s31 =	sadd.s32 $0x200, s31;
	v16 =	vadd.f32 v16, v17;
	v17 =	vunpack.i.u.bf16.f32 v14;
	v9 =	vsub.bf16 v12, v9  }
0x57: {  	v13 =	vunpack.i.u.bf16.f32 v13;
	v14 =	vand.u32 $0x7FFF7FFF, v14;
	v12 =	vld [tilespmem:s0+$0xA3A0];
	v8 =	vadd.f32 v8, v10  }
0x58: {  	v13 =	vadd.f32 v13, v15;
	v15 =	vand.u32 $0x7FFF7FFF, v11;
	v10 =	vld [tilespmem:s0+$0x2390];
	v18 =	vand.u32 $0x7FFF7FFF, v9  }
0x59: {  	v14 =	vunpack.i.l.bf16.f32 v14;
	v9 =	vunpack.i.u.bf16.f32 v9;
	v19 =	vld [tilespmem:s0+$0x23A0];
	v18 =	vunpack.i.l.bf16.f32 v18  }
0x5a: {  	v13 =	vmax.f32 v13, $0.0e+00;
	v1 =	vadd.f32 v1, v8;
	v20 =	vld [tilespmem:s0+$0xA380];
	v9 =	vadd.f32 v9, v18  }
0x5b: {  	v16 =	vmax.f32 v16, $0.0e+00;
	v14 =	vadd.f32 v17, v14;
	v13 =	vmul.f32 v13, v13;
	v8 =	vld [tilespmem:s0+$0xA390]  }
0x5c: {  	v11 =	vunpack.i.u.bf16.f32 v11;
	v15 =	vunpack.i.l.bf16.f32 v15;
	v17 =	vld [tilespmem:s0+$0xA370];
	v9 =	vmax.f32 v9, $0.0e+00;
	[tilespmem:s29+$0x12340] =	vst v1;
	s29 =	smov.u32 s30;
	s30 =	smov.u32 s0  }
0x5d: {  	v3 =	vadd.f32 v6, v3;
	v21 =	vadd.f32 v5, v2;
	v16 =	vmul.f32 v16, v16;
	v18 =	vld [tilespmem:s30+$0xA350]  }
0x5e: {  	v2 =	vadd.f32 v11, v15;
	v1 =	vmul.f32 v9, v9;
	v5 =	vld [tilespmem:s30+$0x2380];
	v12 =	vsub.bf16 v19, v12  }
0x5f: {  	v4 =	vunpack.i.u.bf16.f32 v4;
	v6 =	vadd.f32 v13, v16;
	v9 =	vmax.f32 v14, $0.0e+00;
	v11 =	vld [tilespmem:s30+$0x2340]  }
0x60: {  	v3 =	vmax.f32 v3, $0.0e+00;
	v2 =	vmax.f32 v2, $0.0e+00;
	v14 =	vld [tilespmem:s30+$0x2370];
	v8 =	vsub.bf16 v10, v8  }
0x61: {  	v7 =	vadd.f32 v4, v7;
	v13 =	vmul.f32 v2, v2;
	v19 =	vmul.f32 v3, v3;
	v10 =	vld [tilespmem:s30+$0x2350]  }
0x62: {  	v16 =	vmul.f32 v9, v9;
	v4 =	vand.u32 $0x7FFF7FFF, v12;
	v15 =	vld [tilespmem:s30+$0xA340];
	v2 =	vand.u32 $0x7FFF7FFF, v8  }
0x63: {  	v13 =	vadd.f32 v13, v6;
	v22 =	vld [tilespmem:s30+$0xA360];
	v3 =	vunpack.i.l.bf16.f32 v2;
	v2 =	vunpack.i.l.bf16.f32 v4  }
0x64: {  	v6 =	vunpack.i.u.bf16.f32 v8;
	v4 =	vsub.bf16 v5, v20;
	v5 =	vunpack.i.u.bf16.f32 v12;
	v23 =	vld [tilespmem:s30+$0x2360]  }
0x65: {  	v7 =	vmax.f32 v7, $0.0e+00;
	v16 =	vadd.f32 v16, v13;
	v8 =	vmax.f32 v21, $0.0e+00;
	v9 =	vld [tilespmem:s30+$0xA3B0]  }
.Ltmp0:
0x66: {  	v13 =	vsub.bf16 v10, v18;
	v10 =	vand.u32 $0x7FFF7FFF, v4;
	v12 =	vld [tilespmem:s30+$0x23B0];
	v18 =	vmul.f32 v7, v7;
	(pc) =	sbr.rel @p0 .LBB2_2-.Ltmp0, $4  }
0x67: {  	v8 =	vmul.f32 v8, v8;
	v11 =	vsub.bf16 v11, v15;
	v7 =	vunpack.i.l.bf16.f32 v10  }
0x68: {  	v14 =	vsub.bf16 v14, v17;
	v10 =	vand.u32 $0x7FFF7FFF, v13;
	v18 =	vadd.f32 v18, v16  }
0x69: {  	v15 =	vand.u32 $0x7FFF7FFF, v11;
	v16 =	vunpack.i.u.bf16.f32 v11;
	v11 =	vsub.bf16 v23, v22  }
0x6a: {  	v17 =	vunpack.i.l.bf16.f32 v15;
	v15 =	vunpack.i.l.bf16.f32 v10;
	v10 =	vadd.f32 v19, v18  }
0x6b: {  	v16 =	vadd.f32 v16, v17;
	v13 =	vunpack.i.u.bf16.f32 v13  }
0x6c: {  	v52 =	vunpack.i.u.bf16.f32 v14;
	v53 =	vand.u32 $0x7FFF7FFF, v11;
	v13 =	vadd.f32 v13, v15  }
0x6d: {  	v54 =	vand.u32 $0x7FFF7FFF, v14;
	v55 =	vunpack.i.u.bf16.f32 v11;
	v15 =	vunpack.i.l.bf16.f32 v53  }
0x6e: {  	v16 =	vmax.f32 v16, $0.0e+00;
	v11 =	vadd.f32 v55, v15;
	v13 =	vmax.f32 v13, $0.0e+00  }
0x6f: {  	v14 =	vunpack.i.l.bf16.f32 v54;
	v56 =	vmul.f32 v16, v16;
	v13 =	vmul.f32 v13, v13  }
0x70: {  	v14 =	vadd.f32 v52, v14;
	v11 =	vmax.f32 v11, $0.0e+00  }
0x71: {  	v4 =	vunpack.i.u.bf16.f32 v4;
	v11 =	vmul.f32 v11, v11;
	v13 =	vadd.f32 v13, v56  }
0x72: {  	v4 =	vadd.f32 v4, v7;
	v14 =	vmax.f32 v14, $0.0e+00  }
0x73: {  	v57 =	vmul.f32 v14, v14;
	v11 =	vadd.f32 v11, v13  }
0x74: {  	v3 =	vadd.f32 v6, v3;
	v7 =	vsub.bf16 v12, v9;
	v4 =	vmax.f32 v4, $0.0e+00  }
0x75: {  	v2 =	vadd.f32 v5, v2;
	v4 =	vmul.f32 v4, v4;
	v9 =	vadd.f32 v57, v11  }
0x76: {  	v3 =	vmax.f32 v3, $0.0e+00;
	v6 =	vand.u32 $0x7FFF7FFF, v7;
	v5 =	vunpack.i.u.bf16.f32 v7  }
0x77: {  	v3 =	vmul.f32 v3, v3;
	v6 =	vunpack.i.l.bf16.f32 v6;
	v4 =	vadd.f32 v4, v9  }
0x78: {  	s0 =	simm.s32 $0x0;
	v2 =	vmax.f32 v2, $0.0e+00;
	v5 =	vadd.f32 v5, v6  }
0x79: {  	v2 =	vmul.f32 v2, v2;
	v6 =	vmov s0;
	v3 =	vadd.f32 v3, v4  }
0x7a: {  	v6 =	vshll.u32 v6, $0x7;
	v5 =	vmax.f32 v5, $0.0e+00;
	v4 =	vadd.f32 v8, v10  }
0x7b: {  	v5 =	vmul.f32 v5, v5;
	v2 =	vadd.f32 v2, v3;
	v3 =	vor.u32 v0, v6  }
0x7c: {  	v1 =	vadd.f32 v1, v4  }
0x7d: {  	v4 =	vor.u32 $0x1, v3;
	v2 =	vadd.f32 v5, v2  }
0x7e: {  	[tilespmem:s29+$0x12340] =	vst v1  }
0x7f: {  	v1 =	vor.u32 $0x2, v3;
	[tilespmem:s30+$0x12340] =	vst v2  }
0x80: {  	v2 =	vld.idx.msk [tilespmem:v3+s21+$0x0], $0xffff  }
0x81: {  	v5 =	vor.u32 $0x3, v3  }
0x82: {  	v4 =	vld.idx.msk [tilespmem:v4+s21+$0x0], $0xffff  }
0x83: {  	v6 =	vor.u32 $0x4, v3  }
0x84: {  	v1 =	vld.idx.msk [tilespmem:v1+s21+$0x0], $0xffff  }
0x85: {  	v7 =	vor.u32 $0x5, v3;
	v2 =	vadd.f32 $0.0e+00, v2  }
0x86: {  	v5 =	vld.idx.msk [tilespmem:v5+s21+$0x0], $0xffff  }
0x87: {  	v58 =	vor.u32 $0x6, v3;
	v2 =	vadd.f32 v4, v2  }
0x88: {  	v4 =	vld.idx.msk [tilespmem:v6+s21+$0x0], $0xffff  }
0x89: {  	v6 =	vor.u32 $0x7, v3;
	v1 =	vadd.f32 v1, v2  }
0x8a: {  	v2 =	vld.idx.msk [tilespmem:v7+s21+$0x0], $0xffff  }
0x8b: {  	v7 =	vor.u32 $0x8, v3;
	v1 =	vadd.f32 v5, v1  }
0x8c: {  	v5 =	vld.idx.msk [tilespmem:v58+s21+$0x0], $0xffff  }
0x8d: {  	v59 =	vor.u32 $0x9, v3;
	v1 =	vadd.f32 v4, v1  }
0x8e: {  	v4 =	vld.idx.msk [tilespmem:v6+s21+$0x0], $0xffff  }
0x8f: {  	v6 =	vor.u32 $0xA, v3;
	v1 =	vadd.f32 v2, v1  }
0x90: {  	v2 =	vld.idx.msk [tilespmem:v7+s21+$0x0], $0xffff  }
0x91: {  	v7 =	vor.u32 $0xB, v3;
	v1 =	vadd.f32 v5, v1  }
0x92: {  	v5 =	vld.idx.msk [tilespmem:v59+s21+$0x0], $0xffff  }
0x93: {  	v60 =	vor.u32 $0xC, v3;
	v1 =	vadd.f32 v4, v1  }
0x94: {  	v4 =	vld.idx.msk [tilespmem:v6+s21+$0x0], $0xffff  }
0x95: {  	v6 =	vor.u32 $0xD, v3;
	v1 =	vadd.f32 v2, v1  }
0x96: {  	v2 =	vld.idx.msk [tilespmem:v7+s21+$0x0], $0xffff  }
0x97: {  	v7 =	vor.u32 $0xE, v3;
	v1 =	vadd.f32 v5, v1  }
0x98: {  	v5 =	vld.idx.msk [tilespmem:v60+s21+$0x0], $0xffff  }
0x99: {  	v3 =	vor.u32 $0xF, v3;
	v1 =	vadd.f32 v4, v1  }
0x9a: {  	v4 =	vld.idx.msk [tilespmem:v6+s21+$0x0], $0xffff  }
0x9b: {  	v1 =	vadd.f32 v2, v1  }
0x9c: {  	v2 =	vld.idx.msk [tilespmem:v7+s21+$0x0], $0xffff  }
0x9d: {  	v1 =	vadd.f32 v5, v1  }
0x9e: {  	s30 =	simm.s32 $0x10;
	v3 =	vld.idx.msk [tilespmem:v3+s21+$0x0], $0xffff  }
0x9f: {  	v5 =	vmov s30;
	v1 =	vadd.f32 v4, v1  }
0xa0: {  	v4 =	vshll.u32 v5, $0x7  }
0xa1: {  	v4 =	vor.u32 v0, v4;
	v1 =	vadd.f32 v2, v1;
	_ =	sdelay $0x1  }
0xa2: {  	v2 =	vor.u32 $0x1, v4;
	v1 =	vadd.f32 v3, v1  }
0xa3: {  	s29 =	simm.s32 $0x16340  }
0xa4: {  	v3 =	vor.u32 $0x2, v4;
	[tilespmem:s29+$0x0] =	vst v1  }
0xa5: {  	v1 =	vld.idx.msk [tilespmem:v4+s21+$0x0], $0xffff  }
0xa6: {  	v5 =	vor.u32 $0x3, v4  }
0xa7: {  	v2 =	vld.idx.msk [tilespmem:v2+s21+$0x0], $0xffff  }
0xa8: {  	v6 =	vor.u32 $0x4, v4  }
0xa9: {  	v3 =	vld.idx.msk [tilespmem:v3+s21+$0x0], $0xffff  }
0xaa: {  	v7 =	vor.u32 $0x5, v4;
	v1 =	vadd.f32 $0.0e+00, v1  }
0xab: {  	v5 =	vld.idx.msk [tilespmem:v5+s21+$0x0], $0xffff  }
0xac: {  	v61 =	vor.u32 $0x6, v4;
	v1 =	vadd.f32 v2, v1  }
0xad: {  	v2 =	vld.idx.msk [tilespmem:v6+s21+$0x0], $0xffff  }
0xae: {  	v6 =	vor.u32 $0x7, v4;
	v1 =	vadd.f32 v3, v1  }
0xaf: {  	v3 =	vld.idx.msk [tilespmem:v7+s21+$0x0], $0xffff  }
0xb0: {  	v7 =	vor.u32 $0x8, v4;
	v1 =	vadd.f32 v5, v1  }
0xb1: {  	v5 =	vld.idx.msk [tilespmem:v61+s21+$0x0], $0xffff  }
0xb2: {  	v62 =	vor.u32 $0x9, v4;
	v1 =	vadd.f32 v2, v1  }
0xb3: {  	v2 =	vld.idx.msk [tilespmem:v6+s21+$0x0], $0xffff  }
0xb4: {  	v6 =	vor.u32 $0xA, v4;
	v1 =	vadd.f32 v3, v1  }
0xb5: {  	v3 =	vld.idx.msk [tilespmem:v7+s21+$0x0], $0xffff  }
0xb6: {  	v7 =	vor.u32 $0xB, v4;
	v1 =	vadd.f32 v5, v1  }
0xb7: {  	v5 =	vld.idx.msk [tilespmem:v62+s21+$0x0], $0xffff  }
0xb8: {  	v63 =	vor.u32 $0xC, v4;
	v1 =	vadd.f32 v2, v1  }
0xb9: {  	v2 =	vld.idx.msk [tilespmem:v6+s21+$0x0], $0xffff  }
0xba: {  	v6 =	vor.u32 $0xD, v4;
	v1 =	vadd.f32 v3, v1  }
0xbb: {  	v3 =	vld.idx.msk [tilespmem:v7+s21+$0x0], $0xffff  }
0xbc: {  	v7 =	vor.u32 $0xE, v4;
	v1 =	vadd.f32 v5, v1  }
0xbd: {  	v5 =	vld.idx.msk [tilespmem:v63+s21+$0x0], $0xffff  }
0xbe: {  	v4 =	vor.u32 $0xF, v4;
	v1 =	vadd.f32 v2, v1  }
0xbf: {  	v6 =	vld.idx.msk [tilespmem:v6+s21+$0x0], $0xffff  }
0xc0: {  	v1 =	vadd.f32 v3, v1  }
0xc1: {  	v2 =	vld.idx.msk [tilespmem:v7+s21+$0x0], $0xffff  }
0xc2: {  	v3 =	vadd.f32 v5, v1  }
0xc3: {  	s31 =	simm.s32 $0x20;
	v1 =	vld.idx.msk [tilespmem:v4+s21+$0x0], $0xffff  }
0xc4: {  	s0 =	simm.s32 $0x30;
	v4 =	vmov s31;
	v3 =	vadd.f32 v6, v3  }
.LBB2_4:
0xc5: {  	p0 =	sne.s32 s0, $0x70;
	v4 =	vshll.u32 v4, $0x7  }
0xc6: {  	v4 =	vor.u32 v0, v4;
	v2 =	vadd.f32 v2, v3;
	_ =	sdelay $0x1  }
0xc7: {  	v3 =	vor.u32 $0x1, v4;
	v1 =	vadd.f32 v1, v2  }
0xc8: {  	s29 =	sadd.s32 $0x10, s29  }
0xc9: {  	v2 =	vor.u32 $0x2, v4;
	[tilespmem:s29+$0x0] =	vst v1  }
0xca: {  	v1 =	vld.idx.msk [tilespmem:v4+s21+$0x0], $0xffff  }
0xcb: {  	v5 =	vor.u32 $0x3, v4  }
0xcc: {  	v3 =	vld.idx.msk [tilespmem:v3+s21+$0x0], $0xffff  }
0xcd: {  	v6 =	vor.u32 $0x4, v4  }
0xce: {  	v2 =	vld.idx.msk [tilespmem:v2+s21+$0x0], $0xffff  }
0xcf: {  	v7 =	vor.u32 $0x5, v4  }
0xd0: {  	v1 =	vadd.f32 $0.0e+00, v1;
	v5 =	vld.idx.msk [tilespmem:v5+s21+$0x0], $0xffff  }
0xd1: {  	v8 =	vor.u32 $0x6, v4  }
0xd2: {  	v1 =	vadd.f32 v3, v1;
	v3 =	vld.idx.msk [tilespmem:v6+s21+$0x0], $0xffff  }
0xd3: {  	v6 =	vor.u32 $0x7, v4  }
0xd4: {  	v1 =	vadd.f32 v2, v1;
	v2 =	vld.idx.msk [tilespmem:v7+s21+$0x0], $0xffff  }
0xd5: {  	v7 =	vor.u32 $0x8, v4  }
0xd6: {  	v1 =	vadd.f32 v5, v1;
	v5 =	vld.idx.msk [tilespmem:v8+s21+$0x0], $0xffff  }
0xd7: {  	v8 =	vor.u32 $0x9, v4  }
0xd8: {  	v1 =	vadd.f32 v3, v1;
	v3 =	vld.idx.msk [tilespmem:v6+s21+$0x0], $0xffff  }
0xd9: {  	v6 =	vor.u32 $0xA, v4  }
0xda: {  	v1 =	vadd.f32 v2, v1;
	v2 =	vld.idx.msk [tilespmem:v7+s21+$0x0], $0xffff  }
0xdb: {  	v7 =	vor.u32 $0xB, v4  }
0xdc: {  	v1 =	vadd.f32 v5, v1;
	v5 =	vld.idx.msk [tilespmem:v8+s21+$0x0], $0xffff  }
0xdd: {  	v8 =	vor.u32 $0xC, v4  }
0xde: {  	v1 =	vadd.f32 v3, v1;
	v3 =	vld.idx.msk [tilespmem:v6+s21+$0x0], $0xffff  }
0xdf: {  	v6 =	vor.u32 $0xD, v4  }
0xe0: {  	v1 =	vadd.f32 v2, v1;
	v2 =	vld.idx.msk [tilespmem:v7+s21+$0x0], $0xffff  }
0xe1: {  	v7 =	vor.u32 $0xE, v4  }
0xe2: {  	v1 =	vadd.f32 v5, v1;
	v5 =	vld.idx.msk [tilespmem:v8+s21+$0x0], $0xffff  }
0xe3: {  	v4 =	vor.u32 $0xF, v4  }
0xe4: {  	v1 =	vadd.f32 v3, v1;
	v3 =	vld.idx.msk [tilespmem:v6+s21+$0x0], $0xffff;
	_ =	sdelay $0x1  }
.Ltmp1:
0xe5: {  	v1 =	vadd.f32 v2, v1;
	v2 =	vld.idx.msk [tilespmem:v7+s21+$0x0], $0xffff;
	(pc) =	sbr.rel @p0 .LBB2_4-.Ltmp1, $3  }
0xe6: {  	_ = 	snop  }
0xe7: {  	v5 =	vadd.f32 v5, v1;
	v1 =	vld.idx.msk [tilespmem:v4+s21+$0x0], $0xffff;
	_ =	sdelay $0x1  }
0xe8: {  	v4 =	vmov s0;
	s0 =	sadd.s32 $0x10, s0;
	v3 =	vadd.f32 v3, v5  }
0xe9: {  	v4 =	vshll.u32 v4, $0x7  }
0xea: {  	v4 =	vor.u32 v0, v4;
	v2 =	vadd.f32 v2, v3;
	_ =	sdelay $0x1  }
0xeb: {  	v3 =	vor.u32 $0x1, v4;
	v1 =	vadd.f32 v1, v2  }
0xec: {  	s0 =	sadd.s32 $0x10, s29  }
0xed: {  	v2 =	vor.u32 $0x2, v4;
	[tilespmem:s0+$0x0] =	vst v1  }
0xee: {  	v1 =	vld.idx.msk [tilespmem:v4+s21+$0x0], $0xffff  }
0xef: {  	v5 =	vor.u32 $0x3, v4  }
0xf0: {  	v3 =	vld.idx.msk [tilespmem:v3+s21+$0x0], $0xffff  }
0xf1: {  	v6 =	vor.u32 $0x4, v4  }
0xf2: {  	v2 =	vld.idx.msk [tilespmem:v2+s21+$0x0], $0xffff  }
0xf3: {  	v7 =	vor.u32 $0x5, v4;
	v1 =	vadd.f32 $0.0e+00, v1  }
0xf4: {  	v5 =	vld.idx.msk [tilespmem:v5+s21+$0x0], $0xffff  }
0xf5: {  	v8 =	vor.u32 $0x6, v4;
	v1 =	vadd.f32 v3, v1  }
0xf6: {  	v3 =	vld.idx.msk [tilespmem:v6+s21+$0x0], $0xffff  }
0xf7: {  	v6 =	vor.u32 $0x7, v4;
	v1 =	vadd.f32 v2, v1  }
0xf8: {  	v2 =	vld.idx.msk [tilespmem:v7+s21+$0x0], $0xffff  }
0xf9: {  	v7 =	vor.u32 $0x8, v4;
	v1 =	vadd.f32 v5, v1  }
0xfa: {  	v5 =	vld.idx.msk [tilespmem:v8+s21+$0x0], $0xffff  }
0xfb: {  	v8 =	vor.u32 $0x9, v4;
	v1 =	vadd.f32 v3, v1  }
0xfc: {  	v3 =	vld.idx.msk [tilespmem:v6+s21+$0x0], $0xffff  }
0xfd: {  	v6 =	vor.u32 $0xA, v4;
	v1 =	vadd.f32 v2, v1  }
0xfe: {  	v2 =	vld.idx.msk [tilespmem:v7+s21+$0x0], $0xffff  }
0xff: {  	v7 =	vor.u32 $0xB, v4;
	v1 =	vadd.f32 v5, v1  }
0x100: {  	v5 =	vld.idx.msk [tilespmem:v8+s21+$0x0], $0xffff  }
0x101: {  	v8 =	vor.u32 $0xC, v4;
	v1 =	vadd.f32 v3, v1  }
0x102: {  	v3 =	vld.idx.msk [tilespmem:v6+s21+$0x0], $0xffff  }
0x103: {  	v6 =	vor.u32 $0xD, v4;
	v1 =	vadd.f32 v2, v1  }
0x104: {  	v2 =	vld.idx.msk [tilespmem:v7+s21+$0x0], $0xffff  }
0x105: {  	v7 =	vor.u32 $0xE, v4;
	v1 =	vadd.f32 v5, v1  }
0x106: {  	v5 =	vld.idx.msk [tilespmem:v8+s21+$0x0], $0xffff  }
0x107: {  	v4 =	vor.u32 $0xF, v4;
	v1 =	vadd.f32 v3, v1  }
0x108: {  	v3 =	vld.idx.msk [tilespmem:v6+s21+$0x0], $0xffff  }
0x109: {  	v1 =	vadd.f32 v2, v1  }
0x10a: {  	v2 =	vld.idx.msk [tilespmem:v7+s21+$0x0], $0xffff  }
0x10b: {  	v1 =	vadd.f32 v5, v1  }
0x10c: {  	v4 =	vld.idx.msk [tilespmem:v4+s21+$0x0], $0xffff  }
0x10d: {  	v1 =	vadd.f32 v3, v1;
	_ =	sdelay $0x1  }
0x10e: {  	v1 =	vadd.f32 v2, v1;
	_ =	sdelay $0x1  }
0x10f: {  	v1 =	vadd.f32 v4, v1  }
0x110: {  	s0 =	sadd.s32 $0x10, s0  }
0x111: {  	[tilespmem:s0+$0x0] =	vst v1  }
0x112: {  	[tilespmem:s15], [sflag:$0x1] =	stream.indirect.gather [spmem:s2], $0x80, s13, s12, $0xb8;
	[tilespmem:$0x16540] =	vst v63  }
0x113: {  	_ = 	snop  }
0x114: {  	[tilespmem:s16], [sflag:$0x1] =	stream.indirect.gather [spmem:s2], $0x80, s22, s12, $0xb8;
	[tilespmem:$0x16540] =	vst v63  }
0x115: {  	_ =	swait.ge [sflag:s23], $0x4000  }
0x116: {  	[sflag:s23] =	ssyncset.done $0x0  }
0x117: {  	[sflag:s23] =	ssyncadd.s32 $0xFFFFC000  }
0x118: {  	_ =	swait.ge [sflag:s23], $0x4000  }
0x119: {  	[sflag:s23] =	ssyncset.done $0x0  }
0x11a: {  	s29 =	simm.s32 $0x0;
	[sflag:s23] =	ssyncadd.s32 $0xFFFFC000  }
0x11b: {  	v1 =	vld [tilespmem:s29+$0xE3A0]  }
0x11c: {  	v2 =	vld [tilespmem:s29+$0x6390]  }
0x11d: {  	v3 =	vld [tilespmem:s29+$0x63A0]  }
0x11e: {  	v4 =	vld [tilespmem:s29+$0xE380]  }
0x11f: {  	v5 =	vld [tilespmem:s29+$0xE390]  }
0x120: {  	v6 =	vld [tilespmem:s29+$0xE370]  }
0x121: {  	v7 =	vld [tilespmem:s29+$0xE350]  }
0x122: {  	v8 =	vld [tilespmem:s29+$0x6380]  }
0x123: {  	v9 =	vld [tilespmem:s29+$0x6340]  }
0x124: {  	v10 =	vld [tilespmem:s29+$0x6370]  }
0x125: {  	v11 =	vld [tilespmem:s29+$0x6350]  }
0x126: {  	v12 =	vld [tilespmem:s29+$0xE340];
	_ =	sdelay $0x2  }
0x127: {  	v14 =	vld [tilespmem:s29+$0xE3B0];
	v2 =	vsub.bf16 v2, v5;
	v1 =	vsub.bf16 v3, v1  }
0x128: {  	v5 =	vld [tilespmem:s29+$0xE360];
	v4 =	vsub.bf16 v8, v4;
	v7 =	vsub.bf16 v11, v7  }
0x129: {  	v3 =	vld [tilespmem:s29+$0x6360];
	v9 =	vsub.bf16 v9, v12;
	v6 =	vsub.bf16 v10, v6  }
0x12a: {  	v8 =	vld [tilespmem:s29+$0x63B0];
	v13 =	vand.u32 $0x7FFF7FFF, v2;
	v15 =	vand.u32 $0x7FFF7FFF, v1;
	v2 =	vunpack.i.u.bf16.f32 v2  }
0x12b: {  	v1 =	vunpack.i.u.bf16.f32 v1;
	v11 =	vand.u32 $0x7FFF7FFF, v4;
	v12 =	vand.u32 $0x7FFF7FFF, v7  }
0x12c: {  	v10 =	vand.u32 $0x7FFF7FFF, v9;
	v9 =	vunpack.i.u.bf16.f32 v9;
	v7 =	vunpack.i.u.bf16.f32 v7  }
0x12d: {  	v4 =	vunpack.i.u.bf16.f32 v4;
	v13 =	vunpack.i.l.bf16.f32 v13;
	v15 =	vunpack.i.l.bf16.f32 v15  }
0x12e: {  	v11 =	vunpack.i.l.bf16.f32 v11;
	v2 =	vadd.f32 v2, v13;
	v13 =	vadd.f32 v1, v15  }
0x12f: {  	s30 =	simm.s32 $0x80;
	v3 =	vsub.bf16 v3, v5;
	v5 =	vunpack.i.l.bf16.f32 v10;
	v8 =	vsub.bf16 v8, v14  }
0x130: {  	v17 =	vld [tilespmem:s30+$0x63A0];
	v11 =	vadd.f32 v4, v11;
	v10 =	vunpack.i.l.bf16.f32 v12;
	v5 =	vadd.f32 v9, v5  }
0x131: {  	v12 =	vld [tilespmem:s30+$0xE3A0];
	v9 =	vunpack.i.u.bf16.f32 v6;
	v7 =	vadd.f32 v7, v10;
	v10 =	vand.u32 $0x7FFF7FFF, v8  }
0x132: {  	v14 =	vld [tilespmem:s30+$0x6390];
	v6 =	vand.u32 $0x7FFF7FFF, v6;
	v8 =	vunpack.i.u.bf16.f32 v8;
	v10 =	vunpack.i.l.bf16.f32 v10  }
0x133: {  	v2 =	vmax.f32 v2, $0.0e+00;
	v16 =	vand.u32 $0x7FFF7FFF, v3;
	v8 =	vadd.f32 v8, v10;
	v10 =	vld [tilespmem:s30+$0xE390]  }
0x134: {  	v18 =	vld [tilespmem:s30+$0xE380];
	v6 =	vunpack.i.l.bf16.f32 v6;
	v3 =	vunpack.i.u.bf16.f32 v3;
	v7 =	vmax.f32 v7, $0.0e+00  }
0x135: {  	v19 =	vld [tilespmem:s30+$0xE350];
	v5 =	vmax.f32 v5, $0.0e+00;
	v6 =	vadd.f32 v9, v6;
	v16 =	vunpack.i.l.bf16.f32 v16  }
0x136: {  	v15 =	vld [tilespmem:s30+$0x6380];
	v7 =	vmul.f32 v7, v7;
	v5 =	vmul.f32 v5, v5;
	v3 =	vadd.f32 v3, v16  }
0x137: {  	v20 =	vmul.f32 v2, v2;
	v9 =	vld [tilespmem:s30+$0xE370];
	v12 =	vsub.bf16 v17, v12;
	v6 =	vmax.f32 v6, $0.0e+00  }
0x138: {  	v16 =	vld [tilespmem:s30+$0x6370];
	v5 =	vadd.f32 v7, v5;
	v3 =	vmax.f32 v3, $0.0e+00;
	v7 =	vsub.bf16 v14, v10  }
0x139: {  	v17 =	vld [tilespmem:s30+$0xE340];
	v8 =	vmax.f32 v8, $0.0e+00;
	v21 =	vmul.f32 v6, v6;
	v14 =	vmul.f32 v3, v3  }
0x13a: {  	v1 =	vmul.f32 v8, v8;
	v8 =	vld [tilespmem:s30+$0x6340];
	v4 =	vand.u32 $0x7FFF7FFF, v12;
	v2 =	vand.u32 $0x7FFF7FFF, v7  }
0x13b: {  	v10 =	vld [tilespmem:s30+$0x6350];
	v14 =	vadd.f32 v14, v5;
	v6 =	vunpack.i.u.bf16.f32 v7;
	v5 =	vunpack.i.u.bf16.f32 v12  }
0x13c: {  	v22 =	vld [tilespmem:s30+$0xE360];
	v7 =	vmax.f32 v11, $0.0e+00;
	v3 =	vunpack.i.l.bf16.f32 v2;
	v2 =	vunpack.i.l.bf16.f32 v4  }
0x13d: {  	v23 =	vld [tilespmem:s30+$0x6360];
	v4 =	vsub.bf16 v15, v18;
	v15 =	vmul.f32 v7, v7;
	v12 =	vadd.f32 v21, v14  }
0x13e: {  	v14 =	vsub.bf16 v16, v9;
	v9 =	vld [tilespmem:s30+$0xE3B0]  }
0x13f: {  	v17 =	vsub.bf16 v8, v17;
	v18 =	vadd.f32 v15, v12;
	v12 =	vld [tilespmem:s30+$0x63B0]  }
0x140: {  	v11 =	vmax.f32 v13, $0.0e+00;
	v13 =	vsub.bf16 v10, v19;
	v10 =	vand.u32 $0x7FFF7FFF, v4  }
0x141: {  	v8 =	vmul.f32 v11, v11;
	v16 =	vunpack.i.u.bf16.f32 v17;
	v7 =	vunpack.i.l.bf16.f32 v10  }
0x142: {  	v15 =	vand.u32 $0x7FFF7FFF, v17;
	v10 =	vsub.bf16 v23, v22;
	v11 =	vand.u32 $0x7FFF7FFF, v13  }
0x143: {  	s31 =	simm.s32 $0x0;
	s0 =	simm.s32 $0x400;
	v17 =	vunpack.i.l.bf16.f32 v15;
	v15 =	vunpack.i.l.bf16.f32 v11;
	v11 =	vadd.f32 v20, v18  }
.LBB2_6:
0x144: {  	s1 =	sshra.s32 s0, $0x2;
	p0 =	sne.s32 s0, $0xFE00;
	s0 =	sadd.s32 $0x200, s0;
	v16 =	vadd.f32 v16, v17;
	v17 =	vunpack.i.u.bf16.f32 v14;
	v9 =	vsub.bf16 v12, v9  }
0x145: {  	v13 =	vunpack.i.u.bf16.f32 v13;
	v14 =	vand.u32 $0x7FFF7FFF, v14;
	v12 =	vld [tilespmem:s1+$0xE3A0];
	v8 =	vadd.f32 v8, v11  }
0x146: {  	v13 =	vadd.f32 v13, v15;
	v15 =	vand.u32 $0x7FFF7FFF, v10;
	v11 =	vld [tilespmem:s1+$0x6390];
	v18 =	vand.u32 $0x7FFF7FFF, v9  }
0x147: {  	v14 =	vunpack.i.l.bf16.f32 v14;
	v9 =	vunpack.i.u.bf16.f32 v9;
	v19 =	vld [tilespmem:s1+$0x63A0];
	v18 =	vunpack.i.l.bf16.f32 v18  }
0x148: {  	v13 =	vmax.f32 v13, $0.0e+00;
	v1 =	vadd.f32 v1, v8;
	v20 =	vld [tilespmem:s1+$0xE380];
	v9 =	vadd.f32 v9, v18  }
0x149: {  	v16 =	vmax.f32 v16, $0.0e+00;
	v14 =	vadd.f32 v17, v14;
	v13 =	vmul.f32 v13, v13;
	v8 =	vld [tilespmem:s1+$0xE390]  }
0x14a: {  	v10 =	vunpack.i.u.bf16.f32 v10;
	v15 =	vunpack.i.l.bf16.f32 v15;
	v17 =	vld [tilespmem:s1+$0xE370];
	v9 =	vmax.f32 v9, $0.0e+00;
	[tilespmem:s29+$0x12340] =	vst v1;
	s29 =	smov.u32 s30;
	s30 =	smov.u32 s1  }
0x14b: {  	v3 =	vadd.f32 v6, v3;
	v21 =	vadd.f32 v5, v2;
	v16 =	vmul.f32 v16, v16;
	v18 =	vld [tilespmem:s30+$0xE350]  }
0x14c: {  	v2 =	vadd.f32 v10, v15;
	v1 =	vmul.f32 v9, v9;
	v5 =	vld [tilespmem:s30+$0x6380];
	v12 =	vsub.bf16 v19, v12  }
0x14d: {  	v4 =	vunpack.i.u.bf16.f32 v4;
	v6 =	vadd.f32 v13, v16;
	v9 =	vmax.f32 v14, $0.0e+00;
	v10 =	vld [tilespmem:s30+$0x6340]  }
0x14e: {  	v3 =	vmax.f32 v3, $0.0e+00;
	v2 =	vmax.f32 v2, $0.0e+00;
	v14 =	vld [tilespmem:s30+$0x6370];
	v8 =	vsub.bf16 v11, v8  }
0x14f: {  	v7 =	vadd.f32 v4, v7;
	v13 =	vmul.f32 v2, v2;
	v19 =	vmul.f32 v3, v3;
	v11 =	vld [tilespmem:s30+$0x6350]  }
0x150: {  	v16 =	vmul.f32 v9, v9;
	v4 =	vand.u32 $0x7FFF7FFF, v12;
	v15 =	vld [tilespmem:s30+$0xE340];
	v2 =	vand.u32 $0x7FFF7FFF, v8  }
0x151: {  	v13 =	vadd.f32 v13, v6;
	v22 =	vld [tilespmem:s30+$0xE360];
	v3 =	vunpack.i.l.bf16.f32 v2;
	v2 =	vunpack.i.l.bf16.f32 v4  }
0x152: {  	v6 =	vunpack.i.u.bf16.f32 v8;
	v4 =	vsub.bf16 v5, v20;
	v5 =	vunpack.i.u.bf16.f32 v12;
	v23 =	vld [tilespmem:s30+$0x6360]  }
0x153: {  	v7 =	vmax.f32 v7, $0.0e+00;
	v16 =	vadd.f32 v16, v13;
	v8 =	vmax.f32 v21, $0.0e+00;
	v9 =	vld [tilespmem:s30+$0xE3B0]  }
.Ltmp2:
0x154: {  	v13 =	vsub.bf16 v11, v18;
	v11 =	vand.u32 $0x7FFF7FFF, v4;
	v12 =	vld [tilespmem:s30+$0x63B0];
	v18 =	vmul.f32 v7, v7;
	(pc) =	sbr.rel @p0 .LBB2_6-.Ltmp2, $4  }
0x155: {  	v8 =	vmul.f32 v8, v8;
	v10 =	vsub.bf16 v10, v15;
	v7 =	vunpack.i.l.bf16.f32 v11  }
0x156: {  	v14 =	vsub.bf16 v14, v17;
	v11 =	vand.u32 $0x7FFF7FFF, v13;
	v18 =	vadd.f32 v18, v16  }
0x157: {  	v15 =	vand.u32 $0x7FFF7FFF, v10;
	v16 =	vunpack.i.u.bf16.f32 v10;
	v10 =	vsub.bf16 v23, v22  }
0x158: {  	v17 =	vunpack.i.l.bf16.f32 v15;
	v15 =	vunpack.i.l.bf16.f32 v11;
	v11 =	vadd.f32 v19, v18  }
0x159: {  	v16 =	vadd.f32 v16, v17;
	v13 =	vunpack.i.u.bf16.f32 v13  }
0x15a: {  	v52 =	vunpack.i.u.bf16.f32 v14;
	v53 =	vand.u32 $0x7FFF7FFF, v10;
	v13 =	vadd.f32 v13, v15  }
0x15b: {  	v54 =	vand.u32 $0x7FFF7FFF, v14;
	v55 =	vunpack.i.u.bf16.f32 v10;
	v15 =	vunpack.i.l.bf16.f32 v53  }
0x15c: {  	v16 =	vmax.f32 v16, $0.0e+00;
	v10 =	vadd.f32 v55, v15;
	v13 =	vmax.f32 v13, $0.0e+00  }
0x15d: {  	v14 =	vunpack.i.l.bf16.f32 v54;
	v56 =	vmul.f32 v16, v16;
	v13 =	vmul.f32 v13, v13  }
0x15e: {  	v14 =	vadd.f32 v52, v14;
	v10 =	vmax.f32 v10, $0.0e+00  }
0x15f: {  	v4 =	vunpack.i.u.bf16.f32 v4;
	v10 =	vmul.f32 v10, v10;
	v13 =	vadd.f32 v13, v56  }
0x160: {  	v4 =	vadd.f32 v4, v7;
	v14 =	vmax.f32 v14, $0.0e+00  }
0x161: {  	v57 =	vmul.f32 v14, v14;
	v10 =	vadd.f32 v10, v13  }
0x162: {  	v3 =	vadd.f32 v6, v3;
	v7 =	vsub.bf16 v12, v9;
	v4 =	vmax.f32 v4, $0.0e+00  }
0x163: {  	v2 =	vadd.f32 v5, v2;
	v4 =	vmul.f32 v4, v4;
	v9 =	vadd.f32 v57, v10  }
0x164: {  	v3 =	vmax.f32 v3, $0.0e+00;
	v6 =	vand.u32 $0x7FFF7FFF, v7;
	v5 =	vunpack.i.u.bf16.f32 v7  }
0x165: {  	v3 =	vmul.f32 v3, v3;
	v6 =	vunpack.i.l.bf16.f32 v6;
	v4 =	vadd.f32 v4, v9  }
0x166: {  	v2 =	vmax.f32 v2, $0.0e+00;
	v5 =	vadd.f32 v5, v6  }
0x167: {  	v2 =	vmul.f32 v2, v2;
	v3 =	vadd.f32 v3, v4;
	v4 =	vmov s31  }
0x168: {  	v6 =	vadd.f32 v8, v11;
	v5 =	vmax.f32 v5, $0.0e+00;
	v4 =	vshll.u32 v4, $0x7  }
0x169: {  	v5 =	vmul.f32 v5, v5;
	v2 =	vadd.f32 v2, v3;
	v3 =	vor.u32 v0, v4  }
0x16a: {  	v1 =	vadd.f32 v1, v6  }
0x16b: {  	v4 =	vor.u32 $0x1, v3;
	v2 =	vadd.f32 v5, v2  }
0x16c: {  	[tilespmem:s29+$0x12340] =	vst v1  }
0x16d: {  	v1 =	vor.u32 $0x2, v3;
	[tilespmem:s30+$0x12340] =	vst v2  }
0x16e: {  	v2 =	vld.idx.msk [tilespmem:v3+s21+$0x0], $0xffff  }
0x16f: {  	v5 =	vor.u32 $0x3, v3  }
0x170: {  	v4 =	vld.idx.msk [tilespmem:v4+s21+$0x0], $0xffff  }
0x171: {  	v6 =	vor.u32 $0x4, v3  }
0x172: {  	v1 =	vld.idx.msk [tilespmem:v1+s21+$0x0], $0xffff  }
0x173: {  	v7 =	vor.u32 $0x5, v3;
	v2 =	vadd.f32 $0.0e+00, v2  }
0x174: {  	v5 =	vld.idx.msk [tilespmem:v5+s21+$0x0], $0xffff  }
0x175: {  	v58 =	vor.u32 $0x6, v3;
	v2 =	vadd.f32 v4, v2  }
0x176: {  	v4 =	vld.idx.msk [tilespmem:v6+s21+$0x0], $0xffff  }
0x177: {  	v6 =	vor.u32 $0x7, v3;
	v1 =	vadd.f32 v1, v2  }
0x178: {  	v2 =	vld.idx.msk [tilespmem:v7+s21+$0x0], $0xffff  }
0x179: {  	v7 =	vor.u32 $0x8, v3;
	v1 =	vadd.f32 v5, v1  }
0x17a: {  	v5 =	vld.idx.msk [tilespmem:v58+s21+$0x0], $0xffff  }
0x17b: {  	v59 =	vor.u32 $0x9, v3;
	v1 =	vadd.f32 v4, v1  }
0x17c: {  	v4 =	vld.idx.msk [tilespmem:v6+s21+$0x0], $0xffff  }
0x17d: {  	v6 =	vor.u32 $0xA, v3;
	v1 =	vadd.f32 v2, v1  }
0x17e: {  	v2 =	vld.idx.msk [tilespmem:v7+s21+$0x0], $0xffff  }
0x17f: {  	v7 =	vor.u32 $0xB, v3;
	v1 =	vadd.f32 v5, v1  }
0x180: {  	v5 =	vld.idx.msk [tilespmem:v59+s21+$0x0], $0xffff  }
0x181: {  	v60 =	vor.u32 $0xC, v3;
	v1 =	vadd.f32 v4, v1  }
0x182: {  	v4 =	vld.idx.msk [tilespmem:v6+s21+$0x0], $0xffff  }
0x183: {  	v6 =	vor.u32 $0xD, v3;
	v1 =	vadd.f32 v2, v1  }
0x184: {  	v2 =	vld.idx.msk [tilespmem:v7+s21+$0x0], $0xffff  }
0x185: {  	v7 =	vor.u32 $0xE, v3;
	v1 =	vadd.f32 v5, v1  }
0x186: {  	v5 =	vld.idx.msk [tilespmem:v60+s21+$0x0], $0xffff  }
0x187: {  	v3 =	vor.u32 $0xF, v3;
	v1 =	vadd.f32 v4, v1  }
0x188: {  	v4 =	vld.idx.msk [tilespmem:v6+s21+$0x0], $0xffff  }
0x189: {  	v1 =	vadd.f32 v2, v1  }
0x18a: {  	v2 =	vld.idx.msk [tilespmem:v7+s21+$0x0], $0xffff  }
0x18b: {  	v1 =	vadd.f32 v5, v1  }
0x18c: {  	s0 =	simm.s32 $0x10;
	v3 =	vld.idx.msk [tilespmem:v3+s21+$0x0], $0xffff  }
0x18d: {  	v5 =	vmov s0;
	v1 =	vadd.f32 v4, v1  }
0x18e: {  	v4 =	vshll.u32 v5, $0x7  }
0x18f: {  	v4 =	vor.u32 v0, v4;
	v1 =	vadd.f32 v2, v1;
	_ =	sdelay $0x1  }
0x190: {  	v2 =	vor.u32 $0x1, v4;
	v1 =	vadd.f32 v3, v1  }
0x191: {  	s29 =	simm.s32 $0x163C0  }
0x192: {  	v3 =	vor.u32 $0x2, v4;
	[tilespmem:s29+$0x0] =	vst v1  }
0x193: {  	v1 =	vld.idx.msk [tilespmem:v4+s21+$0x0], $0xffff  }
0x194: {  	v5 =	vor.u32 $0x3, v4  }
0x195: {  	v2 =	vld.idx.msk [tilespmem:v2+s21+$0x0], $0xffff  }
0x196: {  	v6 =	vor.u32 $0x4, v4  }
0x197: {  	v3 =	vld.idx.msk [tilespmem:v3+s21+$0x0], $0xffff  }
0x198: {  	v7 =	vor.u32 $0x5, v4;
	v1 =	vadd.f32 $0.0e+00, v1  }
0x199: {  	v5 =	vld.idx.msk [tilespmem:v5+s21+$0x0], $0xffff  }
0x19a: {  	v61 =	vor.u32 $0x6, v4;
	v1 =	vadd.f32 v2, v1  }
0x19b: {  	v2 =	vld.idx.msk [tilespmem:v6+s21+$0x0], $0xffff  }
0x19c: {  	v6 =	vor.u32 $0x7, v4;
	v1 =	vadd.f32 v3, v1  }
0x19d: {  	v3 =	vld.idx.msk [tilespmem:v7+s21+$0x0], $0xffff  }
0x19e: {  	v7 =	vor.u32 $0x8, v4;
	v1 =	vadd.f32 v5, v1  }
0x19f: {  	v5 =	vld.idx.msk [tilespmem:v61+s21+$0x0], $0xffff  }
0x1a0: {  	v62 =	vor.u32 $0x9, v4;
	v1 =	vadd.f32 v2, v1  }
0x1a1: {  	v2 =	vld.idx.msk [tilespmem:v6+s21+$0x0], $0xffff  }
0x1a2: {  	v6 =	vor.u32 $0xA, v4;
	v1 =	vadd.f32 v3, v1  }
0x1a3: {  	v3 =	vld.idx.msk [tilespmem:v7+s21+$0x0], $0xffff  }
0x1a4: {  	v7 =	vor.u32 $0xB, v4;
	v1 =	vadd.f32 v5, v1  }
0x1a5: {  	v5 =	vld.idx.msk [tilespmem:v62+s21+$0x0], $0xffff  }
0x1a6: {  	v63 =	vor.u32 $0xC, v4;
	v1 =	vadd.f32 v2, v1  }
0x1a7: {  	v2 =	vld.idx.msk [tilespmem:v6+s21+$0x0], $0xffff  }
0x1a8: {  	v6 =	vor.u32 $0xD, v4;
	v1 =	vadd.f32 v3, v1  }
0x1a9: {  	v3 =	vld.idx.msk [tilespmem:v7+s21+$0x0], $0xffff  }
0x1aa: {  	v7 =	vor.u32 $0xE, v4;
	v1 =	vadd.f32 v5, v1  }
0x1ab: {  	v5 =	vld.idx.msk [tilespmem:v63+s21+$0x0], $0xffff  }
0x1ac: {  	v4 =	vor.u32 $0xF, v4;
	v1 =	vadd.f32 v2, v1  }
0x1ad: {  	v6 =	vld.idx.msk [tilespmem:v6+s21+$0x0], $0xffff  }
0x1ae: {  	v1 =	vadd.f32 v3, v1  }
0x1af: {  	v2 =	vld.idx.msk [tilespmem:v7+s21+$0x0], $0xffff  }
0x1b0: {  	v3 =	vadd.f32 v5, v1  }
0x1b1: {  	s31 =	simm.s32 $0x20;
	v1 =	vld.idx.msk [tilespmem:v4+s21+$0x0], $0xffff  }
0x1b2: {  	s0 =	simm.s32 $0x30;
	v4 =	vmov s31;
	v3 =	vadd.f32 v6, v3  }
.LBB2_8:
0x1b3: {  	p0 =	sne.s32 s0, $0x70;
	v4 =	vshll.u32 v4, $0x7  }
0x1b4: {  	v4 =	vor.u32 v0, v4;
	v2 =	vadd.f32 v2, v3;
	_ =	sdelay $0x1  }
0x1b5: {  	v3 =	vor.u32 $0x1, v4;
	v1 =	vadd.f32 v1, v2  }
0x1b6: {  	s29 =	sadd.s32 $0x10, s29  }
0x1b7: {  	v2 =	vor.u32 $0x2, v4;
	[tilespmem:s29+$0x0] =	vst v1  }
0x1b8: {  	v1 =	vld.idx.msk [tilespmem:v4+s21+$0x0], $0xffff  }
0x1b9: {  	v5 =	vor.u32 $0x3, v4  }
0x1ba: {  	v3 =	vld.idx.msk [tilespmem:v3+s21+$0x0], $0xffff  }
0x1bb: {  	v6 =	vor.u32 $0x4, v4  }
0x1bc: {  	v2 =	vld.idx.msk [tilespmem:v2+s21+$0x0], $0xffff  }
0x1bd: {  	v7 =	vor.u32 $0x5, v4  }
0x1be: {  	v1 =	vadd.f32 $0.0e+00, v1;
	v5 =	vld.idx.msk [tilespmem:v5+s21+$0x0], $0xffff  }
0x1bf: {  	v8 =	vor.u32 $0x6, v4  }
0x1c0: {  	v1 =	vadd.f32 v3, v1;
	v3 =	vld.idx.msk [tilespmem:v6+s21+$0x0], $0xffff  }
0x1c1: {  	v6 =	vor.u32 $0x7, v4  }
0x1c2: {  	v1 =	vadd.f32 v2, v1;
	v2 =	vld.idx.msk [tilespmem:v7+s21+$0x0], $0xffff  }
0x1c3: {  	v7 =	vor.u32 $0x8, v4  }
0x1c4: {  	v1 =	vadd.f32 v5, v1;
	v5 =	vld.idx.msk [tilespmem:v8+s21+$0x0], $0xffff  }
0x1c5: {  	v8 =	vor.u32 $0x9, v4  }
0x1c6: {  	v1 =	vadd.f32 v3, v1;
	v3 =	vld.idx.msk [tilespmem:v6+s21+$0x0], $0xffff  }
0x1c7: {  	v6 =	vor.u32 $0xA, v4  }
0x1c8: {  	v1 =	vadd.f32 v2, v1;
	v2 =	vld.idx.msk [tilespmem:v7+s21+$0x0], $0xffff  }
0x1c9: {  	v7 =	vor.u32 $0xB, v4  }
0x1ca: {  	v1 =	vadd.f32 v5, v1;
	v5 =	vld.idx.msk [tilespmem:v8+s21+$0x0], $0xffff  }
0x1cb: {  	v8 =	vor.u32 $0xC, v4  }
0x1cc: {  	v1 =	vadd.f32 v3, v1;
	v3 =	vld.idx.msk [tilespmem:v6+s21+$0x0], $0xffff  }
0x1cd: {  	v6 =	vor.u32 $0xD, v4  }
0x1ce: {  	v1 =	vadd.f32 v2, v1;
	v2 =	vld.idx.msk [tilespmem:v7+s21+$0x0], $0xffff  }
0x1cf: {  	v7 =	vor.u32 $0xE, v4  }
0x1d0: {  	v1 =	vadd.f32 v5, v1;
	v5 =	vld.idx.msk [tilespmem:v8+s21+$0x0], $0xffff  }
0x1d1: {  	v4 =	vor.u32 $0xF, v4  }
0x1d2: {  	v1 =	vadd.f32 v3, v1;
	v3 =	vld.idx.msk [tilespmem:v6+s21+$0x0], $0xffff;
	_ =	sdelay $0x1  }
.Ltmp3:
0x1d3: {  	v1 =	vadd.f32 v2, v1;
	v2 =	vld.idx.msk [tilespmem:v7+s21+$0x0], $0xffff;
	(pc) =	sbr.rel @p0 .LBB2_8-.Ltmp3, $3  }
0x1d4: {  	_ = 	snop  }
0x1d5: {  	v5 =	vadd.f32 v5, v1;
	v1 =	vld.idx.msk [tilespmem:v4+s21+$0x0], $0xffff;
	_ =	sdelay $0x1  }
0x1d6: {  	v4 =	vmov s0;
	s0 =	sadd.s32 $0x10, s0;
	v3 =	vadd.f32 v3, v5  }
0x1d7: {  	v4 =	vshll.u32 v4, $0x7  }
0x1d8: {  	v4 =	vor.u32 v0, v4;
	v2 =	vadd.f32 v2, v3;
	_ =	sdelay $0x1  }
0x1d9: {  	v3 =	vor.u32 $0x1, v4;
	v1 =	vadd.f32 v1, v2  }
0x1da: {  	s0 =	sadd.s32 $0x10, s29  }
0x1db: {  	v2 =	vor.u32 $0x2, v4;
	[tilespmem:s0+$0x0] =	vst v1  }
0x1dc: {  	v1 =	vld.idx.msk [tilespmem:v4+s21+$0x0], $0xffff  }
0x1dd: {  	v5 =	vor.u32 $0x3, v4  }
0x1de: {  	v3 =	vld.idx.msk [tilespmem:v3+s21+$0x0], $0xffff  }
0x1df: {  	v6 =	vor.u32 $0x4, v4  }
0x1e0: {  	v2 =	vld.idx.msk [tilespmem:v2+s21+$0x0], $0xffff  }
0x1e1: {  	v7 =	vor.u32 $0x5, v4;
	v1 =	vadd.f32 $0.0e+00, v1  }
0x1e2: {  	v5 =	vld.idx.msk [tilespmem:v5+s21+$0x0], $0xffff  }
0x1e3: {  	v8 =	vor.u32 $0x6, v4;
	v1 =	vadd.f32 v3, v1  }
0x1e4: {  	v3 =	vld.idx.msk [tilespmem:v6+s21+$0x0], $0xffff  }
0x1e5: {  	v6 =	vor.u32 $0x7, v4;
	v1 =	vadd.f32 v2, v1  }
0x1e6: {  	v2 =	vld.idx.msk [tilespmem:v7+s21+$0x0], $0xffff  }
0x1e7: {  	v7 =	vor.u32 $0x8, v4;
	v1 =	vadd.f32 v5, v1  }
0x1e8: {  	v5 =	vld.idx.msk [tilespmem:v8+s21+$0x0], $0xffff  }
0x1e9: {  	v8 =	vor.u32 $0x9, v4;
	v1 =	vadd.f32 v3, v1  }
0x1ea: {  	v3 =	vld.idx.msk [tilespmem:v6+s21+$0x0], $0xffff  }
0x1eb: {  	v6 =	vor.u32 $0xA, v4;
	v1 =	vadd.f32 v2, v1  }
0x1ec: {  	v2 =	vld.idx.msk [tilespmem:v7+s21+$0x0], $0xffff  }
0x1ed: {  	v7 =	vor.u32 $0xB, v4;
	v1 =	vadd.f32 v5, v1  }
0x1ee: {  	v5 =	vld.idx.msk [tilespmem:v8+s21+$0x0], $0xffff  }
0x1ef: {  	v8 =	vor.u32 $0xC, v4;
	v1 =	vadd.f32 v3, v1  }
0x1f0: {  	v3 =	vld.idx.msk [tilespmem:v6+s21+$0x0], $0xffff  }
0x1f1: {  	v6 =	vor.u32 $0xD, v4;
	v1 =	vadd.f32 v2, v1  }
0x1f2: {  	v2 =	vld.idx.msk [tilespmem:v7+s21+$0x0], $0xffff  }
0x1f3: {  	v7 =	vor.u32 $0xE, v4;
	v1 =	vadd.f32 v5, v1  }
0x1f4: {  	v5 =	vld.idx.msk [tilespmem:v8+s21+$0x0], $0xffff  }
0x1f5: {  	v4 =	vor.u32 $0xF, v4;
	v1 =	vadd.f32 v3, v1  }
0x1f6: {  	v3 =	vld.idx.msk [tilespmem:v6+s21+$0x0], $0xffff  }
0x1f7: {  	v1 =	vadd.f32 v2, v1  }
0x1f8: {  	v2 =	vld.idx.msk [tilespmem:v7+s21+$0x0], $0xffff  }
0x1f9: {  	v1 =	vadd.f32 v5, v1  }
0x1fa: {  	v4 =	vld.idx.msk [tilespmem:v4+s21+$0x0], $0xffff  }
0x1fb: {  	v1 =	vadd.f32 v3, v1;
	_ =	sdelay $0x1  }
0x1fc: {  	v1 =	vadd.f32 v2, v1;
	_ =	sdelay $0x1  }
0x1fd: {  	v1 =	vadd.f32 v4, v1  }
0x1fe: {  	s0 =	sadd.s32 $0x10, s0  }
0x1ff: {  	[tilespmem:s0+$0x0] =	vst v1  }
0x200: {  	[tilespmem:s17], [sflag:$0x2] =	stream.indirect.gather [spmem:s2], $0x80, s24, s12, $0xb8;
	[tilespmem:$0x16540] =	vst v63  }
0x201: {  	_ = 	snop  }
0x202: {  	[tilespmem:s19], [sflag:$0x2] =	stream.indirect.gather [spmem:s2], $0x80, s25, s12, $0xb8;
	[tilespmem:$0x16540] =	vst v63  }
0x203: {  	_ =	swait.ge [sflag:s20], $0x4000  }
0x204: {  	[sflag:s20] =	ssyncset.done $0x0  }
0x205: {  	[sflag:s20] =	ssyncadd.s32 $0xFFFFC000  }
0x206: {  	_ =	swait.ge [sflag:s20], $0x4000  }
0x207: {  	[sflag:s20] =	ssyncset.done $0x0  }
0x208: {  	s29 =	simm.s32 $0x0;
	[sflag:s20] =	ssyncadd.s32 $0xFFFFC000  }
0x209: {  	v1 =	vld [tilespmem:s29+$0xA3A0]  }
0x20a: {  	v2 =	vld [tilespmem:s29+$0x2390]  }
0x20b: {  	v3 =	vld [tilespmem:s29+$0x23A0]  }
0x20c: {  	v4 =	vld [tilespmem:s29+$0xA380]  }
0x20d: {  	v5 =	vld [tilespmem:s29+$0xA390]  }
0x20e: {  	v6 =	vld [tilespmem:s29+$0xA370]  }
0x20f: {  	v7 =	vld [tilespmem:s29+$0xA350]  }
0x210: {  	v8 =	vld [tilespmem:s29+$0x2380]  }
0x211: {  	v9 =	vld [tilespmem:s29+$0x2340]  }
0x212: {  	v10 =	vld [tilespmem:s29+$0x2370]  }
0x213: {  	v11 =	vld [tilespmem:s29+$0x2350]  }
0x214: {  	v12 =	vld [tilespmem:s29+$0xA340];
	_ =	sdelay $0x2  }
0x215: {  	v14 =	vld [tilespmem:s29+$0xA3B0];
	v2 =	vsub.bf16 v2, v5;
	v1 =	vsub.bf16 v3, v1  }
0x216: {  	v5 =	vld [tilespmem:s29+$0xA360];
	v4 =	vsub.bf16 v8, v4;
	v7 =	vsub.bf16 v11, v7  }
0x217: {  	v3 =	vld [tilespmem:s29+$0x2360];
	v9 =	vsub.bf16 v9, v12;
	v6 =	vsub.bf16 v10, v6  }
0x218: {  	v8 =	vld [tilespmem:s29+$0x23B0];
	v13 =	vand.u32 $0x7FFF7FFF, v2;
	v15 =	vand.u32 $0x7FFF7FFF, v1;
	v2 =	vunpack.i.u.bf16.f32 v2  }
0x219: {  	v1 =	vunpack.i.u.bf16.f32 v1;
	v11 =	vand.u32 $0x7FFF7FFF, v4;
	v12 =	vand.u32 $0x7FFF7FFF, v7  }
0x21a: {  	v10 =	vand.u32 $0x7FFF7FFF, v9;
	v9 =	vunpack.i.u.bf16.f32 v9;
	v7 =	vunpack.i.u.bf16.f32 v7  }
0x21b: {  	v4 =	vunpack.i.u.bf16.f32 v4;
	v13 =	vunpack.i.l.bf16.f32 v13;
	v15 =	vunpack.i.l.bf16.f32 v15  }
0x21c: {  	v11 =	vunpack.i.l.bf16.f32 v11;
	v2 =	vadd.f32 v2, v13;
	v13 =	vadd.f32 v1, v15  }
0x21d: {  	s30 =	simm.s32 $0x80;
	v3 =	vsub.bf16 v3, v5;
	v5 =	vunpack.i.l.bf16.f32 v10;
	v8 =	vsub.bf16 v8, v14  }
0x21e: {  	v17 =	vld [tilespmem:s30+$0x23A0];
	v11 =	vadd.f32 v4, v11;
	v10 =	vunpack.i.l.bf16.f32 v12;
	v5 =	vadd.f32 v9, v5  }
0x21f: {  	v12 =	vld [tilespmem:s30+$0xA3A0];
	v9 =	vunpack.i.u.bf16.f32 v6;
	v7 =	vadd.f32 v7, v10;
	v10 =	vand.u32 $0x7FFF7FFF, v8  }
0x220: {  	v14 =	vld [tilespmem:s30+$0x2390];
	v6 =	vand.u32 $0x7FFF7FFF, v6;
	v8 =	vunpack.i.u.bf16.f32 v8;
	v10 =	vunpack.i.l.bf16.f32 v10  }
0x221: {  	v2 =	vmax.f32 v2, $0.0e+00;
	v16 =	vand.u32 $0x7FFF7FFF, v3;
	v8 =	vadd.f32 v8, v10;
	v10 =	vld [tilespmem:s30+$0xA390]  }
0x222: {  	v18 =	vld [tilespmem:s30+$0xA380];
	v6 =	vunpack.i.l.bf16.f32 v6;
	v3 =	vunpack.i.u.bf16.f32 v3;
	v7 =	vmax.f32 v7, $0.0e+00  }
0x223: {  	v19 =	vld [tilespmem:s30+$0xA350];
	v5 =	vmax.f32 v5, $0.0e+00;
	v6 =	vadd.f32 v9, v6;
	v16 =	vunpack.i.l.bf16.f32 v16  }
0x224: {  	v15 =	vld [tilespmem:s30+$0x2380];
	v7 =	vmul.f32 v7, v7;
	v5 =	vmul.f32 v5, v5;
	v3 =	vadd.f32 v3, v16  }
0x225: {  	v20 =	vmul.f32 v2, v2;
	v9 =	vld [tilespmem:s30+$0xA370];
	v12 =	vsub.bf16 v17, v12;
	v6 =	vmax.f32 v6, $0.0e+00  }
0x226: {  	v16 =	vld [tilespmem:s30+$0x2370];
	v5 =	vadd.f32 v7, v5;
	v3 =	vmax.f32 v3, $0.0e+00;
	v7 =	vsub.bf16 v14, v10  }
0x227: {  	v17 =	vld [tilespmem:s30+$0xA340];
	v8 =	vmax.f32 v8, $0.0e+00;
	v21 =	vmul.f32 v6, v6;
	v14 =	vmul.f32 v3, v3  }
0x228: {  	v1 =	vmul.f32 v8, v8;
	v8 =	vld [tilespmem:s30+$0x2340];
	v4 =	vand.u32 $0x7FFF7FFF, v12;
	v2 =	vand.u32 $0x7FFF7FFF, v7  }
0x229: {  	v10 =	vld [tilespmem:s30+$0x2350];
	v14 =	vadd.f32 v14, v5;
	v6 =	vunpack.i.u.bf16.f32 v7;
	v5 =	vunpack.i.u.bf16.f32 v12  }
0x22a: {  	v22 =	vld [tilespmem:s30+$0xA360];
	v7 =	vmax.f32 v11, $0.0e+00;
	v3 =	vunpack.i.l.bf16.f32 v2;
	v2 =	vunpack.i.l.bf16.f32 v4  }
0x22b: {  	v23 =	vld [tilespmem:s30+$0x2360];
	v4 =	vsub.bf16 v15, v18;
	v15 =	vmul.f32 v7, v7;
	v12 =	vadd.f32 v21, v14  }
0x22c: {  	v14 =	vsub.bf16 v16, v9;
	v9 =	vld [tilespmem:s30+$0xA3B0]  }
0x22d: {  	v17 =	vsub.bf16 v8, v17;
	v18 =	vadd.f32 v15, v12;
	v12 =	vld [tilespmem:s30+$0x23B0]  }
0x22e: {  	v11 =	vmax.f32 v13, $0.0e+00;
	v13 =	vsub.bf16 v10, v19;
	v10 =	vand.u32 $0x7FFF7FFF, v4  }
0x22f: {  	v8 =	vmul.f32 v11, v11;
	v16 =	vunpack.i.u.bf16.f32 v17;
	v7 =	vunpack.i.l.bf16.f32 v10  }
0x230: {  	v15 =	vand.u32 $0x7FFF7FFF, v17;
	v10 =	vsub.bf16 v23, v22;
	v11 =	vand.u32 $0x7FFF7FFF, v13  }
0x231: {  	s31 =	simm.s32 $0x0;
	s0 =	simm.s32 $0x400;
	v17 =	vunpack.i.l.bf16.f32 v15;
	v15 =	vunpack.i.l.bf16.f32 v11;
	v11 =	vadd.f32 v20, v18  }
.LBB2_10:
0x232: {  	s1 =	sshra.s32 s0, $0x2;
	p0 =	sne.s32 s0, $0xFE00;
	s0 =	sadd.s32 $0x200, s0;
	v16 =	vadd.f32 v16, v17;
	v17 =	vunpack.i.u.bf16.f32 v14;
	v9 =	vsub.bf16 v12, v9  }
0x233: {  	v13 =	vunpack.i.u.bf16.f32 v13;
	v14 =	vand.u32 $0x7FFF7FFF, v14;
	v12 =	vld [tilespmem:s1+$0xA3A0];
	v8 =	vadd.f32 v8, v11  }
0x234: {  	v13 =	vadd.f32 v13, v15;
	v15 =	vand.u32 $0x7FFF7FFF, v10;
	v11 =	vld [tilespmem:s1+$0x2390];
	v18 =	vand.u32 $0x7FFF7FFF, v9  }
0x235: {  	v14 =	vunpack.i.l.bf16.f32 v14;
	v9 =	vunpack.i.u.bf16.f32 v9;
	v19 =	vld [tilespmem:s1+$0x23A0];
	v18 =	vunpack.i.l.bf16.f32 v18  }
0x236: {  	v13 =	vmax.f32 v13, $0.0e+00;
	v1 =	vadd.f32 v1, v8;
	v20 =	vld [tilespmem:s1+$0xA380];
	v9 =	vadd.f32 v9, v18  }
0x237: {  	v16 =	vmax.f32 v16, $0.0e+00;
	v14 =	vadd.f32 v17, v14;
	v13 =	vmul.f32 v13, v13;
	v8 =	vld [tilespmem:s1+$0xA390]  }
0x238: {  	v10 =	vunpack.i.u.bf16.f32 v10;
	v15 =	vunpack.i.l.bf16.f32 v15;
	v17 =	vld [tilespmem:s1+$0xA370];
	v9 =	vmax.f32 v9, $0.0e+00;
	[tilespmem:s29+$0x12340] =	vst v1;
	s29 =	smov.u32 s30;
	s30 =	smov.u32 s1  }
0x239: {  	v3 =	vadd.f32 v6, v3;
	v21 =	vadd.f32 v5, v2;
	v16 =	vmul.f32 v16, v16;
	v18 =	vld [tilespmem:s30+$0xA350]  }
0x23a: {  	v2 =	vadd.f32 v10, v15;
	v1 =	vmul.f32 v9, v9;
	v5 =	vld [tilespmem:s30+$0x2380];
	v12 =	vsub.bf16 v19, v12  }
0x23b: {  	v4 =	vunpack.i.u.bf16.f32 v4;
	v6 =	vadd.f32 v13, v16;
	v9 =	vmax.f32 v14, $0.0e+00;
	v10 =	vld [tilespmem:s30+$0x2340]  }
0x23c: {  	v3 =	vmax.f32 v3, $0.0e+00;
	v2 =	vmax.f32 v2, $0.0e+00;
	v14 =	vld [tilespmem:s30+$0x2370];
	v8 =	vsub.bf16 v11, v8  }
0x23d: {  	v7 =	vadd.f32 v4, v7;
	v13 =	vmul.f32 v2, v2;
	v19 =	vmul.f32 v3, v3;
	v11 =	vld [tilespmem:s30+$0x2350]  }
0x23e: {  	v16 =	vmul.f32 v9, v9;
	v4 =	vand.u32 $0x7FFF7FFF, v12;
	v15 =	vld [tilespmem:s30+$0xA340];
	v2 =	vand.u32 $0x7FFF7FFF, v8  }
0x23f: {  	v13 =	vadd.f32 v13, v6;
	v22 =	vld [tilespmem:s30+$0xA360];
	v3 =	vunpack.i.l.bf16.f32 v2;
	v2 =	vunpack.i.l.bf16.f32 v4  }
0x240: {  	v6 =	vunpack.i.u.bf16.f32 v8;
	v4 =	vsub.bf16 v5, v20;
	v5 =	vunpack.i.u.bf16.f32 v12;
	v23 =	vld [tilespmem:s30+$0x2360]  }
0x241: {  	v7 =	vmax.f32 v7, $0.0e+00;
	v16 =	vadd.f32 v16, v13;
	v8 =	vmax.f32 v21, $0.0e+00;
	v9 =	vld [tilespmem:s30+$0xA3B0]  }
.Ltmp4:
0x242: {  	v13 =	vsub.bf16 v11, v18;
	v11 =	vand.u32 $0x7FFF7FFF, v4;
	v12 =	vld [tilespmem:s30+$0x23B0];
	v18 =	vmul.f32 v7, v7;
	(pc) =	sbr.rel @p0 .LBB2_10-.Ltmp4, $4  }
0x243: {  	v8 =	vmul.f32 v8, v8;
	v10 =	vsub.bf16 v10, v15;
	v7 =	vunpack.i.l.bf16.f32 v11  }
0x244: {  	v14 =	vsub.bf16 v14, v17;
	v11 =	vand.u32 $0x7FFF7FFF, v13;
	v18 =	vadd.f32 v18, v16  }
0x245: {  	v15 =	vand.u32 $0x7FFF7FFF, v10;
	v16 =	vunpack.i.u.bf16.f32 v10;
	v10 =	vsub.bf16 v23, v22  }
0x246: {  	v17 =	vunpack.i.l.bf16.f32 v15;
	v15 =	vunpack.i.l.bf16.f32 v11;
	v11 =	vadd.f32 v19, v18  }
0x247: {  	v16 =	vadd.f32 v16, v17;
	v13 =	vunpack.i.u.bf16.f32 v13  }
0x248: {  	v52 =	vunpack.i.u.bf16.f32 v14;
	v53 =	vand.u32 $0x7FFF7FFF, v10;
	v13 =	vadd.f32 v13, v15  }
0x249: {  	v54 =	vand.u32 $0x7FFF7FFF, v14;
	v55 =	vunpack.i.u.bf16.f32 v10;
	v15 =	vunpack.i.l.bf16.f32 v53  }
0x24a: {  	v16 =	vmax.f32 v16, $0.0e+00;
	v10 =	vadd.f32 v55, v15;
	v13 =	vmax.f32 v13, $0.0e+00  }
0x24b: {  	v14 =	vunpack.i.l.bf16.f32 v54;
	v56 =	vmul.f32 v16, v16;
	v13 =	vmul.f32 v13, v13  }
0x24c: {  	v14 =	vadd.f32 v52, v14;
	v10 =	vmax.f32 v10, $0.0e+00  }
0x24d: {  	v4 =	vunpack.i.u.bf16.f32 v4;
	v10 =	vmul.f32 v10, v10;
	v13 =	vadd.f32 v13, v56  }
0x24e: {  	v4 =	vadd.f32 v4, v7;
	v14 =	vmax.f32 v14, $0.0e+00  }
0x24f: {  	v57 =	vmul.f32 v14, v14;
	v10 =	vadd.f32 v10, v13  }
0x250: {  	v3 =	vadd.f32 v6, v3;
	v7 =	vsub.bf16 v12, v9;
	v4 =	vmax.f32 v4, $0.0e+00  }
0x251: {  	v2 =	vadd.f32 v5, v2;
	v4 =	vmul.f32 v4, v4;
	v9 =	vadd.f32 v57, v10  }
0x252: {  	v3 =	vmax.f32 v3, $0.0e+00;
	v6 =	vand.u32 $0x7FFF7FFF, v7;
	v5 =	vunpack.i.u.bf16.f32 v7  }
0x253: {  	v3 =	vmul.f32 v3, v3;
	v6 =	vunpack.i.l.bf16.f32 v6;
	v4 =	vadd.f32 v4, v9  }
0x254: {  	v2 =	vmax.f32 v2, $0.0e+00;
	v5 =	vadd.f32 v5, v6  }
0x255: {  	v2 =	vmul.f32 v2, v2;
	v3 =	vadd.f32 v3, v4;
	v4 =	vmov s31  }
0x256: {  	v6 =	vadd.f32 v8, v11;
	v5 =	vmax.f32 v5, $0.0e+00;
	v4 =	vshll.u32 v4, $0x7  }
0x257: {  	v5 =	vmul.f32 v5, v5;
	v2 =	vadd.f32 v2, v3;
	v3 =	vor.u32 v0, v4  }
0x258: {  	v1 =	vadd.f32 v1, v6  }
0x259: {  	v4 =	vor.u32 $0x1, v3;
	v2 =	vadd.f32 v5, v2  }
0x25a: {  	[tilespmem:s29+$0x12340] =	vst v1  }
0x25b: {  	v1 =	vor.u32 $0x2, v3;
	[tilespmem:s30+$0x12340] =	vst v2  }
0x25c: {  	v2 =	vld.idx.msk [tilespmem:v3+s21+$0x0], $0xffff  }
0x25d: {  	v5 =	vor.u32 $0x3, v3  }
0x25e: {  	v4 =	vld.idx.msk [tilespmem:v4+s21+$0x0], $0xffff  }
0x25f: {  	v6 =	vor.u32 $0x4, v3  }
0x260: {  	v1 =	vld.idx.msk [tilespmem:v1+s21+$0x0], $0xffff  }
0x261: {  	v7 =	vor.u32 $0x5, v3;
	v2 =	vadd.f32 $0.0e+00, v2  }
0x262: {  	v5 =	vld.idx.msk [tilespmem:v5+s21+$0x0], $0xffff  }
0x263: {  	v58 =	vor.u32 $0x6, v3;
	v2 =	vadd.f32 v4, v2  }
0x264: {  	v4 =	vld.idx.msk [tilespmem:v6+s21+$0x0], $0xffff  }
0x265: {  	v6 =	vor.u32 $0x7, v3;
	v1 =	vadd.f32 v1, v2  }
0x266: {  	v2 =	vld.idx.msk [tilespmem:v7+s21+$0x0], $0xffff  }
0x267: {  	v7 =	vor.u32 $0x8, v3;
	v1 =	vadd.f32 v5, v1  }
0x268: {  	v5 =	vld.idx.msk [tilespmem:v58+s21+$0x0], $0xffff  }
0x269: {  	v59 =	vor.u32 $0x9, v3;
	v1 =	vadd.f32 v4, v1  }
0x26a: {  	v4 =	vld.idx.msk [tilespmem:v6+s21+$0x0], $0xffff  }
0x26b: {  	v6 =	vor.u32 $0xA, v3;
	v1 =	vadd.f32 v2, v1  }
0x26c: {  	v2 =	vld.idx.msk [tilespmem:v7+s21+$0x0], $0xffff  }
0x26d: {  	v7 =	vor.u32 $0xB, v3;
	v1 =	vadd.f32 v5, v1  }
0x26e: {  	v5 =	vld.idx.msk [tilespmem:v59+s21+$0x0], $0xffff  }
0x26f: {  	v60 =	vor.u32 $0xC, v3;
	v1 =	vadd.f32 v4, v1  }
0x270: {  	v4 =	vld.idx.msk [tilespmem:v6+s21+$0x0], $0xffff  }
0x271: {  	v6 =	vor.u32 $0xD, v3;
	v1 =	vadd.f32 v2, v1  }
0x272: {  	v2 =	vld.idx.msk [tilespmem:v7+s21+$0x0], $0xffff  }
0x273: {  	v7 =	vor.u32 $0xE, v3;
	v1 =	vadd.f32 v5, v1  }
0x274: {  	v5 =	vld.idx.msk [tilespmem:v60+s21+$0x0], $0xffff  }
0x275: {  	v3 =	vor.u32 $0xF, v3;
	v1 =	vadd.f32 v4, v1  }
0x276: {  	v4 =	vld.idx.msk [tilespmem:v6+s21+$0x0], $0xffff  }
0x277: {  	v1 =	vadd.f32 v2, v1  }
0x278: {  	v2 =	vld.idx.msk [tilespmem:v7+s21+$0x0], $0xffff  }
0x279: {  	v1 =	vadd.f32 v5, v1  }
0x27a: {  	s0 =	simm.s32 $0x10;
	v3 =	vld.idx.msk [tilespmem:v3+s21+$0x0], $0xffff  }
0x27b: {  	v5 =	vmov s0;
	v1 =	vadd.f32 v4, v1  }
0x27c: {  	v4 =	vshll.u32 v5, $0x7  }
0x27d: {  	v4 =	vor.u32 v0, v4;
	v1 =	vadd.f32 v2, v1;
	_ =	sdelay $0x1  }
0x27e: {  	v2 =	vor.u32 $0x1, v4;
	v1 =	vadd.f32 v3, v1  }
0x27f: {  	s29 =	simm.s32 $0x16440  }
0x280: {  	v3 =	vor.u32 $0x2, v4;
	[tilespmem:s29+$0x0] =	vst v1  }
0x281: {  	v1 =	vld.idx.msk [tilespmem:v4+s21+$0x0], $0xffff  }
0x282: {  	v5 =	vor.u32 $0x3, v4  }
0x283: {  	v2 =	vld.idx.msk [tilespmem:v2+s21+$0x0], $0xffff  }
0x284: {  	v6 =	vor.u32 $0x4, v4  }
0x285: {  	v3 =	vld.idx.msk [tilespmem:v3+s21+$0x0], $0xffff  }
0x286: {  	v7 =	vor.u32 $0x5, v4;
	v1 =	vadd.f32 $0.0e+00, v1  }
0x287: {  	v5 =	vld.idx.msk [tilespmem:v5+s21+$0x0], $0xffff  }
0x288: {  	v61 =	vor.u32 $0x6, v4;
	v1 =	vadd.f32 v2, v1  }
0x289: {  	v2 =	vld.idx.msk [tilespmem:v6+s21+$0x0], $0xffff  }
0x28a: {  	v6 =	vor.u32 $0x7, v4;
	v1 =	vadd.f32 v3, v1  }
0x28b: {  	v3 =	vld.idx.msk [tilespmem:v7+s21+$0x0], $0xffff  }
0x28c: {  	v7 =	vor.u32 $0x8, v4;
	v1 =	vadd.f32 v5, v1  }
0x28d: {  	v5 =	vld.idx.msk [tilespmem:v61+s21+$0x0], $0xffff  }
0x28e: {  	v62 =	vor.u32 $0x9, v4;
	v1 =	vadd.f32 v2, v1  }
0x28f: {  	v2 =	vld.idx.msk [tilespmem:v6+s21+$0x0], $0xffff  }
0x290: {  	v6 =	vor.u32 $0xA, v4;
	v1 =	vadd.f32 v3, v1  }
0x291: {  	v3 =	vld.idx.msk [tilespmem:v7+s21+$0x0], $0xffff  }
0x292: {  	v7 =	vor.u32 $0xB, v4;
	v1 =	vadd.f32 v5, v1  }
0x293: {  	v5 =	vld.idx.msk [tilespmem:v62+s21+$0x0], $0xffff  }
0x294: {  	v63 =	vor.u32 $0xC, v4;
	v1 =	vadd.f32 v2, v1  }
0x295: {  	v2 =	vld.idx.msk [tilespmem:v6+s21+$0x0], $0xffff  }
0x296: {  	v6 =	vor.u32 $0xD, v4;
	v1 =	vadd.f32 v3, v1  }
0x297: {  	v3 =	vld.idx.msk [tilespmem:v7+s21+$0x0], $0xffff  }
0x298: {  	v7 =	vor.u32 $0xE, v4;
	v1 =	vadd.f32 v5, v1  }
0x299: {  	v5 =	vld.idx.msk [tilespmem:v63+s21+$0x0], $0xffff  }
0x29a: {  	v4 =	vor.u32 $0xF, v4;
	v1 =	vadd.f32 v2, v1  }
0x29b: {  	v6 =	vld.idx.msk [tilespmem:v6+s21+$0x0], $0xffff  }
0x29c: {  	v1 =	vadd.f32 v3, v1  }
0x29d: {  	v2 =	vld.idx.msk [tilespmem:v7+s21+$0x0], $0xffff  }
0x29e: {  	v3 =	vadd.f32 v5, v1  }
0x29f: {  	s31 =	simm.s32 $0x20;
	v1 =	vld.idx.msk [tilespmem:v4+s21+$0x0], $0xffff  }
0x2a0: {  	s0 =	simm.s32 $0x30;
	v4 =	vmov s31;
	v3 =	vadd.f32 v6, v3  }
.LBB2_12:
0x2a1: {  	p0 =	sne.s32 s0, $0x70;
	v4 =	vshll.u32 v4, $0x7  }
0x2a2: {  	v4 =	vor.u32 v0, v4;
	v2 =	vadd.f32 v2, v3;
	_ =	sdelay $0x1  }
0x2a3: {  	v3 =	vor.u32 $0x1, v4;
	v1 =	vadd.f32 v1, v2  }
0x2a4: {  	s29 =	sadd.s32 $0x10, s29  }
0x2a5: {  	v2 =	vor.u32 $0x2, v4;
	[tilespmem:s29+$0x0] =	vst v1  }
0x2a6: {  	v1 =	vld.idx.msk [tilespmem:v4+s21+$0x0], $0xffff  }
0x2a7: {  	v5 =	vor.u32 $0x3, v4  }
0x2a8: {  	v3 =	vld.idx.msk [tilespmem:v3+s21+$0x0], $0xffff  }
0x2a9: {  	v6 =	vor.u32 $0x4, v4  }
0x2aa: {  	v2 =	vld.idx.msk [tilespmem:v2+s21+$0x0], $0xffff  }
0x2ab: {  	v7 =	vor.u32 $0x5, v4  }
0x2ac: {  	v1 =	vadd.f32 $0.0e+00, v1;
	v5 =	vld.idx.msk [tilespmem:v5+s21+$0x0], $0xffff  }
0x2ad: {  	v8 =	vor.u32 $0x6, v4  }
0x2ae: {  	v1 =	vadd.f32 v3, v1;
	v3 =	vld.idx.msk [tilespmem:v6+s21+$0x0], $0xffff  }
0x2af: {  	v6 =	vor.u32 $0x7, v4  }
0x2b0: {  	v1 =	vadd.f32 v2, v1;
	v2 =	vld.idx.msk [tilespmem:v7+s21+$0x0], $0xffff  }
0x2b1: {  	v7 =	vor.u32 $0x8, v4  }
0x2b2: {  	v1 =	vadd.f32 v5, v1;
	v5 =	vld.idx.msk [tilespmem:v8+s21+$0x0], $0xffff  }
0x2b3: {  	v8 =	vor.u32 $0x9, v4  }
0x2b4: {  	v1 =	vadd.f32 v3, v1;
	v3 =	vld.idx.msk [tilespmem:v6+s21+$0x0], $0xffff  }
0x2b5: {  	v6 =	vor.u32 $0xA, v4  }
0x2b6: {  	v1 =	vadd.f32 v2, v1;
	v2 =	vld.idx.msk [tilespmem:v7+s21+$0x0], $0xffff  }
0x2b7: {  	v7 =	vor.u32 $0xB, v4  }
0x2b8: {  	v1 =	vadd.f32 v5, v1;
	v5 =	vld.idx.msk [tilespmem:v8+s21+$0x0], $0xffff  }
0x2b9: {  	v8 =	vor.u32 $0xC, v4  }
0x2ba: {  	v1 =	vadd.f32 v3, v1;
	v3 =	vld.idx.msk [tilespmem:v6+s21+$0x0], $0xffff  }
0x2bb: {  	v6 =	vor.u32 $0xD, v4  }
0x2bc: {  	v1 =	vadd.f32 v2, v1;
	v2 =	vld.idx.msk [tilespmem:v7+s21+$0x0], $0xffff  }
0x2bd: {  	v7 =	vor.u32 $0xE, v4  }
0x2be: {  	v1 =	vadd.f32 v5, v1;
	v5 =	vld.idx.msk [tilespmem:v8+s21+$0x0], $0xffff  }
0x2bf: {  	v4 =	vor.u32 $0xF, v4  }
0x2c0: {  	v1 =	vadd.f32 v3, v1;
	v3 =	vld.idx.msk [tilespmem:v6+s21+$0x0], $0xffff;
	_ =	sdelay $0x1  }
.Ltmp5:
0x2c1: {  	v1 =	vadd.f32 v2, v1;
	v2 =	vld.idx.msk [tilespmem:v7+s21+$0x0], $0xffff;
	(pc) =	sbr.rel @p0 .LBB2_12-.Ltmp5, $3  }
0x2c2: {  	_ = 	snop  }
0x2c3: {  	v5 =	vadd.f32 v5, v1;
	v1 =	vld.idx.msk [tilespmem:v4+s21+$0x0], $0xffff;
	_ =	sdelay $0x1  }
0x2c4: {  	v4 =	vmov s0;
	s0 =	sadd.s32 $0x10, s0;
	v3 =	vadd.f32 v3, v5  }
0x2c5: {  	v4 =	vshll.u32 v4, $0x7  }
0x2c6: {  	v4 =	vor.u32 v0, v4;
	v2 =	vadd.f32 v2, v3;
	_ =	sdelay $0x1  }
0x2c7: {  	v3 =	vor.u32 $0x1, v4;
	v1 =	vadd.f32 v1, v2  }
0x2c8: {  	s0 =	sadd.s32 $0x10, s29  }
0x2c9: {  	v2 =	vor.u32 $0x2, v4;
	[tilespmem:s0+$0x0] =	vst v1  }
0x2ca: {  	v1 =	vld.idx.msk [tilespmem:v4+s21+$0x0], $0xffff  }
0x2cb: {  	v5 =	vor.u32 $0x3, v4  }
0x2cc: {  	v3 =	vld.idx.msk [tilespmem:v3+s21+$0x0], $0xffff  }
0x2cd: {  	v6 =	vor.u32 $0x4, v4  }
0x2ce: {  	v2 =	vld.idx.msk [tilespmem:v2+s21+$0x0], $0xffff  }
0x2cf: {  	v7 =	vor.u32 $0x5, v4;
	v1 =	vadd.f32 $0.0e+00, v1  }
0x2d0: {  	v5 =	vld.idx.msk [tilespmem:v5+s21+$0x0], $0xffff  }
0x2d1: {  	v8 =	vor.u32 $0x6, v4;
	v1 =	vadd.f32 v3, v1  }
0x2d2: {  	v3 =	vld.idx.msk [tilespmem:v6+s21+$0x0], $0xffff  }
0x2d3: {  	v6 =	vor.u32 $0x7, v4;
	v1 =	vadd.f32 v2, v1  }
0x2d4: {  	v2 =	vld.idx.msk [tilespmem:v7+s21+$0x0], $0xffff  }
0x2d5: {  	v7 =	vor.u32 $0x8, v4;
	v1 =	vadd.f32 v5, v1  }
0x2d6: {  	v5 =	vld.idx.msk [tilespmem:v8+s21+$0x0], $0xffff  }
0x2d7: {  	v8 =	vor.u32 $0x9, v4;
	v1 =	vadd.f32 v3, v1  }
0x2d8: {  	v3 =	vld.idx.msk [tilespmem:v6+s21+$0x0], $0xffff  }
0x2d9: {  	v6 =	vor.u32 $0xA, v4;
	v1 =	vadd.f32 v2, v1  }
0x2da: {  	v2 =	vld.idx.msk [tilespmem:v7+s21+$0x0], $0xffff  }
0x2db: {  	v7 =	vor.u32 $0xB, v4;
	v1 =	vadd.f32 v5, v1  }
0x2dc: {  	v5 =	vld.idx.msk [tilespmem:v8+s21+$0x0], $0xffff  }
0x2dd: {  	v8 =	vor.u32 $0xC, v4;
	v1 =	vadd.f32 v3, v1  }
0x2de: {  	v3 =	vld.idx.msk [tilespmem:v6+s21+$0x0], $0xffff  }
0x2df: {  	v6 =	vor.u32 $0xD, v4;
	v1 =	vadd.f32 v2, v1  }
0x2e0: {  	v2 =	vld.idx.msk [tilespmem:v7+s21+$0x0], $0xffff  }
0x2e1: {  	v7 =	vor.u32 $0xE, v4;
	v1 =	vadd.f32 v5, v1  }
0x2e2: {  	v5 =	vld.idx.msk [tilespmem:v8+s21+$0x0], $0xffff  }
0x2e3: {  	v4 =	vor.u32 $0xF, v4;
	v1 =	vadd.f32 v3, v1  }
0x2e4: {  	v3 =	vld.idx.msk [tilespmem:v6+s21+$0x0], $0xffff  }
0x2e5: {  	v1 =	vadd.f32 v2, v1  }
0x2e6: {  	v2 =	vld.idx.msk [tilespmem:v7+s21+$0x0], $0xffff  }
0x2e7: {  	v1 =	vadd.f32 v5, v1  }
0x2e8: {  	v4 =	vld.idx.msk [tilespmem:v4+s21+$0x0], $0xffff  }
0x2e9: {  	v1 =	vadd.f32 v3, v1;
	_ =	sdelay $0x1  }
0x2ea: {  	v1 =	vadd.f32 v2, v1;
	_ =	sdelay $0x1  }
0x2eb: {  	v1 =	vadd.f32 v4, v1  }
0x2ec: {  	s0 =	sadd.s32 $0x10, s0  }
0x2ed: {  	[tilespmem:s0+$0x0] =	vst v1  }
0x2ee: {  	_ =	swait.ge [sflag:s23], $0x4000  }
0x2ef: {  	[sflag:s23] =	ssyncset.done $0x0  }
0x2f0: {  	[sflag:s23] =	ssyncadd.s32 $0xFFFFC000  }
0x2f1: {  	_ =	swait.ge [sflag:s23], $0x4000  }
0x2f2: {  	[sflag:s23] =	ssyncset.done $0x0  }
0x2f3: {  	s29 =	simm.s32 $0x0;
	[sflag:s23] =	ssyncadd.s32 $0xFFFFC000  }
0x2f4: {  	v1 =	vld [tilespmem:s29+$0xE3A0]  }
0x2f5: {  	v2 =	vld [tilespmem:s29+$0x6390]  }
0x2f6: {  	v3 =	vld [tilespmem:s29+$0x63A0]  }
0x2f7: {  	v4 =	vld [tilespmem:s29+$0xE380]  }
0x2f8: {  	v5 =	vld [tilespmem:s29+$0xE390]  }
0x2f9: {  	v6 =	vld [tilespmem:s29+$0xE370]  }
0x2fa: {  	v7 =	vld [tilespmem:s29+$0xE350]  }
0x2fb: {  	v8 =	vld [tilespmem:s29+$0x6380]  }
0x2fc: {  	v9 =	vld [tilespmem:s29+$0x6340]  }
0x2fd: {  	v10 =	vld [tilespmem:s29+$0x6370]  }
0x2fe: {  	v11 =	vld [tilespmem:s29+$0x6350]  }
0x2ff: {  	v12 =	vld [tilespmem:s29+$0xE340];
	_ =	sdelay $0x2  }
0x300: {  	v14 =	vld [tilespmem:s29+$0xE3B0];
	v2 =	vsub.bf16 v2, v5;
	v1 =	vsub.bf16 v3, v1  }
0x301: {  	v5 =	vld [tilespmem:s29+$0xE360];
	v4 =	vsub.bf16 v8, v4;
	v7 =	vsub.bf16 v11, v7  }
0x302: {  	v3 =	vld [tilespmem:s29+$0x6360];
	v9 =	vsub.bf16 v9, v12;
	v6 =	vsub.bf16 v10, v6  }
0x303: {  	v8 =	vld [tilespmem:s29+$0x63B0];
	v13 =	vand.u32 $0x7FFF7FFF, v2;
	v15 =	vand.u32 $0x7FFF7FFF, v1;
	v2 =	vunpack.i.u.bf16.f32 v2  }
0x304: {  	v1 =	vunpack.i.u.bf16.f32 v1;
	v11 =	vand.u32 $0x7FFF7FFF, v4;
	v12 =	vand.u32 $0x7FFF7FFF, v7  }
0x305: {  	v10 =	vand.u32 $0x7FFF7FFF, v9;
	v9 =	vunpack.i.u.bf16.f32 v9;
	v7 =	vunpack.i.u.bf16.f32 v7  }
0x306: {  	v4 =	vunpack.i.u.bf16.f32 v4;
	v13 =	vunpack.i.l.bf16.f32 v13;
	v15 =	vunpack.i.l.bf16.f32 v15  }
0x307: {  	v11 =	vunpack.i.l.bf16.f32 v11;
	v2 =	vadd.f32 v2, v13;
	v13 =	vadd.f32 v1, v15  }
0x308: {  	s30 =	simm.s32 $0x80;
	v3 =	vsub.bf16 v3, v5;
	v5 =	vunpack.i.l.bf16.f32 v10;
	v8 =	vsub.bf16 v8, v14  }
0x309: {  	v17 =	vld [tilespmem:s30+$0x63A0];
	v11 =	vadd.f32 v4, v11;
	v10 =	vunpack.i.l.bf16.f32 v12;
	v5 =	vadd.f32 v9, v5  }
0x30a: {  	v12 =	vld [tilespmem:s30+$0xE3A0];
	v9 =	vunpack.i.u.bf16.f32 v6;
	v7 =	vadd.f32 v7, v10;
	v10 =	vand.u32 $0x7FFF7FFF, v8  }
0x30b: {  	v14 =	vld [tilespmem:s30+$0x6390];
	v6 =	vand.u32 $0x7FFF7FFF, v6;
	v8 =	vunpack.i.u.bf16.f32 v8;
	v10 =	vunpack.i.l.bf16.f32 v10  }
0x30c: {  	v2 =	vmax.f32 v2, $0.0e+00;
	v16 =	vand.u32 $0x7FFF7FFF, v3;
	v8 =	vadd.f32 v8, v10;
	v10 =	vld [tilespmem:s30+$0xE390]  }
0x30d: {  	v18 =	vld [tilespmem:s30+$0xE380];
	v6 =	vunpack.i.l.bf16.f32 v6;
	v3 =	vunpack.i.u.bf16.f32 v3;
	v7 =	vmax.f32 v7, $0.0e+00  }
0x30e: {  	v19 =	vld [tilespmem:s30+$0xE350];
	v5 =	vmax.f32 v5, $0.0e+00;
	v6 =	vadd.f32 v9, v6;
	v16 =	vunpack.i.l.bf16.f32 v16  }
0x30f: {  	v15 =	vld [tilespmem:s30+$0x6380];
	v7 =	vmul.f32 v7, v7;
	v5 =	vmul.f32 v5, v5;
	v3 =	vadd.f32 v3, v16  }
0x310: {  	v20 =	vmul.f32 v2, v2;
	v9 =	vld [tilespmem:s30+$0xE370];
	v12 =	vsub.bf16 v17, v12;
	v6 =	vmax.f32 v6, $0.0e+00  }
0x311: {  	v16 =	vld [tilespmem:s30+$0x6370];
	v5 =	vadd.f32 v7, v5;
	v3 =	vmax.f32 v3, $0.0e+00;
	v7 =	vsub.bf16 v14, v10  }
0x312: {  	v17 =	vld [tilespmem:s30+$0xE340];
	v8 =	vmax.f32 v8, $0.0e+00;
	v21 =	vmul.f32 v6, v6;
	v14 =	vmul.f32 v3, v3  }
0x313: {  	v1 =	vmul.f32 v8, v8;
	v8 =	vld [tilespmem:s30+$0x6340];
	v4 =	vand.u32 $0x7FFF7FFF, v12;
	v2 =	vand.u32 $0x7FFF7FFF, v7  }
0x314: {  	v10 =	vld [tilespmem:s30+$0x6350];
	v14 =	vadd.f32 v14, v5;
	v6 =	vunpack.i.u.bf16.f32 v7;
	v5 =	vunpack.i.u.bf16.f32 v12  }
0x315: {  	v22 =	vld [tilespmem:s30+$0xE360];
	v7 =	vmax.f32 v11, $0.0e+00;
	v3 =	vunpack.i.l.bf16.f32 v2;
	v2 =	vunpack.i.l.bf16.f32 v4  }
0x316: {  	v23 =	vld [tilespmem:s30+$0x6360];
	v4 =	vsub.bf16 v15, v18;
	v15 =	vmul.f32 v7, v7;
	v12 =	vadd.f32 v21, v14  }
0x317: {  	v14 =	vsub.bf16 v16, v9;
	v9 =	vld [tilespmem:s30+$0xE3B0]  }
0x318: {  	v17 =	vsub.bf16 v8, v17;
	v18 =	vadd.f32 v15, v12;
	v12 =	vld [tilespmem:s30+$0x63B0]  }
0x319: {  	v11 =	vmax.f32 v13, $0.0e+00;
	v13 =	vsub.bf16 v10, v19;
	v10 =	vand.u32 $0x7FFF7FFF, v4  }
0x31a: {  	v8 =	vmul.f32 v11, v11;
	v16 =	vunpack.i.u.bf16.f32 v17;
	v7 =	vunpack.i.l.bf16.f32 v10  }
0x31b: {  	v15 =	vand.u32 $0x7FFF7FFF, v17;
	v10 =	vsub.bf16 v23, v22;
	v11 =	vand.u32 $0x7FFF7FFF, v13  }
0x31c: {  	s31 =	simm.s32 $0x0;
	s0 =	simm.s32 $0x400;
	v17 =	vunpack.i.l.bf16.f32 v15;
	v15 =	vunpack.i.l.bf16.f32 v11;
	v11 =	vadd.f32 v20, v18  }
.LBB2_14:
0x31d: {  	s1 =	sshra.s32 s0, $0x2;
	p0 =	sne.s32 s0, $0xFE00;
	s0 =	sadd.s32 $0x200, s0;
	v16 =	vadd.f32 v16, v17;
	v17 =	vunpack.i.u.bf16.f32 v14;
	v9 =	vsub.bf16 v12, v9  }
0x31e: {  	v13 =	vunpack.i.u.bf16.f32 v13;
	v14 =	vand.u32 $0x7FFF7FFF, v14;
	v12 =	vld [tilespmem:s1+$0xE3A0];
	v8 =	vadd.f32 v8, v11  }
0x31f: {  	v13 =	vadd.f32 v13, v15;
	v15 =	vand.u32 $0x7FFF7FFF, v10;
	v11 =	vld [tilespmem:s1+$0x6390];
	v18 =	vand.u32 $0x7FFF7FFF, v9  }
0x320: {  	v14 =	vunpack.i.l.bf16.f32 v14;
	v9 =	vunpack.i.u.bf16.f32 v9;
	v19 =	vld [tilespmem:s1+$0x63A0];
	v18 =	vunpack.i.l.bf16.f32 v18  }
0x321: {  	v13 =	vmax.f32 v13, $0.0e+00;
	v1 =	vadd.f32 v1, v8;
	v20 =	vld [tilespmem:s1+$0xE380];
	v9 =	vadd.f32 v9, v18  }
0x322: {  	v16 =	vmax.f32 v16, $0.0e+00;
	v14 =	vadd.f32 v17, v14;
	v13 =	vmul.f32 v13, v13;
	v8 =	vld [tilespmem:s1+$0xE390]  }
0x323: {  	v10 =	vunpack.i.u.bf16.f32 v10;
	v15 =	vunpack.i.l.bf16.f32 v15;
	v17 =	vld [tilespmem:s1+$0xE370];
	v9 =	vmax.f32 v9, $0.0e+00;
	[tilespmem:s29+$0x12340] =	vst v1;
	s29 =	smov.u32 s30;
	s30 =	smov.u32 s1  }
0x324: {  	v3 =	vadd.f32 v6, v3;
	v21 =	vadd.f32 v5, v2;
	v16 =	vmul.f32 v16, v16;
	v18 =	vld [tilespmem:s30+$0xE350]  }
0x325: {  	v2 =	vadd.f32 v10, v15;
	v1 =	vmul.f32 v9, v9;
	v5 =	vld [tilespmem:s30+$0x6380];
	v12 =	vsub.bf16 v19, v12  }
0x326: {  	v4 =	vunpack.i.u.bf16.f32 v4;
	v6 =	vadd.f32 v13, v16;
	v9 =	vmax.f32 v14, $0.0e+00;
	v10 =	vld [tilespmem:s30+$0x6340]  }
0x327: {  	v3 =	vmax.f32 v3, $0.0e+00;
	v2 =	vmax.f32 v2, $0.0e+00;
	v14 =	vld [tilespmem:s30+$0x6370];
	v8 =	vsub.bf16 v11, v8  }
0x328: {  	v7 =	vadd.f32 v4, v7;
	v13 =	vmul.f32 v2, v2;
	v19 =	vmul.f32 v3, v3;
	v11 =	vld [tilespmem:s30+$0x6350]  }
0x329: {  	v16 =	vmul.f32 v9, v9;
	v4 =	vand.u32 $0x7FFF7FFF, v12;
	v15 =	vld [tilespmem:s30+$0xE340];
	v2 =	vand.u32 $0x7FFF7FFF, v8  }
0x32a: {  	v13 =	vadd.f32 v13, v6;
	v22 =	vld [tilespmem:s30+$0xE360];
	v3 =	vunpack.i.l.bf16.f32 v2;
	v2 =	vunpack.i.l.bf16.f32 v4  }
0x32b: {  	v6 =	vunpack.i.u.bf16.f32 v8;
	v4 =	vsub.bf16 v5, v20;
	v5 =	vunpack.i.u.bf16.f32 v12;
	v23 =	vld [tilespmem:s30+$0x6360]  }
0x32c: {  	v7 =	vmax.f32 v7, $0.0e+00;
	v16 =	vadd.f32 v16, v13;
	v8 =	vmax.f32 v21, $0.0e+00;
	v9 =	vld [tilespmem:s30+$0xE3B0]  }
.Ltmp6:
0x32d: {  	v13 =	vsub.bf16 v11, v18;
	v11 =	vand.u32 $0x7FFF7FFF, v4;
	v12 =	vld [tilespmem:s30+$0x63B0];
	v18 =	vmul.f32 v7, v7;
	(pc) =	sbr.rel @p0 .LBB2_14-.Ltmp6, $4  }
0x32e: {  	v8 =	vmul.f32 v8, v8;
	v10 =	vsub.bf16 v10, v15;
	v7 =	vunpack.i.l.bf16.f32 v11  }
0x32f: {  	v14 =	vsub.bf16 v14, v17;
	v11 =	vand.u32 $0x7FFF7FFF, v13;
	v18 =	vadd.f32 v18, v16  }
0x330: {  	v15 =	vand.u32 $0x7FFF7FFF, v10;
	v16 =	vunpack.i.u.bf16.f32 v10;
	v10 =	vsub.bf16 v23, v22  }
0x331: {  	v17 =	vunpack.i.l.bf16.f32 v15;
	v15 =	vunpack.i.l.bf16.f32 v11;
	v11 =	vadd.f32 v19, v18  }
0x332: {  	v16 =	vadd.f32 v16, v17;
	v13 =	vunpack.i.u.bf16.f32 v13  }
0x333: {  	v52 =	vunpack.i.u.bf16.f32 v14;
	v53 =	vand.u32 $0x7FFF7FFF, v10;
	v13 =	vadd.f32 v13, v15  }
0x334: {  	v54 =	vand.u32 $0x7FFF7FFF, v14;
	v55 =	vunpack.i.u.bf16.f32 v10;
	v15 =	vunpack.i.l.bf16.f32 v53  }
0x335: {  	v16 =	vmax.f32 v16, $0.0e+00;
	v10 =	vadd.f32 v55, v15;
	v13 =	vmax.f32 v13, $0.0e+00  }
0x336: {  	v14 =	vunpack.i.l.bf16.f32 v54;
	v56 =	vmul.f32 v16, v16;
	v13 =	vmul.f32 v13, v13  }
0x337: {  	v14 =	vadd.f32 v52, v14;
	v10 =	vmax.f32 v10, $0.0e+00  }
0x338: {  	v4 =	vunpack.i.u.bf16.f32 v4;
	v10 =	vmul.f32 v10, v10;
	v13 =	vadd.f32 v13, v56  }
0x339: {  	v4 =	vadd.f32 v4, v7;
	v14 =	vmax.f32 v14, $0.0e+00  }
0x33a: {  	v57 =	vmul.f32 v14, v14;
	v10 =	vadd.f32 v10, v13  }
0x33b: {  	v3 =	vadd.f32 v6, v3;
	v7 =	vsub.bf16 v12, v9;
	v4 =	vmax.f32 v4, $0.0e+00  }
0x33c: {  	v2 =	vadd.f32 v5, v2;
	v4 =	vmul.f32 v4, v4;
	v9 =	vadd.f32 v57, v10  }
0x33d: {  	v3 =	vmax.f32 v3, $0.0e+00;
	v6 =	vand.u32 $0x7FFF7FFF, v7;
	v5 =	vunpack.i.u.bf16.f32 v7  }
0x33e: {  	v3 =	vmul.f32 v3, v3;
	v6 =	vunpack.i.l.bf16.f32 v6;
	v4 =	vadd.f32 v4, v9  }
0x33f: {  	v2 =	vmax.f32 v2, $0.0e+00;
	v5 =	vadd.f32 v5, v6  }
0x340: {  	v2 =	vmul.f32 v2, v2;
	v3 =	vadd.f32 v3, v4;
	v4 =	vmov s31  }
0x341: {  	v6 =	vadd.f32 v8, v11;
	v5 =	vmax.f32 v5, $0.0e+00;
	v4 =	vshll.u32 v4, $0x7  }
0x342: {  	v5 =	vmul.f32 v5, v5;
	v2 =	vadd.f32 v2, v3;
	v3 =	vor.u32 v0, v4  }
0x343: {  	v1 =	vadd.f32 v1, v6  }
0x344: {  	v4 =	vor.u32 $0x1, v3;
	v2 =	vadd.f32 v5, v2  }
0x345: {  	[tilespmem:s29+$0x12340] =	vst v1  }
0x346: {  	v1 =	vor.u32 $0x2, v3;
	[tilespmem:s30+$0x12340] =	vst v2  }
0x347: {  	v2 =	vld.idx.msk [tilespmem:v3+s21+$0x0], $0xffff  }
0x348: {  	v5 =	vor.u32 $0x3, v3  }
0x349: {  	v4 =	vld.idx.msk [tilespmem:v4+s21+$0x0], $0xffff  }
0x34a: {  	v6 =	vor.u32 $0x4, v3  }
0x34b: {  	v1 =	vld.idx.msk [tilespmem:v1+s21+$0x0], $0xffff  }
0x34c: {  	v7 =	vor.u32 $0x5, v3;
	v2 =	vadd.f32 $0.0e+00, v2  }
0x34d: {  	v5 =	vld.idx.msk [tilespmem:v5+s21+$0x0], $0xffff  }
0x34e: {  	v58 =	vor.u32 $0x6, v3;
	v2 =	vadd.f32 v4, v2  }
0x34f: {  	v4 =	vld.idx.msk [tilespmem:v6+s21+$0x0], $0xffff  }
0x350: {  	v6 =	vor.u32 $0x7, v3;
	v1 =	vadd.f32 v1, v2  }
0x351: {  	v2 =	vld.idx.msk [tilespmem:v7+s21+$0x0], $0xffff  }
0x352: {  	v7 =	vor.u32 $0x8, v3;
	v1 =	vadd.f32 v5, v1  }
0x353: {  	v5 =	vld.idx.msk [tilespmem:v58+s21+$0x0], $0xffff  }
0x354: {  	v59 =	vor.u32 $0x9, v3;
	v1 =	vadd.f32 v4, v1  }
0x355: {  	v4 =	vld.idx.msk [tilespmem:v6+s21+$0x0], $0xffff  }
0x356: {  	v6 =	vor.u32 $0xA, v3;
	v1 =	vadd.f32 v2, v1  }
0x357: {  	v2 =	vld.idx.msk [tilespmem:v7+s21+$0x0], $0xffff  }
0x358: {  	v7 =	vor.u32 $0xB, v3;
	v1 =	vadd.f32 v5, v1  }
0x359: {  	v5 =	vld.idx.msk [tilespmem:v59+s21+$0x0], $0xffff  }
0x35a: {  	v60 =	vor.u32 $0xC, v3;
	v1 =	vadd.f32 v4, v1  }
0x35b: {  	v4 =	vld.idx.msk [tilespmem:v6+s21+$0x0], $0xffff  }
0x35c: {  	v6 =	vor.u32 $0xD, v3;
	v1 =	vadd.f32 v2, v1  }
0x35d: {  	v2 =	vld.idx.msk [tilespmem:v7+s21+$0x0], $0xffff  }
0x35e: {  	v7 =	vor.u32 $0xE, v3;
	v1 =	vadd.f32 v5, v1  }
0x35f: {  	v5 =	vld.idx.msk [tilespmem:v60+s21+$0x0], $0xffff  }
0x360: {  	v3 =	vor.u32 $0xF, v3;
	v1 =	vadd.f32 v4, v1  }
0x361: {  	v4 =	vld.idx.msk [tilespmem:v6+s21+$0x0], $0xffff  }
0x362: {  	v1 =	vadd.f32 v2, v1  }
0x363: {  	v2 =	vld.idx.msk [tilespmem:v7+s21+$0x0], $0xffff  }
0x364: {  	v1 =	vadd.f32 v5, v1  }
0x365: {  	s0 =	simm.s32 $0x10;
	v3 =	vld.idx.msk [tilespmem:v3+s21+$0x0], $0xffff  }
0x366: {  	v5 =	vmov s0;
	v1 =	vadd.f32 v4, v1  }
0x367: {  	v4 =	vshll.u32 v5, $0x7  }
0x368: {  	v4 =	vor.u32 v0, v4;
	v1 =	vadd.f32 v2, v1;
	_ =	sdelay $0x1  }
0x369: {  	v2 =	vor.u32 $0x1, v4;
	v1 =	vadd.f32 v3, v1  }
0x36a: {  	s29 =	simm.s32 $0x164C0  }
0x36b: {  	v3 =	vor.u32 $0x2, v4;
	[tilespmem:s29+$0x0] =	vst v1  }
0x36c: {  	v1 =	vld.idx.msk [tilespmem:v4+s21+$0x0], $0xffff  }
0x36d: {  	v5 =	vor.u32 $0x3, v4  }
0x36e: {  	v2 =	vld.idx.msk [tilespmem:v2+s21+$0x0], $0xffff  }
0x36f: {  	v6 =	vor.u32 $0x4, v4  }
0x370: {  	v3 =	vld.idx.msk [tilespmem:v3+s21+$0x0], $0xffff  }
0x371: {  	v7 =	vor.u32 $0x5, v4;
	v1 =	vadd.f32 $0.0e+00, v1  }
0x372: {  	v5 =	vld.idx.msk [tilespmem:v5+s21+$0x0], $0xffff  }
0x373: {  	v61 =	vor.u32 $0x6, v4;
	v1 =	vadd.f32 v2, v1  }
0x374: {  	v2 =	vld.idx.msk [tilespmem:v6+s21+$0x0], $0xffff  }
0x375: {  	v6 =	vor.u32 $0x7, v4;
	v1 =	vadd.f32 v3, v1  }
0x376: {  	v3 =	vld.idx.msk [tilespmem:v7+s21+$0x0], $0xffff  }
0x377: {  	v7 =	vor.u32 $0x8, v4;
	v1 =	vadd.f32 v5, v1  }
0x378: {  	v5 =	vld.idx.msk [tilespmem:v61+s21+$0x0], $0xffff  }
0x379: {  	v62 =	vor.u32 $0x9, v4;
	v1 =	vadd.f32 v2, v1  }
0x37a: {  	v2 =	vld.idx.msk [tilespmem:v6+s21+$0x0], $0xffff  }
0x37b: {  	v6 =	vor.u32 $0xA, v4;
	v1 =	vadd.f32 v3, v1  }
0x37c: {  	v3 =	vld.idx.msk [tilespmem:v7+s21+$0x0], $0xffff  }
0x37d: {  	v7 =	vor.u32 $0xB, v4;
	v1 =	vadd.f32 v5, v1  }
0x37e: {  	v5 =	vld.idx.msk [tilespmem:v62+s21+$0x0], $0xffff  }
0x37f: {  	v63 =	vor.u32 $0xC, v4;
	v1 =	vadd.f32 v2, v1  }
0x380: {  	v2 =	vld.idx.msk [tilespmem:v6+s21+$0x0], $0xffff  }
0x381: {  	v6 =	vor.u32 $0xD, v4;
	v1 =	vadd.f32 v3, v1  }
0x382: {  	v3 =	vld.idx.msk [tilespmem:v7+s21+$0x0], $0xffff  }
0x383: {  	v7 =	vor.u32 $0xE, v4;
	v1 =	vadd.f32 v5, v1  }
0x384: {  	v5 =	vld.idx.msk [tilespmem:v63+s21+$0x0], $0xffff  }
0x385: {  	v4 =	vor.u32 $0xF, v4;
	v1 =	vadd.f32 v2, v1  }
0x386: {  	v6 =	vld.idx.msk [tilespmem:v6+s21+$0x0], $0xffff  }
0x387: {  	v1 =	vadd.f32 v3, v1  }
0x388: {  	v2 =	vld.idx.msk [tilespmem:v7+s21+$0x0], $0xffff  }
0x389: {  	v3 =	vadd.f32 v5, v1  }
0x38a: {  	s31 =	simm.s32 $0x20;
	v1 =	vld.idx.msk [tilespmem:v4+s21+$0x0], $0xffff  }
0x38b: {  	s0 =	simm.s32 $0x30;
	v4 =	vmov s31;
	v3 =	vadd.f32 v6, v3  }
.LBB2_16:
0x38c: {  	p0 =	sne.s32 s0, $0x70;
	v4 =	vshll.u32 v4, $0x7  }
0x38d: {  	v4 =	vor.u32 v0, v4;
	v2 =	vadd.f32 v2, v3;
	_ =	sdelay $0x1  }
0x38e: {  	v3 =	vor.u32 $0x1, v4;
	v1 =	vadd.f32 v1, v2  }
0x38f: {  	s29 =	sadd.s32 $0x10, s29  }
0x390: {  	v2 =	vor.u32 $0x2, v4;
	[tilespmem:s29+$0x0] =	vst v1  }
0x391: {  	v1 =	vld.idx.msk [tilespmem:v4+s21+$0x0], $0xffff  }
0x392: {  	v5 =	vor.u32 $0x3, v4  }
0x393: {  	v3 =	vld.idx.msk [tilespmem:v3+s21+$0x0], $0xffff  }
0x394: {  	v6 =	vor.u32 $0x4, v4  }
0x395: {  	v2 =	vld.idx.msk [tilespmem:v2+s21+$0x0], $0xffff  }
0x396: {  	v7 =	vor.u32 $0x5, v4  }
0x397: {  	v1 =	vadd.f32 $0.0e+00, v1;
	v5 =	vld.idx.msk [tilespmem:v5+s21+$0x0], $0xffff  }
0x398: {  	v8 =	vor.u32 $0x6, v4  }
0x399: {  	v1 =	vadd.f32 v3, v1;
	v3 =	vld.idx.msk [tilespmem:v6+s21+$0x0], $0xffff  }
0x39a: {  	v6 =	vor.u32 $0x7, v4  }
0x39b: {  	v1 =	vadd.f32 v2, v1;
	v2 =	vld.idx.msk [tilespmem:v7+s21+$0x0], $0xffff  }
0x39c: {  	v7 =	vor.u32 $0x8, v4  }
0x39d: {  	v1 =	vadd.f32 v5, v1;
	v5 =	vld.idx.msk [tilespmem:v8+s21+$0x0], $0xffff  }
0x39e: {  	v8 =	vor.u32 $0x9, v4  }
0x39f: {  	v1 =	vadd.f32 v3, v1;
	v3 =	vld.idx.msk [tilespmem:v6+s21+$0x0], $0xffff  }
0x3a0: {  	v6 =	vor.u32 $0xA, v4  }
0x3a1: {  	v1 =	vadd.f32 v2, v1;
	v2 =	vld.idx.msk [tilespmem:v7+s21+$0x0], $0xffff  }
0x3a2: {  	v7 =	vor.u32 $0xB, v4  }
0x3a3: {  	v1 =	vadd.f32 v5, v1;
	v5 =	vld.idx.msk [tilespmem:v8+s21+$0x0], $0xffff  }
0x3a4: {  	v8 =	vor.u32 $0xC, v4  }
0x3a5: {  	v1 =	vadd.f32 v3, v1;
	v3 =	vld.idx.msk [tilespmem:v6+s21+$0x0], $0xffff  }
0x3a6: {  	v6 =	vor.u32 $0xD, v4  }
0x3a7: {  	v1 =	vadd.f32 v2, v1;
	v2 =	vld.idx.msk [tilespmem:v7+s21+$0x0], $0xffff  }
0x3a8: {  	v7 =	vor.u32 $0xE, v4  }
0x3a9: {  	v1 =	vadd.f32 v5, v1;
	v5 =	vld.idx.msk [tilespmem:v8+s21+$0x0], $0xffff  }
0x3aa: {  	v4 =	vor.u32 $0xF, v4  }
0x3ab: {  	v1 =	vadd.f32 v3, v1;
	v3 =	vld.idx.msk [tilespmem:v6+s21+$0x0], $0xffff;
	_ =	sdelay $0x1  }
.Ltmp7:
0x3ac: {  	v1 =	vadd.f32 v2, v1;
	v2 =	vld.idx.msk [tilespmem:v7+s21+$0x0], $0xffff;
	(pc) =	sbr.rel @p0 .LBB2_16-.Ltmp7, $3  }
0x3ad: {  	_ = 	snop  }
0x3ae: {  	v5 =	vadd.f32 v5, v1;
	v1 =	vld.idx.msk [tilespmem:v4+s21+$0x0], $0xffff;
	_ =	sdelay $0x1  }
0x3af: {  	v4 =	vmov s0;
	s0 =	sadd.s32 $0x10, s0;
	v3 =	vadd.f32 v3, v5  }
0x3b0: {  	v4 =	vshll.u32 v4, $0x7  }
0x3b1: {  	v4 =	vor.u32 v0, v4;
	v2 =	vadd.f32 v2, v3;
	_ =	sdelay $0x1  }
0x3b2: {  	v3 =	vor.u32 $0x1, v4;
	v1 =	vadd.f32 v1, v2  }
0x3b3: {  	s0 =	sadd.s32 $0x10, s29  }
0x3b4: {  	v2 =	vor.u32 $0x2, v4;
	[tilespmem:s0+$0x0] =	vst v1  }
0x3b5: {  	v1 =	vld.idx.msk [tilespmem:v4+s21+$0x0], $0xffff  }
0x3b6: {  	v5 =	vor.u32 $0x3, v4  }
0x3b7: {  	v3 =	vld.idx.msk [tilespmem:v3+s21+$0x0], $0xffff  }
0x3b8: {  	v6 =	vor.u32 $0x4, v4  }
0x3b9: {  	v2 =	vld.idx.msk [tilespmem:v2+s21+$0x0], $0xffff  }
0x3ba: {  	v7 =	vor.u32 $0x5, v4;
	v1 =	vadd.f32 $0.0e+00, v1  }
0x3bb: {  	v5 =	vld.idx.msk [tilespmem:v5+s21+$0x0], $0xffff  }
0x3bc: {  	v8 =	vor.u32 $0x6, v4;
	v1 =	vadd.f32 v3, v1  }
0x3bd: {  	v3 =	vld.idx.msk [tilespmem:v6+s21+$0x0], $0xffff  }
0x3be: {  	v53 =	vor.u32 $0x7, v4;
	v1 =	vadd.f32 v2, v1  }
0x3bf: {  	v2 =	vld.idx.msk [tilespmem:v7+s21+$0x0], $0xffff  }
0x3c0: {  	v54 =	vor.u32 $0x8, v4;
	v1 =	vadd.f32 v5, v1  }
0x3c1: {  	v55 =	vld.idx.msk [tilespmem:v8+s21+$0x0], $0xffff  }
0x3c2: {  	v56 =	vor.u32 $0x9, v4;
	v1 =	vadd.f32 v3, v1  }
0x3c3: {  	v3 =	vld.idx.msk [tilespmem:v53+s21+$0x0], $0xffff  }
0x3c4: {  	v57 =	vor.u32 $0xA, v4;
	v1 =	vadd.f32 v2, v1  }
0x3c5: {  	v2 =	vld.idx.msk [tilespmem:v54+s21+$0x0], $0xffff  }
0x3c6: {  	v58 =	vor.u32 $0xB, v4;
	v1 =	vadd.f32 v55, v1  }
0x3c7: {  	v59 =	vld.idx.msk [tilespmem:v56+s21+$0x0], $0xffff  }
0x3c8: {  	v60 =	vor.u32 $0xC, v4;
	v1 =	vadd.f32 v3, v1  }
0x3c9: {  	v3 =	vld.idx.msk [tilespmem:v57+s21+$0x0], $0xffff  }
0x3ca: {  	v61 =	vor.u32 $0xD, v4;
	v1 =	vadd.f32 v2, v1  }
0x3cb: {  	v2 =	vld.idx.msk [tilespmem:v58+s21+$0x0], $0xffff  }
0x3cc: {  	v62 =	vor.u32 $0xE, v4;
	v1 =	vadd.f32 v59, v1  }
0x3cd: {  	v63 =	vld.idx.msk [tilespmem:v60+s21+$0x0], $0xffff  }
0x3ce: {  	v4 =	vor.u32 $0xF, v4;
	v1 =	vadd.f32 v3, v1  }
0x3cf: {  	v3 =	vld.idx.msk [tilespmem:v61+s21+$0x0], $0xffff  }
0x3d0: {  	v1 =	vadd.f32 v2, v1  }
0x3d1: {  	v2 =	vld.idx.msk [tilespmem:v62+s21+$0x0], $0xffff  }
0x3d2: {  	v1 =	vadd.f32 v63, v1  }
0x3d3: {  	v4 =	vld.idx.msk [tilespmem:v4+s21+$0x0], $0xffff  }
0x3d4: {  	v1 =	vadd.f32 v3, v1;
	_ =	sdelay $0x1  }
0x3d5: {  	v1 =	vadd.f32 v2, v1;
	_ =	sdelay $0x1  }
0x3d6: {  	v1 =	vadd.f32 v4, v1  }
0x3d7: {  	s0 =	sadd.s32 $0x10, s0  }
0x3d8: {  	s29 =	simm.s32 $0x40;
	[tilespmem:s0+$0x0] =	vst v1;
	s0 =	simm.s32 $0x0  }
.LBB2_18:
0x3d9: {  	p0 =	sne.s32 s29, $0x7C0;
	v1 =	vld [tilespmem:s0+$0x16340];
	_ =	sdelay $0x4  }
0x3da: {  	v2 =	vshrl.u32 v1, $0x1  }
0x3db: {  	v2 =	vadd.s32 $0x1FBD1DF6, v2  }
0x3dc: {  	(erf) = vrcp.f32 v2;
	_ =	sdelay $0x8  }
0x3dd: {  	v3 =	vpop (erf)  }
0x3de: {  	v3 =	vmul.f32 v3, v1;
	_ =	sdelay $0x1  }
0x3df: {  	v2 =	vadd.f32 v2, v3;
	_ =	sdelay $0x1  }
0x3e0: {  	v2 =	vmul.f32 $5.000000000e-01, v2;
	_ =	sdelay $0x1  }
0x3e1: {  	(erf) = vrcp.f32 v2;
	_ =	sdelay $0x8  }
0x3e2: {  	v3 =	vpop (erf)  }
0x3e3: {  	v3 =	vmul.f32 v3, v1;
	_ =	sdelay $0x1  }
0x3e4: {  	v2 =	vadd.f32 v3, v2;
	_ =	sdelay $0x1  }
0x3e5: {  	v2 =	vmul.f32 $5.000000000e-01, v2;
	_ =	sdelay $0x1  }
0x3e6: {  	(erf) = vrcp.f32 v2;
	_ =	sdelay $0x8  }
0x3e7: {  	v3 =	vpop (erf)  }
0x3e8: {  	v3 =	vmul.f32 v3, v1;
	_ =	sdelay $0x1  }
0x3e9: {  	v2 =	vadd.f32 v3, v2  }
.Ltmp8:
0x3ea: {  	(pc) =	sbr.rel @p0 .LBB2_18-.Ltmp8, $4  }
0x3eb: {  	v2 =	vmul.f32 $5.000000000e-01, v2  }
0x3ec: {  	vm0 =	vgt.f32 v1, $0.0e+00  }
0x3ed: {  	v1 =	vnsel vm0, $0x0, v2  }
0x3ee: {  	[tilespmem:s0+$0x16340] =	vst v1;
	s0 =	sshra.s32 s29, $0x2;
	s29 =	sadd.s32 $0x40, s29  }
0x3ef: {  	v1 =	vld [tilespmem:s0+$0x16340];
	_ =	sdelay $0x4  }
0x3f0: {  	v2 =	vshrl.u32 v1, $0x1  }
0x3f1: {  	v2 =	vadd.s32 $0x1FBD1DF6, v2  }
0x3f2: {  	(erf) = vrcp.f32 v2;
	_ =	sdelay $0x8  }
0x3f3: {  	v3 =	vpop (erf)  }
0x3f4: {  	v3 =	vmul.f32 v3, v1;
	_ =	sdelay $0x1  }
0x3f5: {  	v2 =	vadd.f32 v2, v3;
	_ =	sdelay $0x1  }
0x3f6: {  	v2 =	vmul.f32 $5.000000000e-01, v2;
	_ =	sdelay $0x1  }
0x3f7: {  	(erf) = vrcp.f32 v2;
	_ =	sdelay $0x8  }
0x3f8: {  	v3 =	vpop (erf)  }
0x3f9: {  	v3 =	vmul.f32 v3, v1;
	_ =	sdelay $0x1  }
0x3fa: {  	v2 =	vadd.f32 v3, v2;
	_ =	sdelay $0x1  }
0x3fb: {  	v2 =	vmul.f32 $5.000000000e-01, v2;
	_ =	sdelay $0x1  }
0x3fc: {  	(erf) = vrcp.f32 v2;
	_ =	sdelay $0x8  }
0x3fd: {  	v3 =	vpop (erf)  }
0x3fe: {  	v3 =	vmul.f32 v3, v1;
	_ =	sdelay $0x1  }
0x3ff: {  	v2 =	vadd.f32 v3, v2;
	_ =	sdelay $0x1  }
0x400: {  	v2 =	vmul.f32 $5.000000000e-01, v2  }
0x401: {  	s28 =	sadd.s32 $0x1, s28;
	vm0 =	vgt.f32 v1, $0.0e+00  }
0x402: {  	p0 =	sne.s32 s28, s9;
	v1 =	vnsel vm0, $0x0, v2  }
.Ltmp9:
0x403: {  	[tilespmem:s0+$0x16340] =	vst v1;
	(pc) =	sbr.rel @p0 .LBB2_1-.Ltmp9, $4  }
0x404: {  	[hbm4b:s8+s3] =	stream.linear.scatter [tilespmem:s26], [sflag:$0x3], $0x200, $0x38;
	[tilespmem:$0x16540] =	vst v63  }
0x405: {  	_ =	swait.ge [sflag:s11], $0x200  }
0x406: {  	[sflag:s11] =	ssyncset.done $0x0  }
0x407: {  	[sflag:s11] =	ssyncadd.s32 $0xFFFFFE00  }
0x408: {  	_ =	sfence.sel $0x180000  }
0x409: {  	[bflag:$0x0] =	sbarrier.arrive $0xFFFF  }
0x40a: {  	_ =	strace $0x90000047  }
0x40b: {  	s0 =	stileid.u32;
	[bflag:$0x2] =	sbarrier.arrive $0xFFFF  }
0x40c: {  	p0 =	sne.s32 s0, $0x0;
	s0 =	rddreg [dreg:$0x4]  }
0x40d: {  	s0 =	sadd.s32 @!p0 $0x100000, s0  }
0x40e: {  	[sflag:s0] =	ssyncadd.tile.s32 @!p0 $0x1;
	_ =	shalt  }
.Lfunc_end2:
_tile_overlayer_lowered:
.L_overlay_start_2:
0x40f: {  	(tag) =	ssettag $0x2  }
0x410: {  	s0 =	rddreg [dreg:$0x0];
	s2 =	stileid.u32  }
0x411: {  	s1 =	rddreg [dreg:$0x1];
	p0 =	sne.s32 s2, $0x0  }
0x412: {  	s3 =	rddreg [dreg:$0x2];
	[bflag:$0x3] =	sbarrier.arrive $0xFFFF;
	s2 =	simm.s32 @!p0 $0x1C03  }
0x413: {  	[timem:s3], [sflag:s2] =	dma.local @!p0 [hbm:s0], s1  }
0x414: {  	s0 =	simm.s32 @!p0 $0x3  }
0x415: {  	_ =	swait.ge @!p0 [sflag:s0], s1  }
0x416: {  	s1 =	ssub.s32 @!p0 $0x0, s1;
	[sflag:s0] =	ssyncset.done @!p0 $0x0  }
0x417: {  	[sflag:s0] =	ssyncadd.s32 @!p0 s1  }
0x418: {  	[bflag:$0x3] =	sbarrier.arrive $0xFFFF  }
0x419: {  	_ =	shalt  }

</sc_bundles>
